<compile_context>
chip_gen: v7x
topology: tpu7x:2x2x1
jax: 0.10.2.dev20260603
libtpu: 0.0.44.dev20260713+nightly
codegen_flags: <defaults>
</compile_context>

<pallas_src>
import functools

import jax
import jax.numpy as jnp
from jax import lax
from jax.experimental import pallas as pl
from jax.experimental.pallas import tpu as pltpu
from jax.experimental.pallas import tpu_sc as plsc

_D = 128
_B = 4096
_S = 50
_LE = 20
_NW = 32
_CHUNK = 128

_NTEXT = _B * _S
_EB_W = _B // _NW
_NROWS = _NTEXT + _B
_TCH = 25
_TROWS_W = _NTEXT // 2 // _NW


def _sc_gather(table, tidx3, eidx3):
    mesh = plsc.VectorSubcoreMesh(core_axis_name="c", subcore_axis_name="s")

    @functools.partial(
        pl.kernel,
        mesh=mesh,
        out_type=jax.ShapeDtypeStruct((_NROWS // 2, 2 * _D), jnp.float32),
        scratch_types=[
            pltpu.VMEM((2 * _TCH, _CHUNK), jnp.int32),
            pltpu.VMEM((_LE, _EB_W), jnp.int32),
            pltpu.VMEM((_CHUNK, 2 * _D), jnp.float32),
            pltpu.VMEM((_CHUNK, 2 * _D), jnp.float32),
            pltpu.VMEM((_EB_W // 2, _D), jnp.float32),
            pltpu.VMEM((_EB_W // 2, _D), jnp.float32),
            pltpu.SemaphoreType.DMA,
            pltpu.SemaphoreType.DMA,
            pltpu.SemaphoreType.DMA,
            pltpu.SemaphoreType.DMA,
            pltpu.SemaphoreType.DMA,
        ],
    )
    def gather_kernel(table_hbm, tidx_hbm, eidx_hbm, out_hbm,
                      idx_v, eidx_v, buf0, buf1, acc_l, acc_r,
                      g0, g1, s0, s1, es):
        wid = lax.axis_index("s") * 2 + lax.axis_index("c")
        tbase = wid * _TROWS_W

        pltpu.sync_copy(tidx_hbm.at[wid], idx_v)
        pltpu.sync_copy(eidx_hbm.at[:, pl.ds(wid * _EB_W, _EB_W)], eidx_v)

        d_el = pltpu.async_copy(table_hbm.at[eidx_v.at[0, pl.ds(0, 64)]],
                                acc_l, es)
        d_er = pltpu.async_copy(table_hbm.at[eidx_v.at[0, pl.ds(64, 64)]],
                                acc_r, es)

        def fire_gathers(j, buf, sem):
            pltpu.async_copy(table_hbm.at[idx_v.at[2 * j]],
                             buf.at[:, 0:_D], sem)
            pltpu.async_copy(table_hbm.at[idx_v.at[2 * j + 1]],
                             buf.at[:, _D:2 * _D], sem)

        def wait_gathers(buf, sem):
            pltpu.make_async_copy(table_hbm.at[idx_v.at[0]],
                                  buf.at[:, 0:_D], sem).wait()
            pltpu.make_async_copy(table_hbm.at[idx_v.at[0]],
                                  buf.at[:, _D:2 * _D], sem).wait()

        fire_gathers(0, buf0, g0)
        fire_gathers(1, buf1, g1)

        d_el.wait()
        d_er.wait()
        eadds = []
        for l in range(1, _LE):
            eadds.append(pltpu.async_copy(
                table_hbm.at[eidx_v.at[l, pl.ds(0, 64)]],
                acc_l, es, add=True))
            eadds.append(pltpu.async_copy(
                table_hbm.at[eidx_v.at[l, pl.ds(64, 64)]],
                acc_r, es, add=True))

        def slot(j, buf, gsem, ssem, fire_next):
            wait_gathers(buf, gsem)
            pltpu.async_copy(
                buf, out_hbm.at[pl.ds(tbase + j * _CHUNK, _CHUNK)],
                ssem).wait()
            if fire_next:
                @pl.when(j + 2 <= _TCH - 1)
                def _():
                    fire_gathers(j + 2, buf, gsem)

        def tloop(jj, carry):
            slot(2 * jj, buf0, g0, s0, fire_next=True)
            slot(2 * jj + 1, buf1, g1, s1, fire_next=True)
            return carry

        lax.fori_loop(0, (_TCH - 1) // 2, tloop, 0)
        slot(_TCH - 1, buf0, g0, s0, fire_next=False)

        for d in eadds:
            d.wait()
        erow = _NTEXT // 2 + wid * (_EB_W // 2)
        pltpu.sync_copy(acc_l, out_hbm.at[pl.ds(erow, _EB_W // 2),
                                          pl.ds(0, _D)])
        pltpu.sync_copy(acc_r, out_hbm.at[pl.ds(erow, _EB_W // 2),
                                          pl.ds(_D, _D)])

    return gather_kernel(table, tidx3, eidx3)


def _leaky(x):
    return jnp.maximum(x, 0.01 * x)


def _mlp_math(x, w1_ref, b1_ref, w2_ref, b2_ref, w3_ref, b3_ref):
    h = _leaky(jnp.dot(x, w1_ref[...], preferred_element_type=jnp.float32)
               + b1_ref[...])
    h = _leaky(jnp.dot(h, w2_ref[...], preferred_element_type=jnp.float32)
               + b2_ref[...])
    h = _leaky(jnp.dot(h, w3_ref[...], preferred_element_type=jnp.float32)
               + b3_ref[...])
    return h


def _mlp_text_body(x_ref, w1_ref, b1_ref, w2_ref, b2_ref, w3_ref, b3_ref,
                   o_ref):
    h = _mlp_math(x_ref[...], w1_ref, b1_ref, w2_ref, b2_ref, w3_ref, b3_ref)
    h3 = h.reshape(_TCH, _CHUNK, 256)
    o = jnp.concatenate([h3[:, None, :, 0:30], h3[:, None, :, 128:158]],
                        axis=1)
    o_ref[...] = o.reshape(_TB, _S, 30)


def _mlp_emo_body(x_ref, w1_ref, b1_ref, w2_ref, b2_ref, w3_ref, b3_ref,
                  o_ref):
    h = _mlp_math(x_ref[...], w1_ref, b1_ref, w2_ref, b2_ref, w3_ref, b3_ref)
    h3 = h.reshape(_NW, _EB_W // 2, 256)
    o = jnp.concatenate([h3[:, None, :, 0:30], h3[:, None, :, 128:158]],
                        axis=1)
    o_ref[...] = o.reshape(_B, 1, 30)


_TB = 128
_TBLK2 = _TB * _S // 2


def _tc_mlp_text(rows2, w1d, b1d, w2d, b2d, w3d, b3d):
    wspec = pl.BlockSpec((256, 256), lambda i: (0, 0))
    bspec = pl.BlockSpec((1, 256), lambda i: (0, 0))
    return pl.pallas_call(
        _mlp_text_body,
        grid=(_B // _TB,),
        in_specs=[
            pl.BlockSpec((_TBLK2, 256), lambda i: (i, 0)),
            wspec, bspec, wspec, bspec, wspec, bspec,
        ],
        out_specs=pl.BlockSpec((_TB, _S, 30), lambda i: (i, 0, 0)),
        out_shape=jax.ShapeDtypeStruct((_B, _S, 30), jnp.float32),
    )(rows2, w1d, b1d, w2d, b2d, w3d, b3d)


def _tc_mlp_emo(rows2, w1d, b1d, w2d, b2d, w3d, b3d):
    wspec = pl.BlockSpec((256, 256), lambda i: (0, 0))
    bspec = pl.BlockSpec((1, 256), lambda i: (0, 0))
    emo_start = _NTEXT // _B
    return pl.pallas_call(
        _mlp_emo_body,
        grid=(1,),
        in_specs=[
            pl.BlockSpec((_B // 2, 256), lambda i: (emo_start, 0)),
            wspec, bspec, wspec, bspec, wspec, bspec,
        ],
        out_specs=pl.BlockSpec((_B, 1, 30), lambda i: (0, 0, 0)),
        out_shape=jax.ShapeDtypeStruct((_B, 1, 30), jnp.float32),
    )(rows2, w1d, b1d, w2d, b2d, w3d, b3d)


def _blockdiag(w, fan_in, fan_out):
    wp = jnp.zeros((_D, _D), jnp.float32).at[:fan_in, :fan_out].set(w)
    wd = jnp.zeros((256, 256), jnp.float32)
    return wd.at[:_D, :_D].set(wp).at[_D:, _D:].set(wp)


def kernel(textC, emoC, tableC, W1, b1, W2, b2, W3, b3):
    textC = textC.astype(jnp.int32)
    emoC = emoC.astype(jnp.int32)

    tidx3 = textC.reshape(_NW, 2 * _TCH, _CHUNK)
    eidxT = emoC.T

    rows2 = _sc_gather(tableC, tidx3, eidxT)

    w1d = _blockdiag(W1, _D, 100)
    w2d = _blockdiag(W2, 100, 60)
    w3d = _blockdiag(W3, 60, 30)

    def bpad(b, width):
        bp = jnp.zeros((1, _D), jnp.float32).at[0, :width].set(b)
        return jnp.concatenate([bp, bp], axis=1)

    b1d = bpad(b1, 100)
    b2d = bpad(b2, 60)
    b3d = bpad(b3, 30)

    outputsC = _tc_mlp_text(rows2, w1d, b1d, w2d, b2d, w3d, b3d)
    emo_out = _tc_mlp_emo(rows2, w1d, b1d, w2d, b2d, w3d, b3d)
    return (outputsC, emo_out)

# --- scband reference (transcript-rebuilt; emitter-appended) ---
"""Pipeline reference for scband-feature-extractor-9775345566024 (READ-ONLY COPY).

The authoritative reference and input builder live on the scoring server;
editing this copy changes nothing except your own understanding.
"""

import jax, jax.numpy as jnp
import numpy as np

EMBED_DIM = 128
VOCAB_C = 1000000
B = 4096
S = 50
L_EMO = 20
H1, H3, H2 = 100, 60, 30


def _leaky_relu(x):
    return jnp.where(x >= 0, x, 0.01 * x)


def setup_inputs(seed: int = 0) -> dict:
    key = jax.random.key(seed)
    ks = jax.random.split(key, 10)
    textC = jax.random.randint(ks[0], (B, S), 0, VOCAB_C, dtype=jnp.int64 if jax.config.jax_enable_x64 else jnp.int32)
    emoC = jax.random.randint(ks[1], (B, L_EMO), 0, VOCAB_C, dtype=jnp.int64 if jax.config.jax_enable_x64 else jnp.int32)
    tableC = jax.random.normal(ks[2], (VOCAB_C, EMBED_DIM), dtype=jnp.float32) * 0.02
    def xavier(k, fan_in, fan_out):
        std = (2.0 / (fan_in + fan_out)) ** 0.5
        return jax.random.normal(k, (fan_in, fan_out), dtype=jnp.float32) * std
    W1 = xavier(ks[3], EMBED_DIM, H1)
    b1 = jnp.full((H1,), -0.1, dtype=jnp.float32)
    W2 = xavier(ks[4], H1, H3)
    b2 = jnp.full((H3,), -0.1, dtype=jnp.float32)
    W3 = xavier(ks[5], H3, H2)
    b3 = jnp.full((H2,), -0.1, dtype=jnp.float32)
    return {"textC": textC, "emoC": emoC, "tableC": tableC,
            "W1": W1, "b1": b1, "W2": W2, "b2": b2, "W3": W3, "b3": b3}


def reference(textC, emoC, tableC, W1, b1, W2, b2, W3, b3):
    # eval path (train == 'False'); dropout is identity at inference
    bsC, sC = textC.shape
    textC_inputs = jnp.take(tableC, textC, axis=0)            # [B, S, D] gather
    emoC_inputs = jnp.sum(jnp.take(tableC, emoC, axis=0), 1)  # [B, D]
    textC_flat = textC_inputs.reshape(-1, EMBED_DIM)
    def mlp(x):
        h = _leaky_relu(x @ W1 + b1)
        h = _leaky_relu(h @ W2 + b2)
        h = _leaky_relu(h @ W3 + b3)
        return h
    outputsC = mlp(textC_flat)
    emoC_outputs = mlp(emoC_inputs)
    return (outputsC.reshape(bsC, sC, H2), emoC_outputs.reshape(bsC, 1, H2))

if __name__ == "__main__":
    import jax
    _d = setup_inputs()
    print(jax.jit(kernel)(*tuple(_d.values())))

</pallas_src>

<mosaic_0001>
#map = affine_map<(d0, d1) -> (0, 0)>
#map1 = affine_map<(d0, d1) -> (0, 0, 0)>
module attributes {stable_mosaic.version = 14 : i64} {
  func.func @gather_kernel(%arg0: i32, %arg1: i32, %arg2: memref<1000000x128xf32, #tpu.memory_space<hbm>>, %arg3: memref<32x50x128xi32, #tpu.memory_space<hbm>>, %arg4: memref<20x4096xi32, #tpu.memory_space<hbm>>, %arg5: memref<104448x256xf32, #tpu.memory_space<hbm>>, %arg6: memref<50x128xi32, #tpu.memory_space<vmem>>, %arg7: memref<20x128xi32, #tpu.memory_space<vmem>>, %arg8: memref<128x256xf32, #tpu.memory_space<vmem>>, %arg9: memref<128x256xf32, #tpu.memory_space<vmem>>, %arg10: memref<64x128xf32, #tpu.memory_space<vmem>>, %arg11: memref<64x128xf32, #tpu.memory_space<vmem>>, %arg12: memref<!tpu.dma_semaphore, #tpu.memory_space<semaphore_mem>>, %arg13: memref<!tpu.dma_semaphore, #tpu.memory_space<semaphore_mem>>, %arg14: memref<!tpu.dma_semaphore, #tpu.memory_space<semaphore_mem>>, %arg15: memref<!tpu.dma_semaphore, #tpu.memory_space<semaphore_mem>>, %arg16: memref<!tpu.dma_semaphore, #tpu.memory_space<semaphore_mem>>) attributes {dimension_semantics = [#tpu.dimension_semantics<core_parallel>, #tpu.dimension_semantics<subcore_parallel>], iteration_bounds = array<i64: 2, 16>, scalar_prefetch = 0 : i64, scratch_operands = 11 : i64, tpu.core_type = #tpu.core_type<sc_vector_subcore>, window_params = [{transform_indices = #map}, {transform_indices = #map1}, {transform_indices = #map}, {transform_indices = #map}]} {
    %mul3A = arith.constant 2 : i32
    %mul3A_0 = arith.muli %arg1, %mul3A : i32
    %add3A = arith.addi %mul3A_0, %arg0 : i32
    %mul3A_1 = arith.constant 3200 : i32
    %mul3A_2 = arith.muli %add3A, %mul3A_1 : i32
    "tpu.region"() ({
      %run_scoped3A = tpu.sem_alloc : memref<!tpu.dma_semaphore, #tpu.memory_space<semaphore_mem>>
      %dma_start3A_642 = arith.constant 0 : i32
      %dma_start3A_643 = arith.constant 0 : i32
      %dma_start3A_644 = tpu.memref_slice %arg3[%add3A, %dma_start3A_642, %dma_start3A_643] : memref<32x50x128xi32, #tpu.memory_space<hbm>> -> memref<1x50x128xi32, #tpu.memory_space<hbm>>
      %dma_start3A_645 = tpu.memref_squeeze %dma_start3A_644 : memref<1x50x128xi32, #tpu.memory_space<hbm>> -> memref<50x128xi32, #tpu.memory_space<hbm>>
      %dma_start3A_646 = arith.constant 0 : i32
      %dma_start3A_647 = arith.constant 0 : i32
      %dma_start3A_648 = tpu.memref_slice %arg3[%add3A, %dma_start3A_646, %dma_start3A_647] : memref<32x50x128xi32, #tpu.memory_space<hbm>> -> memref<1x50x128xi32, #tpu.memory_space<hbm>>
      %dma_start3A_649 = tpu.memref_squeeze %dma_start3A_648 : memref<1x50x128xi32, #tpu.memory_space<hbm>> -> memref<50x128xi32, #tpu.memory_space<hbm>>
      tpu.enqueue_dma source(%dma_start3A_649 : memref<50x128xi32, #tpu.memory_space<hbm>>) target(%arg6 : memref<50x128xi32, #tpu.memory_space<vmem>>) target_semaphore(%run_scoped3A : memref<!tpu.dma_semaphore, #tpu.memory_space<semaphore_mem>>)
      %dma_wait3A_650 = arith.constant 0 : i32
      %dma_wait3A_651 = arith.constant 0 : i32
      %dma_wait3A_652 = tpu.memref_slice %arg3[%add3A, %dma_wait3A_650, %dma_wait3A_651] : memref<32x50x128xi32, #tpu.memory_space<hbm>> -> memref<1x50x128xi32, #tpu.memory_space<hbm>>
      %dma_wait3A_653 = tpu.memref_squeeze %dma_wait3A_652 : memref<1x50x128xi32, #tpu.memory_space<hbm>> -> memref<50x128xi32, #tpu.memory_space<hbm>>
      %dma_wait3A_654 = arith.constant 0 : i32
      %dma_wait3A_655 = arith.constant 0 : i32
      %dma_wait3A_656 = tpu.memref_slice %arg3[%add3A, %dma_wait3A_654, %dma_wait3A_655] : memref<32x50x128xi32, #tpu.memory_space<hbm>> -> memref<1x50x128xi32, #tpu.memory_space<hbm>>
      %dma_wait3A_657 = tpu.memref_squeeze %dma_wait3A_656 : memref<1x50x128xi32, #tpu.memory_space<hbm>> -> memref<50x128xi32, #tpu.memory_space<hbm>>
      tpu.wait_dma2 semaphore(%run_scoped3A : memref<!tpu.dma_semaphore, #tpu.memory_space<semaphore_mem>>) src(%dma_wait3A_657 : memref<50x128xi32, #tpu.memory_space<hbm>>) dst(%arg6 : memref<50x128xi32, #tpu.memory_space<vmem>>)
      tpu.yield
    }) : () -> ()
    %mul3A_3 = arith.constant 128 : i32
    %mul3A_4 = arith.muli %add3A, %mul3A_3 : i32
    "tpu.region"() ({
      %run_scoped3A = tpu.sem_alloc : memref<!tpu.dma_semaphore, #tpu.memory_space<semaphore_mem>>
      %dma_start3A_642 = arith.constant 0 : i32
      %dma_start3A_643 = tpu.memref_slice %arg4[%dma_start3A_642, %mul3A_4] : memref<20x4096xi32, #tpu.memory_space<hbm>> -> memref<20x128xi32, #tpu.memory_space<hbm>>
      %dma_start3A_644 = arith.constant 0 : i32
      %dma_start3A_645 = tpu.memref_slice %arg4[%dma_start3A_644, %mul3A_4] : memref<20x4096xi32, #tpu.memory_space<hbm>> -> memref<20x128xi32, #tpu.memory_space<hbm>>
      tpu.enqueue_dma source(%dma_start3A_645 : memref<20x128xi32, #tpu.memory_space<hbm>>) target(%arg7 : memref<20x128xi32, #tpu.memory_space<vmem>>) target_semaphore(%run_scoped3A : memref<!tpu.dma_semaphore, #tpu.memory_space<semaphore_mem>>)
      %dma_wait3A_646 = arith.constant 0 : i32
      %dma_wait3A_647 = tpu.memref_slice %arg4[%dma_wait3A_646, %mul3A_4] : memref<20x4096xi32, #tpu.memory_space<hbm>> -> memref<20x128xi32, #tpu.memory_space<hbm>>
      %dma_wait3A_648 = arith.constant 0 : i32
      %dma_wait3A_649 = tpu.memref_slice %arg4[%dma_wait3A_648, %mul3A_4] : memref<20x4096xi32, #tpu.memory_space<hbm>> -> memref<20x128xi32, #tpu.memory_space<hbm>>
      tpu.wait_dma2 semaphore(%run_scoped3A : memref<!tpu.dma_semaphore, #tpu.memory_space<semaphore_mem>>) src(%dma_wait3A_649 : memref<20x128xi32, #tpu.memory_space<hbm>>) dst(%arg7 : memref<20x128xi32, #tpu.memory_space<vmem>>)
      tpu.yield
    }) : () -> ()
    %dma_start3A = arith.constant 0 : i32
    %dma_start3A_5 = arith.constant 0 : i32
    %dma_start3A_6 = tpu.memref_slice %arg7[%dma_start3A, %dma_start3A_5] : memref<20x128xi32, #tpu.memory_space<vmem>> -> memref<1x64xi32, #tpu.memory_space<vmem>>
    %dma_start3A_7 = tpu.memref_squeeze %dma_start3A_6 : memref<1x64xi32, #tpu.memory_space<vmem>> -> memref<64xi32, #tpu.memory_space<vmem>>
    %dma_start3A_8 = arith.constant 0 : i32
    %dma_start3A_9 = arith.constant 0 : i32
    %dma_start3A_10 = tpu.memref_slice %arg2[%dma_start3A_8, %dma_start3A_9] : memref<1000000x128xf32, #tpu.memory_space<hbm>> -> memref<1000000x128xf32, #tpu.memory_space<hbm>>
    tpu.enqueue_indirect_dma source(%dma_start3A_10 : memref<1000000x128xf32, #tpu.memory_space<hbm>>) target(%arg10 : memref<64x128xf32, #tpu.memory_space<vmem>>) offsets(%dma_start3A_7 : memref<64xi32, #tpu.memory_space<vmem>>) semaphore(%arg16 : memref<!tpu.dma_semaphore, #tpu.memory_space<semaphore_mem>>)
    %dma_start3A_11 = arith.constant 0 : i32
    %dma_start3A_12 = arith.constant 64 : i32
    %dma_start3A_13 = tpu.memref_slice %arg7[%dma_start3A_11, %dma_start3A_12] : memref<20x128xi32, #tpu.memory_space<vmem>> -> memref<1x64xi32, #tpu.memory_space<vmem>>
    %dma_start3A_14 = tpu.memref_squeeze %dma_start3A_13 : memref<1x64xi32, #tpu.memory_space<vmem>> -> memref<64xi32, #tpu.memory_space<vmem>>
    %dma_start3A_15 = arith.constant 0 : i32
    %dma_start3A_16 = arith.constant 0 : i32
    %dma_start3A_17 = tpu.memref_slice %arg2[%dma_start3A_15, %dma_start3A_16] : memref<1000000x128xf32, #tpu.memory_space<hbm>> -> memref<1000000x128xf32, #tpu.memory_space<hbm>>
    tpu.enqueue_indirect_dma source(%dma_start3A_17 : memref<1000000x128xf32, #tpu.memory_space<hbm>>) target(%arg11 : memref<64x128xf32, #tpu.memory_space<vmem>>) offsets(%dma_start3A_14 : memref<64xi32, #tpu.memory_space<vmem>>) semaphore(%arg16 : memref<!tpu.dma_semaphore, #tpu.memory_space<semaphore_mem>>)
    %dma_start3A_18 = arith.constant 0 : i32
    %dma_start3A_19 = arith.constant 0 : i32
    %dma_start3A_20 = arith.constant 0 : i32
    %dma_start3A_21 = tpu.memref_slice %arg8[%dma_start3A_19, %dma_start3A_20] : memref<128x256xf32, #tpu.memory_space<vmem>> -> memref<128x128xf32, #tpu.memory_space<vmem>>
    %dma_start3A_22 = arith.constant 0 : i32
    %dma_start3A_23 = tpu.memref_slice %arg6[%dma_start3A_18, %dma_start3A_22] : memref<50x128xi32, #tpu.memory_space<vmem>> -> memref<1x128xi32, #tpu.memory_space<vmem>>
    %dma_start3A_24 = tpu.memref_squeeze %dma_start3A_23 : memref<1x128xi32, #tpu.memory_space<vmem>> -> memref<128xi32, #tpu.memory_space<vmem>>
    %dma_start3A_25 = arith.constant 0 : i32
    %dma_start3A_26 = arith.constant 0 : i32
    %dma_start3A_27 = tpu.memref_slice %arg2[%dma_start3A_25, %dma_start3A_26] : memref<1000000x128xf32, #tpu.memory_space<hbm>> -> memref<1000000x128xf32, #tpu.memory_space<hbm>>
    tpu.enqueue_indirect_dma source(%dma_start3A_27 : memref<1000000x128xf32, #tpu.memory_space<hbm>>) target(%dma_start3A_21 : memref<128x128xf32, #tpu.memory_space<vmem>>) offsets(%dma_start3A_24 : memref<128xi32, #tpu.memory_space<vmem>>) semaphore(%arg12 : memref<!tpu.dma_semaphore, #tpu.memory_space<semaphore_mem>>)
    %dma_start3A_28 = arith.constant 1 : i32
    %dma_start3A_29 = arith.constant 0 : i32
    %dma_start3A_30 = arith.constant 128 : i32
    %dma_start3A_31 = tpu.memref_slice %arg8[%dma_start3A_29, %dma_start3A_30] : memref<128x256xf32, #tpu.memory_space<vmem>> -> memref<128x128xf32, #tpu.memory_space<vmem>>
    %dma_start3A_32 = arith.constant 0 : i32
    %dma_start3A_33 = tpu.memref_slice %arg6[%dma_start3A_28, %dma_start3A_32] : memref<50x128xi32, #tpu.memory_space<vmem>> -> memref<1x128xi32, #tpu.memory_space<vmem>>
    %dma_start3A_34 = tpu.memref_squeeze %dma_start3A_33 : memref<1x128xi32, #tpu.memory_space<vmem>> -> memref<128xi32, #tpu.memory_space<vmem>>
    %dma_start3A_35 = arith.constant 0 : i32
    %dma_start3A_36 = arith.constant 0 : i32
    %dma_start3A_37 = tpu.memref_slice %arg2[%dma_start3A_35, %dma_start3A_36] : memref<1000000x128xf32, #tpu.memory_space<hbm>> -> memref<1000000x128xf32, #tpu.memory_space<hbm>>
    tpu.enqueue_indirect_dma source(%dma_start3A_37 : memref<1000000x128xf32, #tpu.memory_space<hbm>>) target(%dma_start3A_31 : memref<128x128xf32, #tpu.memory_space<vmem>>) offsets(%dma_start3A_34 : memref<128xi32, #tpu.memory_space<vmem>>) semaphore(%arg12 : memref<!tpu.dma_semaphore, #tpu.memory_space<semaphore_mem>>)
    %dma_start3A_38 = arith.constant 2 : i32
    %dma_start3A_39 = arith.constant 0 : i32
    %dma_start3A_40 = arith.constant 0 : i32
    %dma_start3A_41 = tpu.memref_slice %arg9[%dma_start3A_39, %dma_start3A_40] : memref<128x256xf32, #tpu.memory_space<vmem>> -> memref<128x128xf32, #tpu.memory_space<vmem>>
    %dma_start3A_42 = arith.constant 0 : i32
    %dma_start3A_43 = tpu.memref_slice %arg6[%dma_start3A_38, %dma_start3A_42] : memref<50x128xi32, #tpu.memory_space<vmem>> -> memref<1x128xi32, #tpu.memory_space<vmem>>
    %dma_start3A_44 = tpu.memref_squeeze %dma_start3A_43 : memref<1x128xi32, #tpu.memory_space<vmem>> -> memref<128xi32, #tpu.memory_space<vmem>>
    %dma_start3A_45 = arith.constant 0 : i32
    %dma_start3A_46 = arith.constant 0 : i32
    %dma_start3A_47 = tpu.memref_slice %arg2[%dma_start3A_45, %dma_start3A_46] : memref<1000000x128xf32, #tpu.memory_space<hbm>> -> memref<1000000x128xf32, #tpu.memory_space<hbm>>
    tpu.enqueue_indirect_dma source(%dma_start3A_47 : memref<1000000x128xf32, #tpu.memory_space<hbm>>) target(%dma_start3A_41 : memref<128x128xf32, #tpu.memory_space<vmem>>) offsets(%dma_start3A_44 : memref<128xi32, #tpu.memory_space<vmem>>) semaphore(%arg13 : memref<!tpu.dma_semaphore, #tpu.memory_space<semaphore_mem>>)
    %dma_start3A_48 = arith.constant 3 : i32
    %dma_start3A_49 = arith.constant 0 : i32
    %dma_start3A_50 = arith.constant 128 : i32
    %dma_start3A_51 = tpu.memref_slice %arg9[%dma_start3A_49, %dma_start3A_50] : memref<128x256xf32, #tpu.memory_space<vmem>> -> memref<128x128xf32, #tpu.memory_space<vmem>>
    %dma_start3A_52 = arith.constant 0 : i32
    %dma_start3A_53 = tpu.memref_slice %arg6[%dma_start3A_48, %dma_start3A_52] : memref<50x128xi32, #tpu.memory_space<vmem>> -> memref<1x128xi32, #tpu.memory_space<vmem>>
    %dma_start3A_54 = tpu.memref_squeeze %dma_start3A_53 : memref<1x128xi32, #tpu.memory_space<vmem>> -> memref<128xi32, #tpu.memory_space<vmem>>
    %dma_start3A_55 = arith.constant 0 : i32
    %dma_start3A_56 = arith.constant 0 : i32
    %dma_start3A_57 = tpu.memref_slice %arg2[%dma_start3A_55, %dma_start3A_56] : memref<1000000x128xf32, #tpu.memory_space<hbm>> -> memref<1000000x128xf32, #tpu.memory_space<hbm>>
    tpu.enqueue_indirect_dma source(%dma_start3A_57 : memref<1000000x128xf32, #tpu.memory_space<hbm>>) target(%dma_start3A_51 : memref<128x128xf32, #tpu.memory_space<vmem>>) offsets(%dma_start3A_54 : memref<128xi32, #tpu.memory_space<vmem>>) semaphore(%arg13 : memref<!tpu.dma_semaphore, #tpu.memory_space<semaphore_mem>>)
    %dma_wait3A = arith.constant 0 : i32
    %dma_wait3A_58 = arith.constant 0 : i32
    %dma_wait3A_59 = tpu.memref_slice %arg7[%dma_wait3A, %dma_wait3A_58] : memref<20x128xi32, #tpu.memory_space<vmem>> -> memref<1x64xi32, #tpu.memory_space<vmem>>
    %dma_wait3A_60 = tpu.memref_squeeze %dma_wait3A_59 : memref<1x64xi32, #tpu.memory_space<vmem>> -> memref<64xi32, #tpu.memory_space<vmem>>
    %dma_wait3A_61 = arith.constant 0 : i32
    %dma_wait3A_62 = arith.constant 0 : i32
    %dma_wait3A_63 = tpu.memref_slice %arg2[%dma_wait3A_61, %dma_wait3A_62] : memref<1000000x128xf32, #tpu.memory_space<hbm>> -> memref<1000000x128xf32, #tpu.memory_space<hbm>>
    tpu.wait_indirect_dma semaphore(%arg16 : memref<!tpu.dma_semaphore, #tpu.memory_space<semaphore_mem>>) src(%dma_wait3A_63 : memref<1000000x128xf32, #tpu.memory_space<hbm>>) dst(%arg10 : memref<64x128xf32, #tpu.memory_space<vmem>>)
    %dma_wait3A_64 = arith.constant 0 : i32
    %dma_wait3A_65 = arith.constant 64 : i32
    %dma_wait3A_66 = tpu.memref_slice %arg7[%dma_wait3A_64, %dma_wait3A_65] : memref<20x128xi32, #tpu.memory_space<vmem>> -> memref<1x64xi32, #tpu.memory_space<vmem>>
    %dma_wait3A_67 = tpu.memref_squeeze %dma_wait3A_66 : memref<1x64xi32, #tpu.memory_space<vmem>> -> memref<64xi32, #tpu.memory_space<vmem>>
    %dma_wait3A_68 = arith.constant 0 : i32
    %dma_wait3A_69 = arith.constant 0 : i32
    %dma_wait3A_70 = tpu.memref_slice %arg2[%dma_wait3A_68, %dma_wait3A_69] : memref<1000000x128xf32, #tpu.memory_space<hbm>> -> memref<1000000x128xf32, #tpu.memory_space<hbm>>
    tpu.wait_indirect_dma semaphore(%arg16 : memref<!tpu.dma_semaphore, #tpu.memory_space<semaphore_mem>>) src(%dma_wait3A_70 : memref<1000000x128xf32, #tpu.memory_space<hbm>>) dst(%arg11 : memref<64x128xf32, #tpu.memory_space<vmem>>)
    %dma_start3A_71 = arith.constant 1 : i32
    %dma_start3A_72 = arith.constant 0 : i32
    %dma_start3A_73 = tpu.memref_slice %arg7[%dma_start3A_71, %dma_start3A_72] : memref<20x128xi32, #tpu.memory_space<vmem>> -> memref<1x64xi32, #tpu.memory_space<vmem>>
    %dma_start3A_74 = tpu.memref_squeeze %dma_start3A_73 : memref<1x64xi32, #tpu.memory_space<vmem>> -> memref<64xi32, #tpu.memory_space<vmem>>
    %dma_start3A_75 = arith.constant 0 : i32
    %dma_start3A_76 = arith.constant 0 : i32
    %dma_start3A_77 = tpu.memref_slice %arg2[%dma_start3A_75, %dma_start3A_76] : memref<1000000x128xf32, #tpu.memory_space<hbm>> -> memref<1000000x128xf32, #tpu.memory_space<hbm>>
    tpu.enqueue_indirect_dma source(%dma_start3A_77 : memref<1000000x128xf32, #tpu.memory_space<hbm>>) target(%arg10 : memref<64x128xf32, #tpu.memory_space<vmem>>) offsets(%dma_start3A_74 : memref<64xi32, #tpu.memory_space<vmem>>) semaphore(%arg16 : memref<!tpu.dma_semaphore, #tpu.memory_space<semaphore_mem>>) {add = true}
    %dma_start3A_78 = arith.constant 1 : i32
    %dma_start3A_79 = arith.constant 64 : i32
    %dma_start3A_80 = tpu.memref_slice %arg7[%dma_start3A_78, %dma_start3A_79] : memref<20x128xi32, #tpu.memory_space<vmem>> -> memref<1x64xi32, #tpu.memory_space<vmem>>
    %dma_start3A_81 = tpu.memref_squeeze %dma_start3A_80 : memref<1x64xi32, #tpu.memory_space<vmem>> -> memref<64xi32, #tpu.memory_space<vmem>>
    %dma_start3A_82 = arith.constant 0 : i32
    %dma_start3A_83 = arith.constant 0 : i32
    %dma_start3A_84 = tpu.memref_slice %arg2[%dma_start3A_82, %dma_start3A_83] : memref<1000000x128xf32, #tpu.memory_space<hbm>> -> memref<1000000x128xf32, #tpu.memory_space<hbm>>
    tpu.enqueue_indirect_dma source(%dma_start3A_84 : memref<1000000x128xf32, #tpu.memory_space<hbm>>) target(%arg11 : memref<64x128xf32, #tpu.memory_space<vmem>>) offsets(%dma_start3A_81 : memref<64xi32, #tpu.memory_space<vmem>>) semaphore(%arg16 : memref<!tpu.dma_semaphore, #tpu.memory_space<semaphore_mem>>) {add = true}
    %dma_start3A_85 = arith.constant 2 : i32
    %dma_start3A_86 = arith.constant 0 : i32
    %dma_start3A_87 = tpu.memref_slice %arg7[%dma_start3A_85, %dma_start3A_86] : memref<20x128xi32, #tpu.memory_space<vmem>> -> memref<1x64xi32, #tpu.memory_space<vmem>>
    %dma_start3A_88 = tpu.memref_squeeze %dma_start3A_87 : memref<1x64xi32, #tpu.memory_space<vmem>> -> memref<64xi32, #tpu.memory_space<vmem>>
    %dma_start3A_89 = arith.constant 0 : i32
    %dma_start3A_90 = arith.constant 0 : i32
    %dma_start3A_91 = tpu.memref_slice %arg2[%dma_start3A_89, %dma_start3A_90] : memref<1000000x128xf32, #tpu.memory_space<hbm>> -> memref<1000000x128xf32, #tpu.memory_space<hbm>>
    tpu.enqueue_indirect_dma source(%dma_start3A_91 : memref<1000000x128xf32, #tpu.memory_space<hbm>>) target(%arg10 : memref<64x128xf32, #tpu.memory_space<vmem>>) offsets(%dma_start3A_88 : memref<64xi32, #tpu.memory_space<vmem>>) semaphore(%arg16 : memref<!tpu.dma_semaphore, #tpu.memory_space<semaphore_mem>>) {add = true}
    %dma_start3A_92 = arith.constant 2 : i32
    %dma_start3A_93 = arith.constant 64 : i32
    %dma_start3A_94 = tpu.memref_slice %arg7[%dma_start3A_92, %dma_start3A_93] : memref<20x128xi32, #tpu.memory_space<vmem>> -> memref<1x64xi32, #tpu.memory_space<vmem>>
    %dma_start3A_95 = tpu.memref_squeeze %dma_start3A_94 : memref<1x64xi32, #tpu.memory_space<vmem>> -> memref<64xi32, #tpu.memory_space<vmem>>
    %dma_start3A_96 = arith.constant 0 : i32
    %dma_start3A_97 = arith.constant 0 : i32
    %dma_start3A_98 = tpu.memref_slice %arg2[%dma_start3A_96, %dma_start3A_97] : memref<1000000x128xf32, #tpu.memory_space<hbm>> -> memref<1000000x128xf32, #tpu.memory_space<hbm>>
    tpu.enqueue_indirect_dma source(%dma_start3A_98 : memref<1000000x128xf32, #tpu.memory_space<hbm>>) target(%arg11 : memref<64x128xf32, #tpu.memory_space<vmem>>) offsets(%dma_start3A_95 : memref<64xi32, #tpu.memory_space<vmem>>) semaphore(%arg16 : memref<!tpu.dma_semaphore, #tpu.memory_space<semaphore_mem>>) {add = true}
    %dma_start3A_99 = arith.constant 3 : i32
    %dma_start3A_100 = arith.constant 0 : i32
    %dma_start3A_101 = tpu.memref_slice %arg7[%dma_start3A_99, %dma_start3A_100] : memref<20x128xi32, #tpu.memory_space<vmem>> -> memref<1x64xi32, #tpu.memory_space<vmem>>
    %dma_start3A_102 = tpu.memref_squeeze %dma_start3A_101 : memref<1x64xi32, #tpu.memory_space<vmem>> -> memref<64xi32, #tpu.memory_space<vmem>>
    %dma_start3A_103 = arith.constant 0 : i32
    %dma_start3A_104 = arith.constant 0 : i32
    %dma_start3A_105 = tpu.memref_slice %arg2[%dma_start3A_103, %dma_start3A_104] : memref<1000000x128xf32, #tpu.memory_space<hbm>> -> memref<1000000x128xf32, #tpu.memory_space<hbm>>
    tpu.enqueue_indirect_dma source(%dma_start3A_105 : memref<1000000x128xf32, #tpu.memory_space<hbm>>) target(%arg10 : memref<64x128xf32, #tpu.memory_space<vmem>>) offsets(%dma_start3A_102 : memref<64xi32, #tpu.memory_space<vmem>>) semaphore(%arg16 : memref<!tpu.dma_semaphore, #tpu.memory_space<semaphore_mem>>) {add = true}
    %dma_start3A_106 = arith.constant 3 : i32
    %dma_start3A_107 = arith.constant 64 : i32
    %dma_start3A_108 = tpu.memref_slice %arg7[%dma_start3A_106, %dma_start3A_107] : memref<20x128xi32, #tpu.memory_space<vmem>> -> memref<1x64xi32, #tpu.memory_space<vmem>>
    %dma_start3A_109 = tpu.memref_squeeze %dma_start3A_108 : memref<1x64xi32, #tpu.memory_space<vmem>> -> memref<64xi32, #tpu.memory_space<vmem>>
    %dma_start3A_110 = arith.constant 0 : i32
    %dma_start3A_111 = arith.constant 0 : i32
    %dma_start3A_112 = tpu.memref_slice %arg2[%dma_start3A_110, %dma_start3A_111] : memref<1000000x128xf32, #tpu.memory_space<hbm>> -> memref<1000000x128xf32, #tpu.memory_space<hbm>>
    tpu.enqueue_indirect_dma source(%dma_start3A_112 : memref<1000000x128xf32, #tpu.memory_space<hbm>>) target(%arg11 : memref<64x128xf32, #tpu.memory_space<vmem>>) offsets(%dma_start3A_109 : memref<64xi32, #tpu.memory_space<vmem>>) semaphore(%arg16 : memref<!tpu.dma_semaphore, #tpu.memory_space<semaphore_mem>>) {add = true}
    %dma_start3A_113 = arith.constant 4 : i32
    %dma_start3A_114 = arith.constant 0 : i32
    %dma_start3A_115 = tpu.memref_slice %arg7[%dma_start3A_113, %dma_start3A_114] : memref<20x128xi32, #tpu.memory_space<vmem>> -> memref<1x64xi32, #tpu.memory_space<vmem>>
    %dma_start3A_116 = tpu.memref_squeeze %dma_start3A_115 : memref<1x64xi32, #tpu.memory_space<vmem>> -> memref<64xi32, #tpu.memory_space<vmem>>
    %dma_start3A_117 = arith.constant 0 : i32
    %dma_start3A_118 = arith.constant 0 : i32
    %dma_start3A_119 = tpu.memref_slice %arg2[%dma_start3A_117, %dma_start3A_118] : memref<1000000x128xf32, #tpu.memory_space<hbm>> -> memref<1000000x128xf32, #tpu.memory_space<hbm>>
    tpu.enqueue_indirect_dma source(%dma_start3A_119 : memref<1000000x128xf32, #tpu.memory_space<hbm>>) target(%arg10 : memref<64x128xf32, #tpu.memory_space<vmem>>) offsets(%dma_start3A_116 : memref<64xi32, #tpu.memory_space<vmem>>) semaphore(%arg16 : memref<!tpu.dma_semaphore, #tpu.memory_space<semaphore_mem>>) {add = true}
    %dma_start3A_120 = arith.constant 4 : i32
    %dma_start3A_121 = arith.constant 64 : i32
    %dma_start3A_122 = tpu.memref_slice %arg7[%dma_start3A_120, %dma_start3A_121] : memref<20x128xi32, #tpu.memory_space<vmem>> -> memref<1x64xi32, #tpu.memory_space<vmem>>
    %dma_start3A_123 = tpu.memref_squeeze %dma_start3A_122 : memref<1x64xi32, #tpu.memory_space<vmem>> -> memref<64xi32, #tpu.memory_space<vmem>>
    %dma_start3A_124 = arith.constant 0 : i32
    %dma_start3A_125 = arith.constant 0 : i32
    %dma_start3A_126 = tpu.memref_slice %arg2[%dma_start3A_124, %dma_start3A_125] : memref<1000000x128xf32, #tpu.memory_space<hbm>> -> memref<1000000x128xf32, #tpu.memory_space<hbm>>
    tpu.enqueue_indirect_dma source(%dma_start3A_126 : memref<1000000x128xf32, #tpu.memory_space<hbm>>) target(%arg11 : memref<64x128xf32, #tpu.memory_space<vmem>>) offsets(%dma_start3A_123 : memref<64xi32, #tpu.memory_space<vmem>>) semaphore(%arg16 : memref<!tpu.dma_semaphore, #tpu.memory_space<semaphore_mem>>) {add = true}
    %dma_start3A_127 = arith.constant 5 : i32
    %dma_start3A_128 = arith.constant 0 : i32
    %dma_start3A_129 = tpu.memref_slice %arg7[%dma_start3A_127, %dma_start3A_128] : memref<20x128xi32, #tpu.memory_space<vmem>> -> memref<1x64xi32, #tpu.memory_space<vmem>>
    %dma_start3A_130 = tpu.memref_squeeze %dma_start3A_129 : memref<1x64xi32, #tpu.memory_space<vmem>> -> memref<64xi32, #tpu.memory_space<vmem>>
    %dma_start3A_131 = arith.constant 0 : i32
    %dma_start3A_132 = arith.constant 0 : i32
    %dma_start3A_133 = tpu.memref_slice %arg2[%dma_start3A_131, %dma_start3A_132] : memref<1000000x128xf32, #tpu.memory_space<hbm>> -> memref<1000000x128xf32, #tpu.memory_space<hbm>>
    tpu.enqueue_indirect_dma source(%dma_start3A_133 : memref<1000000x128xf32, #tpu.memory_space<hbm>>) target(%arg10 : memref<64x128xf32, #tpu.memory_space<vmem>>) offsets(%dma_start3A_130 : memref<64xi32, #tpu.memory_space<vmem>>) semaphore(%arg16 : memref<!tpu.dma_semaphore, #tpu.memory_space<semaphore_mem>>) {add = true}
    %dma_start3A_134 = arith.constant 5 : i32
    %dma_start3A_135 = arith.constant 64 : i32
    %dma_start3A_136 = tpu.memref_slice %arg7[%dma_start3A_134, %dma_start3A_135] : memref<20x128xi32, #tpu.memory_space<vmem>> -> memref<1x64xi32, #tpu.memory_space<vmem>>
    %dma_start3A_137 = tpu.memref_squeeze %dma_start3A_136 : memref<1x64xi32, #tpu.memory_space<vmem>> -> memref<64xi32, #tpu.memory_space<vmem>>
    %dma_start3A_138 = arith.constant 0 : i32
    %dma_start3A_139 = arith.constant 0 : i32
    %dma_start3A_140 = tpu.memref_slice %arg2[%dma_start3A_138, %dma_start3A_139] : memref<1000000x128xf32, #tpu.memory_space<hbm>> -> memref<1000000x128xf32, #tpu.memory_space<hbm>>
    tpu.enqueue_indirect_dma source(%dma_start3A_140 : memref<1000000x128xf32, #tpu.memory_space<hbm>>) target(%arg11 : memref<64x128xf32, #tpu.memory_space<vmem>>) offsets(%dma_start3A_137 : memref<64xi32, #tpu.memory_space<vmem>>) semaphore(%arg16 : memref<!tpu.dma_semaphore, #tpu.memory_space<semaphore_mem>>) {add = true}
    %dma_start3A_141 = arith.constant 6 : i32
    %dma_start3A_142 = arith.constant 0 : i32
    %dma_start3A_143 = tpu.memref_slice %arg7[%dma_start3A_141, %dma_start3A_142] : memref<20x128xi32, #tpu.memory_space<vmem>> -> memref<1x64xi32, #tpu.memory_space<vmem>>
    %dma_start3A_144 = tpu.memref_squeeze %dma_start3A_143 : memref<1x64xi32, #tpu.memory_space<vmem>> -> memref<64xi32, #tpu.memory_space<vmem>>
    %dma_start3A_145 = arith.constant 0 : i32
    %dma_start3A_146 = arith.constant 0 : i32
    %dma_start3A_147 = tpu.memref_slice %arg2[%dma_start3A_145, %dma_start3A_146] : memref<1000000x128xf32, #tpu.memory_space<hbm>> -> memref<1000000x128xf32, #tpu.memory_space<hbm>>
    tpu.enqueue_indirect_dma source(%dma_start3A_147 : memref<1000000x128xf32, #tpu.memory_space<hbm>>) target(%arg10 : memref<64x128xf32, #tpu.memory_space<vmem>>) offsets(%dma_start3A_144 : memref<64xi32, #tpu.memory_space<vmem>>) semaphore(%arg16 : memref<!tpu.dma_semaphore, #tpu.memory_space<semaphore_mem>>) {add = true}
    %dma_start3A_148 = arith.constant 6 : i32
    %dma_start3A_149 = arith.constant 64 : i32
    %dma_start3A_150 = tpu.memref_slice %arg7[%dma_start3A_148, %dma_start3A_149] : memref<20x128xi32, #tpu.memory_space<vmem>> -> memref<1x64xi32, #tpu.memory_space<vmem>>
    %dma_start3A_151 = tpu.memref_squeeze %dma_start3A_150 : memref<1x64xi32, #tpu.memory_space<vmem>> -> memref<64xi32, #tpu.memory_space<vmem>>
    %dma_start3A_152 = arith.constant 0 : i32
    %dma_start3A_153 = arith.constant 0 : i32
    %dma_start3A_154 = tpu.memref_slice %arg2[%dma_start3A_152, %dma_start3A_153] : memref<1000000x128xf32, #tpu.memory_space<hbm>> -> memref<1000000x128xf32, #tpu.memory_space<hbm>>
    tpu.enqueue_indirect_dma source(%dma_start3A_154 : memref<1000000x128xf32, #tpu.memory_space<hbm>>) target(%arg11 : memref<64x128xf32, #tpu.memory_space<vmem>>) offsets(%dma_start3A_151 : memref<64xi32, #tpu.memory_space<vmem>>) semaphore(%arg16 : memref<!tpu.dma_semaphore, #tpu.memory_space<semaphore_mem>>) {add = true}
    %dma_start3A_155 = arith.constant 7 : i32
    %dma_start3A_156 = arith.constant 0 : i32
    %dma_start3A_157 = tpu.memref_slice %arg7[%dma_start3A_155, %dma_start3A_156] : memref<20x128xi32, #tpu.memory_space<vmem>> -> memref<1x64xi32, #tpu.memory_space<vmem>>
    %dma_start3A_158 = tpu.memref_squeeze %dma_start3A_157 : memref<1x64xi32, #tpu.memory_space<vmem>> -> memref<64xi32, #tpu.memory_space<vmem>>
    %dma_start3A_159 = arith.constant 0 : i32
    %dma_start3A_160 = arith.constant 0 : i32
    %dma_start3A_161 = tpu.memref_slice %arg2[%dma_start3A_159, %dma_start3A_160] : memref<1000000x128xf32, #tpu.memory_space<hbm>> -> memref<1000000x128xf32, #tpu.memory_space<hbm>>
    tpu.enqueue_indirect_dma source(%dma_start3A_161 : memref<1000000x128xf32, #tpu.memory_space<hbm>>) target(%arg10 : memref<64x128xf32, #tpu.memory_space<vmem>>) offsets(%dma_start3A_158 : memref<64xi32, #tpu.memory_space<vmem>>) semaphore(%arg16 : memref<!tpu.dma_semaphore, #tpu.memory_space<semaphore_mem>>) {add = true}
    %dma_start3A_162 = arith.constant 7 : i32
    %dma_start3A_163 = arith.constant 64 : i32
    %dma_start3A_164 = tpu.memref_slice %arg7[%dma_start3A_162, %dma_start3A_163] : memref<20x128xi32, #tpu.memory_space<vmem>> -> memref<1x64xi32, #tpu.memory_space<vmem>>
    %dma_start3A_165 = tpu.memref_squeeze %dma_start3A_164 : memref<1x64xi32, #tpu.memory_space<vmem>> -> memref<64xi32, #tpu.memory_space<vmem>>
    %dma_start3A_166 = arith.constant 0 : i32
    %dma_start3A_167 = arith.constant 0 : i32
    %dma_start3A_168 = tpu.memref_slice %arg2[%dma_start3A_166, %dma_start3A_167] : memref<1000000x128xf32, #tpu.memory_space<hbm>> -> memref<1000000x128xf32, #tpu.memory_space<hbm>>
    tpu.enqueue_indirect_dma source(%dma_start3A_168 : memref<1000000x128xf32, #tpu.memory_space<hbm>>) target(%arg11 : memref<64x128xf32, #tpu.memory_space<vmem>>) offsets(%dma_start3A_165 : memref<64xi32, #tpu.memory_space<vmem>>) semaphore(%arg16 : memref<!tpu.dma_semaphore, #tpu.memory_space<semaphore_mem>>) {add = true}
    %dma_start3A_169 = arith.constant 8 : i32
    %dma_start3A_170 = arith.constant 0 : i32
    %dma_start3A_171 = tpu.memref_slice %arg7[%dma_start3A_169, %dma_start3A_170] : memref<20x128xi32, #tpu.memory_space<vmem>> -> memref<1x64xi32, #tpu.memory_space<vmem>>
    %dma_start3A_172 = tpu.memref_squeeze %dma_start3A_171 : memref<1x64xi32, #tpu.memory_space<vmem>> -> memref<64xi32, #tpu.memory_space<vmem>>
    %dma_start3A_173 = arith.constant 0 : i32
    %dma_start3A_174 = arith.constant 0 : i32
    %dma_start3A_175 = tpu.memref_slice %arg2[%dma_start3A_173, %dma_start3A_174] : memref<1000000x128xf32, #tpu.memory_space<hbm>> -> memref<1000000x128xf32, #tpu.memory_space<hbm>>
    tpu.enqueue_indirect_dma source(%dma_start3A_175 : memref<1000000x128xf32, #tpu.memory_space<hbm>>) target(%arg10 : memref<64x128xf32, #tpu.memory_space<vmem>>) offsets(%dma_start3A_172 : memref<64xi32, #tpu.memory_space<vmem>>) semaphore(%arg16 : memref<!tpu.dma_semaphore, #tpu.memory_space<semaphore_mem>>) {add = true}
    %dma_start3A_176 = arith.constant 8 : i32
    %dma_start3A_177 = arith.constant 64 : i32
    %dma_start3A_178 = tpu.memref_slice %arg7[%dma_start3A_176, %dma_start3A_177] : memref<20x128xi32, #tpu.memory_space<vmem>> -> memref<1x64xi32, #tpu.memory_space<vmem>>
    %dma_start3A_179 = tpu.memref_squeeze %dma_start3A_178 : memref<1x64xi32, #tpu.memory_space<vmem>> -> memref<64xi32, #tpu.memory_space<vmem>>
    %dma_start3A_180 = arith.constant 0 : i32
    %dma_start3A_181 = arith.constant 0 : i32
    %dma_start3A_182 = tpu.memref_slice %arg2[%dma_start3A_180, %dma_start3A_181] : memref<1000000x128xf32, #tpu.memory_space<hbm>> -> memref<1000000x128xf32, #tpu.memory_space<hbm>>
    tpu.enqueue_indirect_dma source(%dma_start3A_182 : memref<1000000x128xf32, #tpu.memory_space<hbm>>) target(%arg11 : memref<64x128xf32, #tpu.memory_space<vmem>>) offsets(%dma_start3A_179 : memref<64xi32, #tpu.memory_space<vmem>>) semaphore(%arg16 : memref<!tpu.dma_semaphore, #tpu.memory_space<semaphore_mem>>) {add = true}
    %dma_start3A_183 = arith.constant 9 : i32
    %dma_start3A_184 = arith.constant 0 : i32
    %dma_start3A_185 = tpu.memref_slice %arg7[%dma_start3A_183, %dma_start3A_184] : memref<20x128xi32, #tpu.memory_space<vmem>> -> memref<1x64xi32, #tpu.memory_space<vmem>>
    %dma_start3A_186 = tpu.memref_squeeze %dma_start3A_185 : memref<1x64xi32, #tpu.memory_space<vmem>> -> memref<64xi32, #tpu.memory_space<vmem>>
    %dma_start3A_187 = arith.constant 0 : i32
    %dma_start3A_188 = arith.constant 0 : i32
    %dma_start3A_189 = tpu.memref_slice %arg2[%dma_start3A_187, %dma_start3A_188] : memref<1000000x128xf32, #tpu.memory_space<hbm>> -> memref<1000000x128xf32, #tpu.memory_space<hbm>>
    tpu.enqueue_indirect_dma source(%dma_start3A_189 : memref<1000000x128xf32, #tpu.memory_space<hbm>>) target(%arg10 : memref<64x128xf32, #tpu.memory_space<vmem>>) offsets(%dma_start3A_186 : memref<64xi32, #tpu.memory_space<vmem>>) semaphore(%arg16 : memref<!tpu.dma_semaphore, #tpu.memory_space<semaphore_mem>>) {add = true}
    %dma_start3A_190 = arith.constant 9 : i32
    %dma_start3A_191 = arith.constant 64 : i32
    %dma_start3A_192 = tpu.memref_slice %arg7[%dma_start3A_190, %dma_start3A_191] : memref<20x128xi32, #tpu.memory_space<vmem>> -> memref<1x64xi32, #tpu.memory_space<vmem>>
    %dma_start3A_193 = tpu.memref_squeeze %dma_start3A_192 : memref<1x64xi32, #tpu.memory_space<vmem>> -> memref<64xi32, #tpu.memory_space<vmem>>
    %dma_start3A_194 = arith.constant 0 : i32
    %dma_start3A_195 = arith.constant 0 : i32
    %dma_start3A_196 = tpu.memref_slice %arg2[%dma_start3A_194, %dma_start3A_195] : memref<1000000x128xf32, #tpu.memory_space<hbm>> -> memref<1000000x128xf32, #tpu.memory_space<hbm>>
    tpu.enqueue_indirect_dma source(%dma_start3A_196 : memref<1000000x128xf32, #tpu.memory_space<hbm>>) target(%arg11 : memref<64x128xf32, #tpu.memory_space<vmem>>) offsets(%dma_start3A_193 : memref<64xi32, #tpu.memory_space<vmem>>) semaphore(%arg16 : memref<!tpu.dma_semaphore, #tpu.memory_space<semaphore_mem>>) {add = true}
    %dma_start3A_197 = arith.constant 10 : i32
    %dma_start3A_198 = arith.constant 0 : i32
    %dma_start3A_199 = tpu.memref_slice %arg7[%dma_start3A_197, %dma_start3A_198] : memref<20x128xi32, #tpu.memory_space<vmem>> -> memref<1x64xi32, #tpu.memory_space<vmem>>
    %dma_start3A_200 = tpu.memref_squeeze %dma_start3A_199 : memref<1x64xi32, #tpu.memory_space<vmem>> -> memref<64xi32, #tpu.memory_space<vmem>>
    %dma_start3A_201 = arith.constant 0 : i32
    %dma_start3A_202 = arith.constant 0 : i32
    %dma_start3A_203 = tpu.memref_slice %arg2[%dma_start3A_201, %dma_start3A_202] : memref<1000000x128xf32, #tpu.memory_space<hbm>> -> memref<1000000x128xf32, #tpu.memory_space<hbm>>
    tpu.enqueue_indirect_dma source(%dma_start3A_203 : memref<1000000x128xf32, #tpu.memory_space<hbm>>) target(%arg10 : memref<64x128xf32, #tpu.memory_space<vmem>>) offsets(%dma_start3A_200 : memref<64xi32, #tpu.memory_space<vmem>>) semaphore(%arg16 : memref<!tpu.dma_semaphore, #tpu.memory_space<semaphore_mem>>) {add = true}
    %dma_start3A_204 = arith.constant 10 : i32
    %dma_start3A_205 = arith.constant 64 : i32
    %dma_start3A_206 = tpu.memref_slice %arg7[%dma_start3A_204, %dma_start3A_205] : memref<20x128xi32, #tpu.memory_space<vmem>> -> memref<1x64xi32, #tpu.memory_space<vmem>>
    %dma_start3A_207 = tpu.memref_squeeze %dma_start3A_206 : memref<1x64xi32, #tpu.memory_space<vmem>> -> memref<64xi32, #tpu.memory_space<vmem>>
    %dma_start3A_208 = arith.constant 0 : i32
    %dma_start3A_209 = arith.constant 0 : i32
    %dma_start3A_210 = tpu.memref_slice %arg2[%dma_start3A_208, %dma_start3A_209] : memref<1000000x128xf32, #tpu.memory_space<hbm>> -> memref<1000000x128xf32, #tpu.memory_space<hbm>>
    tpu.enqueue_indirect_dma source(%dma_start3A_210 : memref<1000000x128xf32, #tpu.memory_space<hbm>>) target(%arg11 : memref<64x128xf32, #tpu.memory_space<vmem>>) offsets(%dma_start3A_207 : memref<64xi32, #tpu.memory_space<vmem>>) semaphore(%arg16 : memref<!tpu.dma_semaphore, #tpu.memory_space<semaphore_mem>>) {add = true}
    %dma_start3A_211 = arith.constant 11 : i32
    %dma_start3A_212 = arith.constant 0 : i32
    %dma_start3A_213 = tpu.memref_slice %arg7[%dma_start3A_211, %dma_start3A_212] : memref<20x128xi32, #tpu.memory_space<vmem>> -> memref<1x64xi32, #tpu.memory_space<vmem>>
    %dma_start3A_214 = tpu.memref_squeeze %dma_start3A_213 : memref<1x64xi32, #tpu.memory_space<vmem>> -> memref<64xi32, #tpu.memory_space<vmem>>
    %dma_start3A_215 = arith.constant 0 : i32
    %dma_start3A_216 = arith.constant 0 : i32
    %dma_start3A_217 = tpu.memref_slice %arg2[%dma_start3A_215, %dma_start3A_216] : memref<1000000x128xf32, #tpu.memory_space<hbm>> -> memref<1000000x128xf32, #tpu.memory_space<hbm>>
    tpu.enqueue_indirect_dma source(%dma_start3A_217 : memref<1000000x128xf32, #tpu.memory_space<hbm>>) target(%arg10 : memref<64x128xf32, #tpu.memory_space<vmem>>) offsets(%dma_start3A_214 : memref<64xi32, #tpu.memory_space<vmem>>) semaphore(%arg16 : memref<!tpu.dma_semaphore, #tpu.memory_space<semaphore_mem>>) {add = true}
    %dma_start3A_218 = arith.constant 11 : i32
    %dma_start3A_219 = arith.constant 64 : i32
    %dma_start3A_220 = tpu.memref_slice %arg7[%dma_start3A_218, %dma_start3A_219] : memref<20x128xi32, #tpu.memory_space<vmem>> -> memref<1x64xi32, #tpu.memory_space<vmem>>
    %dma_start3A_221 = tpu.memref_squeeze %dma_start3A_220 : memref<1x64xi32, #tpu.memory_space<vmem>> -> memref<64xi32, #tpu.memory_space<vmem>>
    %dma_start3A_222 = arith.constant 0 : i32
    %dma_start3A_223 = arith.constant 0 : i32
    %dma_start3A_224 = tpu.memref_slice %arg2[%dma_start3A_222, %dma_start3A_223] : memref<1000000x128xf32, #tpu.memory_space<hbm>> -> memref<1000000x128xf32, #tpu.memory_space<hbm>>
    tpu.enqueue_indirect_dma source(%dma_start3A_224 : memref<1000000x128xf32, #tpu.memory_space<hbm>>) target(%arg11 : memref<64x128xf32, #tpu.memory_space<vmem>>) offsets(%dma_start3A_221 : memref<64xi32, #tpu.memory_space<vmem>>) semaphore(%arg16 : memref<!tpu.dma_semaphore, #tpu.memory_space<semaphore_mem>>) {add = true}
    %dma_start3A_225 = arith.constant 12 : i32
    %dma_start3A_226 = arith.constant 0 : i32
    %dma_start3A_227 = tpu.memref_slice %arg7[%dma_start3A_225, %dma_start3A_226] : memref<20x128xi32, #tpu.memory_space<vmem>> -> memref<1x64xi32, #tpu.memory_space<vmem>>
    %dma_start3A_228 = tpu.memref_squeeze %dma_start3A_227 : memref<1x64xi32, #tpu.memory_space<vmem>> -> memref<64xi32, #tpu.memory_space<vmem>>
    %dma_start3A_229 = arith.constant 0 : i32
    %dma_start3A_230 = arith.constant 0 : i32
    %dma_start3A_231 = tpu.memref_slice %arg2[%dma_start3A_229, %dma_start3A_230] : memref<1000000x128xf32, #tpu.memory_space<hbm>> -> memref<1000000x128xf32, #tpu.memory_space<hbm>>
    tpu.enqueue_indirect_dma source(%dma_start3A_231 : memref<1000000x128xf32, #tpu.memory_space<hbm>>) target(%arg10 : memref<64x128xf32, #tpu.memory_space<vmem>>) offsets(%dma_start3A_228 : memref<64xi32, #tpu.memory_space<vmem>>) semaphore(%arg16 : memref<!tpu.dma_semaphore, #tpu.memory_space<semaphore_mem>>) {add = true}
    %dma_start3A_232 = arith.constant 12 : i32
    %dma_start3A_233 = arith.constant 64 : i32
    %dma_start3A_234 = tpu.memref_slice %arg7[%dma_start3A_232, %dma_start3A_233] : memref<20x128xi32, #tpu.memory_space<vmem>> -> memref<1x64xi32, #tpu.memory_space<vmem>>
    %dma_start3A_235 = tpu.memref_squeeze %dma_start3A_234 : memref<1x64xi32, #tpu.memory_space<vmem>> -> memref<64xi32, #tpu.memory_space<vmem>>
    %dma_start3A_236 = arith.constant 0 : i32
    %dma_start3A_237 = arith.constant 0 : i32
    %dma_start3A_238 = tpu.memref_slice %arg2[%dma_start3A_236, %dma_start3A_237] : memref<1000000x128xf32, #tpu.memory_space<hbm>> -> memref<1000000x128xf32, #tpu.memory_space<hbm>>
    tpu.enqueue_indirect_dma source(%dma_start3A_238 : memref<1000000x128xf32, #tpu.memory_space<hbm>>) target(%arg11 : memref<64x128xf32, #tpu.memory_space<vmem>>) offsets(%dma_start3A_235 : memref<64xi32, #tpu.memory_space<vmem>>) semaphore(%arg16 : memref<!tpu.dma_semaphore, #tpu.memory_space<semaphore_mem>>) {add = true}
    %dma_start3A_239 = arith.constant 13 : i32
    %dma_start3A_240 = arith.constant 0 : i32
    %dma_start3A_241 = tpu.memref_slice %arg7[%dma_start3A_239, %dma_start3A_240] : memref<20x128xi32, #tpu.memory_space<vmem>> -> memref<1x64xi32, #tpu.memory_space<vmem>>
    %dma_start3A_242 = tpu.memref_squeeze %dma_start3A_241 : memref<1x64xi32, #tpu.memory_space<vmem>> -> memref<64xi32, #tpu.memory_space<vmem>>
    %dma_start3A_243 = arith.constant 0 : i32
    %dma_start3A_244 = arith.constant 0 : i32
    %dma_start3A_245 = tpu.memref_slice %arg2[%dma_start3A_243, %dma_start3A_244] : memref<1000000x128xf32, #tpu.memory_space<hbm>> -> memref<1000000x128xf32, #tpu.memory_space<hbm>>
    tpu.enqueue_indirect_dma source(%dma_start3A_245 : memref<1000000x128xf32, #tpu.memory_space<hbm>>) target(%arg10 : memref<64x128xf32, #tpu.memory_space<vmem>>) offsets(%dma_start3A_242 : memref<64xi32, #tpu.memory_space<vmem>>) semaphore(%arg16 : memref<!tpu.dma_semaphore, #tpu.memory_space<semaphore_mem>>) {add = true}
    %dma_start3A_246 = arith.constant 13 : i32
    %dma_start3A_247 = arith.constant 64 : i32
    %dma_start3A_248 = tpu.memref_slice %arg7[%dma_start3A_246, %dma_start3A_247] : memref<20x128xi32, #tpu.memory_space<vmem>> -> memref<1x64xi32, #tpu.memory_space<vmem>>
    %dma_start3A_249 = tpu.memref_squeeze %dma_start3A_248 : memref<1x64xi32, #tpu.memory_space<vmem>> -> memref<64xi32, #tpu.memory_space<vmem>>
    %dma_start3A_250 = arith.constant 0 : i32
    %dma_start3A_251 = arith.constant 0 : i32
    %dma_start3A_252 = tpu.memref_slice %arg2[%dma_start3A_250, %dma_start3A_251] : memref<1000000x128xf32, #tpu.memory_space<hbm>> -> memref<1000000x128xf32, #tpu.memory_space<hbm>>
    tpu.enqueue_indirect_dma source(%dma_start3A_252 : memref<1000000x128xf32, #tpu.memory_space<hbm>>) target(%arg11 : memref<64x128xf32, #tpu.memory_space<vmem>>) offsets(%dma_start3A_249 : memref<64xi32, #tpu.memory_space<vmem>>) semaphore(%arg16 : memref<!tpu.dma_semaphore, #tpu.memory_space<semaphore_mem>>) {add = true}
    %dma_start3A_253 = arith.constant 14 : i32
    %dma_start3A_254 = arith.constant 0 : i32
    %dma_start3A_255 = tpu.memref_slice %arg7[%dma_start3A_253, %dma_start3A_254] : memref<20x128xi32, #tpu.memory_space<vmem>> -> memref<1x64xi32, #tpu.memory_space<vmem>>
    %dma_start3A_256 = tpu.memref_squeeze %dma_start3A_255 : memref<1x64xi32, #tpu.memory_space<vmem>> -> memref<64xi32, #tpu.memory_space<vmem>>
    %dma_start3A_257 = arith.constant 0 : i32
    %dma_start3A_258 = arith.constant 0 : i32
    %dma_start3A_259 = tpu.memref_slice %arg2[%dma_start3A_257, %dma_start3A_258] : memref<1000000x128xf32, #tpu.memory_space<hbm>> -> memref<1000000x128xf32, #tpu.memory_space<hbm>>
    tpu.enqueue_indirect_dma source(%dma_start3A_259 : memref<1000000x128xf32, #tpu.memory_space<hbm>>) target(%arg10 : memref<64x128xf32, #tpu.memory_space<vmem>>) offsets(%dma_start3A_256 : memref<64xi32, #tpu.memory_space<vmem>>) semaphore(%arg16 : memref<!tpu.dma_semaphore, #tpu.memory_space<semaphore_mem>>) {add = true}
    %dma_start3A_260 = arith.constant 14 : i32
    %dma_start3A_261 = arith.constant 64 : i32
    %dma_start3A_262 = tpu.memref_slice %arg7[%dma_start3A_260, %dma_start3A_261] : memref<20x128xi32, #tpu.memory_space<vmem>> -> memref<1x64xi32, #tpu.memory_space<vmem>>
    %dma_start3A_263 = tpu.memref_squeeze %dma_start3A_262 : memref<1x64xi32, #tpu.memory_space<vmem>> -> memref<64xi32, #tpu.memory_space<vmem>>
    %dma_start3A_264 = arith.constant 0 : i32
    %dma_start3A_265 = arith.constant 0 : i32
    %dma_start3A_266 = tpu.memref_slice %arg2[%dma_start3A_264, %dma_start3A_265] : memref<1000000x128xf32, #tpu.memory_space<hbm>> -> memref<1000000x128xf32, #tpu.memory_space<hbm>>
    tpu.enqueue_indirect_dma source(%dma_start3A_266 : memref<1000000x128xf32, #tpu.memory_space<hbm>>) target(%arg11 : memref<64x128xf32, #tpu.memory_space<vmem>>) offsets(%dma_start3A_263 : memref<64xi32, #tpu.memory_space<vmem>>) semaphore(%arg16 : memref<!tpu.dma_semaphore, #tpu.memory_space<semaphore_mem>>) {add = true}
    %dma_start3A_267 = arith.constant 15 : i32
    %dma_start3A_268 = arith.constant 0 : i32
    %dma_start3A_269 = tpu.memref_slice %arg7[%dma_start3A_267, %dma_start3A_268] : memref<20x128xi32, #tpu.memory_space<vmem>> -> memref<1x64xi32, #tpu.memory_space<vmem>>
    %dma_start3A_270 = tpu.memref_squeeze %dma_start3A_269 : memref<1x64xi32, #tpu.memory_space<vmem>> -> memref<64xi32, #tpu.memory_space<vmem>>
    %dma_start3A_271 = arith.constant 0 : i32
    %dma_start3A_272 = arith.constant 0 : i32
    %dma_start3A_273 = tpu.memref_slice %arg2[%dma_start3A_271, %dma_start3A_272] : memref<1000000x128xf32, #tpu.memory_space<hbm>> -> memref<1000000x128xf32, #tpu.memory_space<hbm>>
    tpu.enqueue_indirect_dma source(%dma_start3A_273 : memref<1000000x128xf32, #tpu.memory_space<hbm>>) target(%arg10 : memref<64x128xf32, #tpu.memory_space<vmem>>) offsets(%dma_start3A_270 : memref<64xi32, #tpu.memory_space<vmem>>) semaphore(%arg16 : memref<!tpu.dma_semaphore, #tpu.memory_space<semaphore_mem>>) {add = true}
    %dma_start3A_274 = arith.constant 15 : i32
    %dma_start3A_275 = arith.constant 64 : i32
    %dma_start3A_276 = tpu.memref_slice %arg7[%dma_start3A_274, %dma_start3A_275] : memref<20x128xi32, #tpu.memory_space<vmem>> -> memref<1x64xi32, #tpu.memory_space<vmem>>
    %dma_start3A_277 = tpu.memref_squeeze %dma_start3A_276 : memref<1x64xi32, #tpu.memory_space<vmem>> -> memref<64xi32, #tpu.memory_space<vmem>>
    %dma_start3A_278 = arith.constant 0 : i32
    %dma_start3A_279 = arith.constant 0 : i32
    %dma_start3A_280 = tpu.memref_slice %arg2[%dma_start3A_278, %dma_start3A_279] : memref<1000000x128xf32, #tpu.memory_space<hbm>> -> memref<1000000x128xf32, #tpu.memory_space<hbm>>
    tpu.enqueue_indirect_dma source(%dma_start3A_280 : memref<1000000x128xf32, #tpu.memory_space<hbm>>) target(%arg11 : memref<64x128xf32, #tpu.memory_space<vmem>>) offsets(%dma_start3A_277 : memref<64xi32, #tpu.memory_space<vmem>>) semaphore(%arg16 : memref<!tpu.dma_semaphore, #tpu.memory_space<semaphore_mem>>) {add = true}
    %dma_start3A_281 = arith.constant 16 : i32
    %dma_start3A_282 = arith.constant 0 : i32
    %dma_start3A_283 = tpu.memref_slice %arg7[%dma_start3A_281, %dma_start3A_282] : memref<20x128xi32, #tpu.memory_space<vmem>> -> memref<1x64xi32, #tpu.memory_space<vmem>>
    %dma_start3A_284 = tpu.memref_squeeze %dma_start3A_283 : memref<1x64xi32, #tpu.memory_space<vmem>> -> memref<64xi32, #tpu.memory_space<vmem>>
    %dma_start3A_285 = arith.constant 0 : i32
    %dma_start3A_286 = arith.constant 0 : i32
    %dma_start3A_287 = tpu.memref_slice %arg2[%dma_start3A_285, %dma_start3A_286] : memref<1000000x128xf32, #tpu.memory_space<hbm>> -> memref<1000000x128xf32, #tpu.memory_space<hbm>>
    tpu.enqueue_indirect_dma source(%dma_start3A_287 : memref<1000000x128xf32, #tpu.memory_space<hbm>>) target(%arg10 : memref<64x128xf32, #tpu.memory_space<vmem>>) offsets(%dma_start3A_284 : memref<64xi32, #tpu.memory_space<vmem>>) semaphore(%arg16 : memref<!tpu.dma_semaphore, #tpu.memory_space<semaphore_mem>>) {add = true}
    %dma_start3A_288 = arith.constant 16 : i32
    %dma_start3A_289 = arith.constant 64 : i32
    %dma_start3A_290 = tpu.memref_slice %arg7[%dma_start3A_288, %dma_start3A_289] : memref<20x128xi32, #tpu.memory_space<vmem>> -> memref<1x64xi32, #tpu.memory_space<vmem>>
    %dma_start3A_291 = tpu.memref_squeeze %dma_start3A_290 : memref<1x64xi32, #tpu.memory_space<vmem>> -> memref<64xi32, #tpu.memory_space<vmem>>
    %dma_start3A_292 = arith.constant 0 : i32
    %dma_start3A_293 = arith.constant 0 : i32
    %dma_start3A_294 = tpu.memref_slice %arg2[%dma_start3A_292, %dma_start3A_293] : memref<1000000x128xf32, #tpu.memory_space<hbm>> -> memref<1000000x128xf32, #tpu.memory_space<hbm>>
    tpu.enqueue_indirect_dma source(%dma_start3A_294 : memref<1000000x128xf32, #tpu.memory_space<hbm>>) target(%arg11 : memref<64x128xf32, #tpu.memory_space<vmem>>) offsets(%dma_start3A_291 : memref<64xi32, #tpu.memory_space<vmem>>) semaphore(%arg16 : memref<!tpu.dma_semaphore, #tpu.memory_space<semaphore_mem>>) {add = true}
    %dma_start3A_295 = arith.constant 17 : i32
    %dma_start3A_296 = arith.constant 0 : i32
    %dma_start3A_297 = tpu.memref_slice %arg7[%dma_start3A_295, %dma_start3A_296] : memref<20x128xi32, #tpu.memory_space<vmem>> -> memref<1x64xi32, #tpu.memory_space<vmem>>
    %dma_start3A_298 = tpu.memref_squeeze %dma_start3A_297 : memref<1x64xi32, #tpu.memory_space<vmem>> -> memref<64xi32, #tpu.memory_space<vmem>>
    %dma_start3A_299 = arith.constant 0 : i32
    %dma_start3A_300 = arith.constant 0 : i32
    %dma_start3A_301 = tpu.memref_slice %arg2[%dma_start3A_299, %dma_start3A_300] : memref<1000000x128xf32, #tpu.memory_space<hbm>> -> memref<1000000x128xf32, #tpu.memory_space<hbm>>
    tpu.enqueue_indirect_dma source(%dma_start3A_301 : memref<1000000x128xf32, #tpu.memory_space<hbm>>) target(%arg10 : memref<64x128xf32, #tpu.memory_space<vmem>>) offsets(%dma_start3A_298 : memref<64xi32, #tpu.memory_space<vmem>>) semaphore(%arg16 : memref<!tpu.dma_semaphore, #tpu.memory_space<semaphore_mem>>) {add = true}
    %dma_start3A_302 = arith.constant 17 : i32
    %dma_start3A_303 = arith.constant 64 : i32
    %dma_start3A_304 = tpu.memref_slice %arg7[%dma_start3A_302, %dma_start3A_303] : memref<20x128xi32, #tpu.memory_space<vmem>> -> memref<1x64xi32, #tpu.memory_space<vmem>>
    %dma_start3A_305 = tpu.memref_squeeze %dma_start3A_304 : memref<1x64xi32, #tpu.memory_space<vmem>> -> memref<64xi32, #tpu.memory_space<vmem>>
    %dma_start3A_306 = arith.constant 0 : i32
    %dma_start3A_307 = arith.constant 0 : i32
    %dma_start3A_308 = tpu.memref_slice %arg2[%dma_start3A_306, %dma_start3A_307] : memref<1000000x128xf32, #tpu.memory_space<hbm>> -> memref<1000000x128xf32, #tpu.memory_space<hbm>>
    tpu.enqueue_indirect_dma source(%dma_start3A_308 : memref<1000000x128xf32, #tpu.memory_space<hbm>>) target(%arg11 : memref<64x128xf32, #tpu.memory_space<vmem>>) offsets(%dma_start3A_305 : memref<64xi32, #tpu.memory_space<vmem>>) semaphore(%arg16 : memref<!tpu.dma_semaphore, #tpu.memory_space<semaphore_mem>>) {add = true}
    %dma_start3A_309 = arith.constant 18 : i32
    %dma_start3A_310 = arith.constant 0 : i32
    %dma_start3A_311 = tpu.memref_slice %arg7[%dma_start3A_309, %dma_start3A_310] : memref<20x128xi32, #tpu.memory_space<vmem>> -> memref<1x64xi32, #tpu.memory_space<vmem>>
    %dma_start3A_312 = tpu.memref_squeeze %dma_start3A_311 : memref<1x64xi32, #tpu.memory_space<vmem>> -> memref<64xi32, #tpu.memory_space<vmem>>
    %dma_start3A_313 = arith.constant 0 : i32
    %dma_start3A_314 = arith.constant 0 : i32
    %dma_start3A_315 = tpu.memref_slice %arg2[%dma_start3A_313, %dma_start3A_314] : memref<1000000x128xf32, #tpu.memory_space<hbm>> -> memref<1000000x128xf32, #tpu.memory_space<hbm>>
    tpu.enqueue_indirect_dma source(%dma_start3A_315 : memref<1000000x128xf32, #tpu.memory_space<hbm>>) target(%arg10 : memref<64x128xf32, #tpu.memory_space<vmem>>) offsets(%dma_start3A_312 : memref<64xi32, #tpu.memory_space<vmem>>) semaphore(%arg16 : memref<!tpu.dma_semaphore, #tpu.memory_space<semaphore_mem>>) {add = true}
    %dma_start3A_316 = arith.constant 18 : i32
    %dma_start3A_317 = arith.constant 64 : i32
    %dma_start3A_318 = tpu.memref_slice %arg7[%dma_start3A_316, %dma_start3A_317] : memref<20x128xi32, #tpu.memory_space<vmem>> -> memref<1x64xi32, #tpu.memory_space<vmem>>
    %dma_start3A_319 = tpu.memref_squeeze %dma_start3A_318 : memref<1x64xi32, #tpu.memory_space<vmem>> -> memref<64xi32, #tpu.memory_space<vmem>>
    %dma_start3A_320 = arith.constant 0 : i32
    %dma_start3A_321 = arith.constant 0 : i32
    %dma_start3A_322 = tpu.memref_slice %arg2[%dma_start3A_320, %dma_start3A_321] : memref<1000000x128xf32, #tpu.memory_space<hbm>> -> memref<1000000x128xf32, #tpu.memory_space<hbm>>
    tpu.enqueue_indirect_dma source(%dma_start3A_322 : memref<1000000x128xf32, #tpu.memory_space<hbm>>) target(%arg11 : memref<64x128xf32, #tpu.memory_space<vmem>>) offsets(%dma_start3A_319 : memref<64xi32, #tpu.memory_space<vmem>>) semaphore(%arg16 : memref<!tpu.dma_semaphore, #tpu.memory_space<semaphore_mem>>) {add = true}
    %dma_start3A_323 = arith.constant 19 : i32
    %dma_start3A_324 = arith.constant 0 : i32
    %dma_start3A_325 = tpu.memref_slice %arg7[%dma_start3A_323, %dma_start3A_324] : memref<20x128xi32, #tpu.memory_space<vmem>> -> memref<1x64xi32, #tpu.memory_space<vmem>>
    %dma_start3A_326 = tpu.memref_squeeze %dma_start3A_325 : memref<1x64xi32, #tpu.memory_space<vmem>> -> memref<64xi32, #tpu.memory_space<vmem>>
    %dma_start3A_327 = arith.constant 0 : i32
    %dma_start3A_328 = arith.constant 0 : i32
    %dma_start3A_329 = tpu.memref_slice %arg2[%dma_start3A_327, %dma_start3A_328] : memref<1000000x128xf32, #tpu.memory_space<hbm>> -> memref<1000000x128xf32, #tpu.memory_space<hbm>>
    tpu.enqueue_indirect_dma source(%dma_start3A_329 : memref<1000000x128xf32, #tpu.memory_space<hbm>>) target(%arg10 : memref<64x128xf32, #tpu.memory_space<vmem>>) offsets(%dma_start3A_326 : memref<64xi32, #tpu.memory_space<vmem>>) semaphore(%arg16 : memref<!tpu.dma_semaphore, #tpu.memory_space<semaphore_mem>>) {add = true}
    %dma_start3A_330 = arith.constant 19 : i32
    %dma_start3A_331 = arith.constant 64 : i32
    %dma_start3A_332 = tpu.memref_slice %arg7[%dma_start3A_330, %dma_start3A_331] : memref<20x128xi32, #tpu.memory_space<vmem>> -> memref<1x64xi32, #tpu.memory_space<vmem>>
    %dma_start3A_333 = tpu.memref_squeeze %dma_start3A_332 : memref<1x64xi32, #tpu.memory_space<vmem>> -> memref<64xi32, #tpu.memory_space<vmem>>
    %dma_start3A_334 = arith.constant 0 : i32
    %dma_start3A_335 = arith.constant 0 : i32
    %dma_start3A_336 = tpu.memref_slice %arg2[%dma_start3A_334, %dma_start3A_335] : memref<1000000x128xf32, #tpu.memory_space<hbm>> -> memref<1000000x128xf32, #tpu.memory_space<hbm>>
    tpu.enqueue_indirect_dma source(%dma_start3A_336 : memref<1000000x128xf32, #tpu.memory_space<hbm>>) target(%arg11 : memref<64x128xf32, #tpu.memory_space<vmem>>) offsets(%dma_start3A_333 : memref<64xi32, #tpu.memory_space<vmem>>) semaphore(%arg16 : memref<!tpu.dma_semaphore, #tpu.memory_space<semaphore_mem>>) {add = true}
    %scan3A = arith.constant 0 : i32
    %scan3A_337 = arith.constant 0 : i32
    %scan3A_338 = arith.constant 12 : i32
    %scan3A_339 = arith.addi %scan3A_337, %scan3A_338 : i32
    %scan3A_340 = arith.constant 1 : i32
    scf.for %scan3A_642 = %scan3A_337 to %scan3A_339 step %scan3A_340  : i32 {
      %mul3A_643 = arith.constant 2 : i32
      %mul3A_644 = arith.muli %mul3A_643, %scan3A_642 : i32
      %dma_wait3A_645 = arith.constant 0 : i32
      %dma_wait3A_646 = arith.constant 0 : i32
      %dma_wait3A_647 = arith.constant 0 : i32
      %dma_wait3A_648 = tpu.memref_slice %arg8[%dma_wait3A_646, %dma_wait3A_647] : memref<128x256xf32, #tpu.memory_space<vmem>> -> memref<128x128xf32, #tpu.memory_space<vmem>>
      %dma_wait3A_649 = arith.constant 0 : i32
      %dma_wait3A_650 = tpu.memref_slice %arg6[%dma_wait3A_645, %dma_wait3A_649] : memref<50x128xi32, #tpu.memory_space<vmem>> -> memref<1x128xi32, #tpu.memory_space<vmem>>
      %dma_wait3A_651 = tpu.memref_squeeze %dma_wait3A_650 : memref<1x128xi32, #tpu.memory_space<vmem>> -> memref<128xi32, #tpu.memory_space<vmem>>
      %dma_wait3A_652 = arith.constant 0 : i32
      %dma_wait3A_653 = arith.constant 0 : i32
      %dma_wait3A_654 = tpu.memref_slice %arg2[%dma_wait3A_652, %dma_wait3A_653] : memref<1000000x128xf32, #tpu.memory_space<hbm>> -> memref<1000000x128xf32, #tpu.memory_space<hbm>>
      tpu.wait_indirect_dma semaphore(%arg12 : memref<!tpu.dma_semaphore, #tpu.memory_space<semaphore_mem>>) src(%dma_wait3A_654 : memref<1000000x128xf32, #tpu.memory_space<hbm>>) dst(%dma_wait3A_648 : memref<128x128xf32, #tpu.memory_space<vmem>>)
      %dma_wait3A_655 = arith.constant 0 : i32
      %dma_wait3A_656 = arith.constant 0 : i32
      %dma_wait3A_657 = arith.constant 128 : i32
      %dma_wait3A_658 = tpu.memref_slice %arg8[%dma_wait3A_656, %dma_wait3A_657] : memref<128x256xf32, #tpu.memory_space<vmem>> -> memref<128x128xf32, #tpu.memory_space<vmem>>
      %dma_wait3A_659 = arith.constant 0 : i32
      %dma_wait3A_660 = tpu.memref_slice %arg6[%dma_wait3A_655, %dma_wait3A_659] : memref<50x128xi32, #tpu.memory_space<vmem>> -> memref<1x128xi32, #tpu.memory_space<vmem>>
      %dma_wait3A_661 = tpu.memref_squeeze %dma_wait3A_660 : memref<1x128xi32, #tpu.memory_space<vmem>> -> memref<128xi32, #tpu.memory_space<vmem>>
      %dma_wait3A_662 = arith.constant 0 : i32
      %dma_wait3A_663 = arith.constant 0 : i32
      %dma_wait3A_664 = tpu.memref_slice %arg2[%dma_wait3A_662, %dma_wait3A_663] : memref<1000000x128xf32, #tpu.memory_space<hbm>> -> memref<1000000x128xf32, #tpu.memory_space<hbm>>
      tpu.wait_indirect_dma semaphore(%arg12 : memref<!tpu.dma_semaphore, #tpu.memory_space<semaphore_mem>>) src(%dma_wait3A_664 : memref<1000000x128xf32, #tpu.memory_space<hbm>>) dst(%dma_wait3A_658 : memref<128x128xf32, #tpu.memory_space<vmem>>)
      %mul3A_665 = arith.constant 128 : i32
      %mul3A_666 = arith.muli %mul3A_644, %mul3A_665 : i32
      %add3A_667 = arith.addi %mul3A_2, %mul3A_666 : i32
      %dma_start3A_668 = arith.constant 0 : i32
      %dma_start3A_669 = tpu.memref_slice %arg5[%add3A_667, %dma_start3A_668] : memref<104448x256xf32, #tpu.memory_space<hbm>> -> memref<128x256xf32, #tpu.memory_space<hbm>>
      %dma_start3A_670 = arith.constant 0 : i32
      %dma_start3A_671 = tpu.memref_slice %arg5[%add3A_667, %dma_start3A_670] : memref<104448x256xf32, #tpu.memory_space<hbm>> -> memref<128x256xf32, #tpu.memory_space<hbm>>
      tpu.enqueue_dma source(%arg8 : memref<128x256xf32, #tpu.memory_space<vmem>>) target(%dma_start3A_671 : memref<128x256xf32, #tpu.memory_space<hbm>>) target_semaphore(%arg14 : memref<!tpu.dma_semaphore, #tpu.memory_space<semaphore_mem>>)
      %dma_wait3A_672 = arith.constant 0 : i32
      %dma_wait3A_673 = tpu.memref_slice %arg5[%add3A_667, %dma_wait3A_672] : memref<104448x256xf32, #tpu.memory_space<hbm>> -> memref<128x256xf32, #tpu.memory_space<hbm>>
      %dma_wait3A_674 = arith.constant 0 : i32
      %dma_wait3A_675 = tpu.memref_slice %arg5[%add3A_667, %dma_wait3A_674] : memref<104448x256xf32, #tpu.memory_space<hbm>> -> memref<128x256xf32, #tpu.memory_space<hbm>>
      tpu.wait_dma2 semaphore(%arg14 : memref<!tpu.dma_semaphore, #tpu.memory_space<semaphore_mem>>) src(%arg8 : memref<128x256xf32, #tpu.memory_space<vmem>>) dst(%dma_wait3A_675 : memref<128x256xf32, #tpu.memory_space<hbm>>)
      %add3A_676 = arith.constant 2 : i32
      %add3A_677 = arith.addi %mul3A_644, %add3A_676 : i32
      %le3A = arith.constant 24 : i32
      %le3A_678 = arith.cmpi sle, %add3A_677, %le3A : i32
      %convert_element_type3A = arith.extui %le3A_678 : i1 to i32
      %cond3A = arith.constant 0 : i32
      %cond3A_679 = arith.cmpi ne, %convert_element_type3A, %cond3A : i32
      scf.if %cond3A_679 {
        %add3A_722 = arith.constant 2 : i32
        %add3A_723 = arith.addi %mul3A_644, %add3A_722 : i32
        %mul3A_724 = arith.constant 2 : i32
        %mul3A_725 = arith.muli %mul3A_724, %add3A_723 : i32
        %dma_start3A_726 = arith.constant 0 : i32
        %dma_start3A_727 = arith.constant 0 : i32
        %dma_start3A_728 = tpu.memref_slice %arg8[%dma_start3A_726, %dma_start3A_727] : memref<128x256xf32, #tpu.memory_space<vmem>> -> memref<128x128xf32, #tpu.memory_space<vmem>>
        %dma_start3A_729 = arith.constant 0 : i32
        %dma_start3A_730 = tpu.memref_slice %arg6[%mul3A_725, %dma_start3A_729] : memref<50x128xi32, #tpu.memory_space<vmem>> -> memref<1x128xi32, #tpu.memory_space<vmem>>
        %dma_start3A_731 = tpu.memref_squeeze %dma_start3A_730 : memref<1x128xi32, #tpu.memory_space<vmem>> -> memref<128xi32, #tpu.memory_space<vmem>>
        %dma_start3A_732 = arith.constant 0 : i32
        %dma_start3A_733 = arith.constant 0 : i32
        %dma_start3A_734 = tpu.memref_slice %arg2[%dma_start3A_732, %dma_start3A_733] : memref<1000000x128xf32, #tpu.memory_space<hbm>> -> memref<1000000x128xf32, #tpu.memory_space<hbm>>
        tpu.enqueue_indirect_dma source(%dma_start3A_734 : memref<1000000x128xf32, #tpu.memory_space<hbm>>) target(%dma_start3A_728 : memref<128x128xf32, #tpu.memory_space<vmem>>) offsets(%dma_start3A_731 : memref<128xi32, #tpu.memory_space<vmem>>) semaphore(%arg12 : memref<!tpu.dma_semaphore, #tpu.memory_space<semaphore_mem>>)
        %mul3A_735 = arith.constant 2 : i32
        %mul3A_736 = arith.muli %mul3A_735, %add3A_723 : i32
        %add3A_737 = arith.constant 1 : i32
        %add3A_738 = arith.addi %mul3A_736, %add3A_737 : i32
        %dma_start3A_739 = arith.constant 0 : i32
        %dma_start3A_740 = arith.constant 128 : i32
        %dma_start3A_741 = tpu.memref_slice %arg8[%dma_start3A_739, %dma_start3A_740] : memref<128x256xf32, #tpu.memory_space<vmem>> -> memref<128x128xf32, #tpu.memory_space<vmem>>
        %dma_start3A_742 = arith.constant 0 : i32
        %dma_start3A_743 = tpu.memref_slice %arg6[%add3A_738, %dma_start3A_742] : memref<50x128xi32, #tpu.memory_space<vmem>> -> memref<1x128xi32, #tpu.memory_space<vmem>>
        %dma_start3A_744 = tpu.memref_squeeze %dma_start3A_743 : memref<1x128xi32, #tpu.memory_space<vmem>> -> memref<128xi32, #tpu.memory_space<vmem>>
        %dma_start3A_745 = arith.constant 0 : i32
        %dma_start3A_746 = arith.constant 0 : i32
        %dma_start3A_747 = tpu.memref_slice %arg2[%dma_start3A_745, %dma_start3A_746] : memref<1000000x128xf32, #tpu.memory_space<hbm>> -> memref<1000000x128xf32, #tpu.memory_space<hbm>>
        tpu.enqueue_indirect_dma source(%dma_start3A_747 : memref<1000000x128xf32, #tpu.memory_space<hbm>>) target(%dma_start3A_741 : memref<128x128xf32, #tpu.memory_space<vmem>>) offsets(%dma_start3A_744 : memref<128xi32, #tpu.memory_space<vmem>>) semaphore(%arg12 : memref<!tpu.dma_semaphore, #tpu.memory_space<semaphore_mem>>)
      } else {
      }
      %mul3A_680 = arith.constant 2 : i32
      %mul3A_681 = arith.muli %mul3A_680, %scan3A_642 : i32
      %add3A_682 = arith.constant 1 : i32
      %add3A_683 = arith.addi %mul3A_681, %add3A_682 : i32
      %dma_wait3A_684 = arith.constant 0 : i32
      %dma_wait3A_685 = arith.constant 0 : i32
      %dma_wait3A_686 = arith.constant 0 : i32
      %dma_wait3A_687 = tpu.memref_slice %arg9[%dma_wait3A_685, %dma_wait3A_686] : memref<128x256xf32, #tpu.memory_space<vmem>> -> memref<128x128xf32, #tpu.memory_space<vmem>>
      %dma_wait3A_688 = arith.constant 0 : i32
      %dma_wait3A_689 = tpu.memref_slice %arg6[%dma_wait3A_684, %dma_wait3A_688] : memref<50x128xi32, #tpu.memory_space<vmem>> -> memref<1x128xi32, #tpu.memory_space<vmem>>
      %dma_wait3A_690 = tpu.memref_squeeze %dma_wait3A_689 : memref<1x128xi32, #tpu.memory_space<vmem>> -> memref<128xi32, #tpu.memory_space<vmem>>
      %dma_wait3A_691 = arith.constant 0 : i32
      %dma_wait3A_692 = arith.constant 0 : i32
      %dma_wait3A_693 = tpu.memref_slice %arg2[%dma_wait3A_691, %dma_wait3A_692] : memref<1000000x128xf32, #tpu.memory_space<hbm>> -> memref<1000000x128xf32, #tpu.memory_space<hbm>>
      tpu.wait_indirect_dma semaphore(%arg13 : memref<!tpu.dma_semaphore, #tpu.memory_space<semaphore_mem>>) src(%dma_wait3A_693 : memref<1000000x128xf32, #tpu.memory_space<hbm>>) dst(%dma_wait3A_687 : memref<128x128xf32, #tpu.memory_space<vmem>>)
      %dma_wait3A_694 = arith.constant 0 : i32
      %dma_wait3A_695 = arith.constant 0 : i32
      %dma_wait3A_696 = arith.constant 128 : i32
      %dma_wait3A_697 = tpu.memref_slice %arg9[%dma_wait3A_695, %dma_wait3A_696] : memref<128x256xf32, #tpu.memory_space<vmem>> -> memref<128x128xf32, #tpu.memory_space<vmem>>
      %dma_wait3A_698 = arith.constant 0 : i32
      %dma_wait3A_699 = tpu.memref_slice %arg6[%dma_wait3A_694, %dma_wait3A_698] : memref<50x128xi32, #tpu.memory_space<vmem>> -> memref<1x128xi32, #tpu.memory_space<vmem>>
      %dma_wait3A_700 = tpu.memref_squeeze %dma_wait3A_699 : memref<1x128xi32, #tpu.memory_space<vmem>> -> memref<128xi32, #tpu.memory_space<vmem>>
      %dma_wait3A_701 = arith.constant 0 : i32
      %dma_wait3A_702 = arith.constant 0 : i32
      %dma_wait3A_703 = tpu.memref_slice %arg2[%dma_wait3A_701, %dma_wait3A_702] : memref<1000000x128xf32, #tpu.memory_space<hbm>> -> memref<1000000x128xf32, #tpu.memory_space<hbm>>
      tpu.wait_indirect_dma semaphore(%arg13 : memref<!tpu.dma_semaphore, #tpu.memory_space<semaphore_mem>>) src(%dma_wait3A_703 : memref<1000000x128xf32, #tpu.memory_space<hbm>>) dst(%dma_wait3A_697 : memref<128x128xf32, #tpu.memory_space<vmem>>)
      %mul3A_704 = arith.constant 128 : i32
      %mul3A_705 = arith.muli %add3A_683, %mul3A_704 : i32
      %add3A_706 = arith.addi %mul3A_2, %mul3A_705 : i32
      %dma_start3A_707 = arith.constant 0 : i32
      %dma_start3A_708 = tpu.memref_slice %arg5[%add3A_706, %dma_start3A_707] : memref<104448x256xf32, #tpu.memory_space<hbm>> -> memref<128x256xf32, #tpu.memory_space<hbm>>
      %dma_start3A_709 = arith.constant 0 : i32
      %dma_start3A_710 = tpu.memref_slice %arg5[%add3A_706, %dma_start3A_709] : memref<104448x256xf32, #tpu.memory_space<hbm>> -> memref<128x256xf32, #tpu.memory_space<hbm>>
      tpu.enqueue_dma source(%arg9 : memref<128x256xf32, #tpu.memory_space<vmem>>) target(%dma_start3A_710 : memref<128x256xf32, #tpu.memory_space<hbm>>) target_semaphore(%arg15 : memref<!tpu.dma_semaphore, #tpu.memory_space<semaphore_mem>>)
      %dma_wait3A_711 = arith.constant 0 : i32
      %dma_wait3A_712 = tpu.memref_slice %arg5[%add3A_706, %dma_wait3A_711] : memref<104448x256xf32, #tpu.memory_space<hbm>> -> memref<128x256xf32, #tpu.memory_space<hbm>>
      %dma_wait3A_713 = arith.constant 0 : i32
      %dma_wait3A_714 = tpu.memref_slice %arg5[%add3A_706, %dma_wait3A_713] : memref<104448x256xf32, #tpu.memory_space<hbm>> -> memref<128x256xf32, #tpu.memory_space<hbm>>
      tpu.wait_dma2 semaphore(%arg15 : memref<!tpu.dma_semaphore, #tpu.memory_space<semaphore_mem>>) src(%arg9 : memref<128x256xf32, #tpu.memory_space<vmem>>) dst(%dma_wait3A_714 : memref<128x256xf32, #tpu.memory_space<hbm>>)
      %add3A_715 = arith.constant 2 : i32
      %add3A_716 = arith.addi %add3A_683, %add3A_715 : i32
      %le3A_717 = arith.constant 24 : i32
      %le3A_718 = arith.cmpi sle, %add3A_716, %le3A_717 : i32
      %convert_element_type3A_719 = arith.extui %le3A_718 : i1 to i32
      %cond3A_720 = arith.constant 0 : i32
      %cond3A_721 = arith.cmpi ne, %convert_element_type3A_719, %cond3A_720 : i32
      scf.if %cond3A_721 {
        %add3A_722 = arith.constant 2 : i32
        %add3A_723 = arith.addi %add3A_683, %add3A_722 : i32
        %mul3A_724 = arith.constant 2 : i32
        %mul3A_725 = arith.muli %mul3A_724, %add3A_723 : i32
        %dma_start3A_726 = arith.constant 0 : i32
        %dma_start3A_727 = arith.constant 0 : i32
        %dma_start3A_728 = tpu.memref_slice %arg9[%dma_start3A_726, %dma_start3A_727] : memref<128x256xf32, #tpu.memory_space<vmem>> -> memref<128x128xf32, #tpu.memory_space<vmem>>
        %dma_start3A_729 = arith.constant 0 : i32
        %dma_start3A_730 = tpu.memref_slice %arg6[%mul3A_725, %dma_start3A_729] : memref<50x128xi32, #tpu.memory_space<vmem>> -> memref<1x128xi32, #tpu.memory_space<vmem>>
        %dma_start3A_731 = tpu.memref_squeeze %dma_start3A_730 : memref<1x128xi32, #tpu.memory_space<vmem>> -> memref<128xi32, #tpu.memory_space<vmem>>
        %dma_start3A_732 = arith.constant 0 : i32
        %dma_start3A_733 = arith.constant 0 : i32
        %dma_start3A_734 = tpu.memref_slice %arg2[%dma_start3A_732, %dma_start3A_733] : memref<1000000x128xf32, #tpu.memory_space<hbm>> -> memref<1000000x128xf32, #tpu.memory_space<hbm>>
        tpu.enqueue_indirect_dma source(%dma_start3A_734 : memref<1000000x128xf32, #tpu.memory_space<hbm>>) target(%dma_start3A_728 : memref<128x128xf32, #tpu.memory_space<vmem>>) offsets(%dma_start3A_731 : memref<128xi32, #tpu.memory_space<vmem>>) semaphore(%arg13 : memref<!tpu.dma_semaphore, #tpu.memory_space<semaphore_mem>>)
        %mul3A_735 = arith.constant 2 : i32
        %mul3A_736 = arith.muli %mul3A_735, %add3A_723 : i32
        %add3A_737 = arith.constant 1 : i32
        %add3A_738 = arith.addi %mul3A_736, %add3A_737 : i32
        %dma_start3A_739 = arith.constant 0 : i32
        %dma_start3A_740 = arith.constant 128 : i32
        %dma_start3A_741 = tpu.memref_slice %arg9[%dma_start3A_739, %dma_start3A_740] : memref<128x256xf32, #tpu.memory_space<vmem>> -> memref<128x128xf32, #tpu.memory_space<vmem>>
        %dma_start3A_742 = arith.constant 0 : i32
        %dma_start3A_743 = tpu.memref_slice %arg6[%add3A_738, %dma_start3A_742] : memref<50x128xi32, #tpu.memory_space<vmem>> -> memref<1x128xi32, #tpu.memory_space<vmem>>
        %dma_start3A_744 = tpu.memref_squeeze %dma_start3A_743 : memref<1x128xi32, #tpu.memory_space<vmem>> -> memref<128xi32, #tpu.memory_space<vmem>>
        %dma_start3A_745 = arith.constant 0 : i32
        %dma_start3A_746 = arith.constant 0 : i32
        %dma_start3A_747 = tpu.memref_slice %arg2[%dma_start3A_745, %dma_start3A_746] : memref<1000000x128xf32, #tpu.memory_space<hbm>> -> memref<1000000x128xf32, #tpu.memory_space<hbm>>
        tpu.enqueue_indirect_dma source(%dma_start3A_747 : memref<1000000x128xf32, #tpu.memory_space<hbm>>) target(%dma_start3A_741 : memref<128x128xf32, #tpu.memory_space<vmem>>) offsets(%dma_start3A_744 : memref<128xi32, #tpu.memory_space<vmem>>) semaphore(%arg13 : memref<!tpu.dma_semaphore, #tpu.memory_space<semaphore_mem>>)
      } else {
      }
    }
    %scan3A_341 = arith.constant 12 : i32
    %dma_wait3A_342 = arith.constant 0 : i32
    %dma_wait3A_343 = arith.constant 0 : i32
    %dma_wait3A_344 = arith.constant 0 : i32
    %dma_wait3A_345 = tpu.memref_slice %arg8[%dma_wait3A_343, %dma_wait3A_344] : memref<128x256xf32, #tpu.memory_space<vmem>> -> memref<128x128xf32, #tpu.memory_space<vmem>>
    %dma_wait3A_346 = arith.constant 0 : i32
    %dma_wait3A_347 = tpu.memref_slice %arg6[%dma_wait3A_342, %dma_wait3A_346] : memref<50x128xi32, #tpu.memory_space<vmem>> -> memref<1x128xi32, #tpu.memory_space<vmem>>
    %dma_wait3A_348 = tpu.memref_squeeze %dma_wait3A_347 : memref<1x128xi32, #tpu.memory_space<vmem>> -> memref<128xi32, #tpu.memory_space<vmem>>
    %dma_wait3A_349 = arith.constant 0 : i32
    %dma_wait3A_350 = arith.constant 0 : i32
    %dma_wait3A_351 = tpu.memref_slice %arg2[%dma_wait3A_349, %dma_wait3A_350] : memref<1000000x128xf32, #tpu.memory_space<hbm>> -> memref<1000000x128xf32, #tpu.memory_space<hbm>>
    tpu.wait_indirect_dma semaphore(%arg12 : memref<!tpu.dma_semaphore, #tpu.memory_space<semaphore_mem>>) src(%dma_wait3A_351 : memref<1000000x128xf32, #tpu.memory_space<hbm>>) dst(%dma_wait3A_345 : memref<128x128xf32, #tpu.memory_space<vmem>>)
    %dma_wait3A_352 = arith.constant 0 : i32
    %dma_wait3A_353 = arith.constant 0 : i32
    %dma_wait3A_354 = arith.constant 128 : i32
    %dma_wait3A_355 = tpu.memref_slice %arg8[%dma_wait3A_353, %dma_wait3A_354] : memref<128x256xf32, #tpu.memory_space<vmem>> -> memref<128x128xf32, #tpu.memory_space<vmem>>
    %dma_wait3A_356 = arith.constant 0 : i32
    %dma_wait3A_357 = tpu.memref_slice %arg6[%dma_wait3A_352, %dma_wait3A_356] : memref<50x128xi32, #tpu.memory_space<vmem>> -> memref<1x128xi32, #tpu.memory_space<vmem>>
    %dma_wait3A_358 = tpu.memref_squeeze %dma_wait3A_357 : memref<1x128xi32, #tpu.memory_space<vmem>> -> memref<128xi32, #tpu.memory_space<vmem>>
    %dma_wait3A_359 = arith.constant 0 : i32
    %dma_wait3A_360 = arith.constant 0 : i32
    %dma_wait3A_361 = tpu.memref_slice %arg2[%dma_wait3A_359, %dma_wait3A_360] : memref<1000000x128xf32, #tpu.memory_space<hbm>> -> memref<1000000x128xf32, #tpu.memory_space<hbm>>
    tpu.wait_indirect_dma semaphore(%arg12 : memref<!tpu.dma_semaphore, #tpu.memory_space<semaphore_mem>>) src(%dma_wait3A_361 : memref<1000000x128xf32, #tpu.memory_space<hbm>>) dst(%dma_wait3A_355 : memref<128x128xf32, #tpu.memory_space<vmem>>)
    %add3A_362 = arith.constant 3072 : i32
    %add3A_363 = arith.addi %mul3A_2, %add3A_362 : i32
    %dma_start3A_364 = arith.constant 0 : i32
    %dma_start3A_365 = tpu.memref_slice %arg5[%add3A_363, %dma_start3A_364] : memref<104448x256xf32, #tpu.memory_space<hbm>> -> memref<128x256xf32, #tpu.memory_space<hbm>>
    %dma_start3A_366 = arith.constant 0 : i32
    %dma_start3A_367 = tpu.memref_slice %arg5[%add3A_363, %dma_start3A_366] : memref<104448x256xf32, #tpu.memory_space<hbm>> -> memref<128x256xf32, #tpu.memory_space<hbm>>
    tpu.enqueue_dma source(%arg8 : memref<128x256xf32, #tpu.memory_space<vmem>>) target(%dma_start3A_367 : memref<128x256xf32, #tpu.memory_space<hbm>>) target_semaphore(%arg14 : memref<!tpu.dma_semaphore, #tpu.memory_space<semaphore_mem>>)
    %dma_wait3A_368 = arith.constant 0 : i32
    %dma_wait3A_369 = tpu.memref_slice %arg5[%add3A_363, %dma_wait3A_368] : memref<104448x256xf32, #tpu.memory_space<hbm>> -> memref<128x256xf32, #tpu.memory_space<hbm>>
    %dma_wait3A_370 = arith.constant 0 : i32
    %dma_wait3A_371 = tpu.memref_slice %arg5[%add3A_363, %dma_wait3A_370] : memref<104448x256xf32, #tpu.memory_space<hbm>> -> memref<128x256xf32, #tpu.memory_space<hbm>>
    tpu.wait_dma2 semaphore(%arg14 : memref<!tpu.dma_semaphore, #tpu.memory_space<semaphore_mem>>) src(%arg8 : memref<128x256xf32, #tpu.memory_space<vmem>>) dst(%dma_wait3A_371 : memref<128x256xf32, #tpu.memory_space<hbm>>)
    %dma_wait3A_372 = arith.constant 1 : i32
    %dma_wait3A_373 = arith.constant 0 : i32
    %dma_wait3A_374 = tpu.memref_slice %arg7[%dma_wait3A_372, %dma_wait3A_373] : memref<20x128xi32, #tpu.memory_space<vmem>> -> memref<1x64xi32, #tpu.memory_space<vmem>>
    %dma_wait3A_375 = tpu.memref_squeeze %dma_wait3A_374 : memref<1x64xi32, #tpu.memory_space<vmem>> -> memref<64xi32, #tpu.memory_space<vmem>>
    %dma_wait3A_376 = arith.constant 0 : i32
    %dma_wait3A_377 = arith.constant 0 : i32
    %dma_wait3A_378 = tpu.memref_slice %arg2[%dma_wait3A_376, %dma_wait3A_377] : memref<1000000x128xf32, #tpu.memory_space<hbm>> -> memref<1000000x128xf32, #tpu.memory_space<hbm>>
    tpu.wait_indirect_dma semaphore(%arg16 : memref<!tpu.dma_semaphore, #tpu.memory_space<semaphore_mem>>) src(%dma_wait3A_378 : memref<1000000x128xf32, #tpu.memory_space<hbm>>) dst(%arg10 : memref<64x128xf32, #tpu.memory_space<vmem>>)
    %dma_wait3A_379 = arith.constant 1 : i32
    %dma_wait3A_380 = arith.constant 64 : i32
    %dma_wait3A_381 = tpu.memref_slice %arg7[%dma_wait3A_379, %dma_wait3A_380] : memref<20x128xi32, #tpu.memory_space<vmem>> -> memref<1x64xi32, #tpu.memory_space<vmem>>
    %dma_wait3A_382 = tpu.memref_squeeze %dma_wait3A_381 : memref<1x64xi32, #tpu.memory_space<vmem>> -> memref<64xi32, #tpu.memory_space<vmem>>
    %dma_wait3A_383 = arith.constant 0 : i32
    %dma_wait3A_384 = arith.constant 0 : i32
    %dma_wait3A_385 = tpu.memref_slice %arg2[%dma_wait3A_383, %dma_wait3A_384] : memref<1000000x128xf32, #tpu.memory_space<hbm>> -> memref<1000000x128xf32, #tpu.memory_space<hbm>>
    tpu.wait_indirect_dma semaphore(%arg16 : memref<!tpu.dma_semaphore, #tpu.memory_space<semaphore_mem>>) src(%dma_wait3A_385 : memref<1000000x128xf32, #tpu.memory_space<hbm>>) dst(%arg11 : memref<64x128xf32, #tpu.memory_space<vmem>>)
    %dma_wait3A_386 = arith.constant 2 : i32
    %dma_wait3A_387 = arith.constant 0 : i32
    %dma_wait3A_388 = tpu.memref_slice %arg7[%dma_wait3A_386, %dma_wait3A_387] : memref<20x128xi32, #tpu.memory_space<vmem>> -> memref<1x64xi32, #tpu.memory_space<vmem>>
    %dma_wait3A_389 = tpu.memref_squeeze %dma_wait3A_388 : memref<1x64xi32, #tpu.memory_space<vmem>> -> memref<64xi32, #tpu.memory_space<vmem>>
    %dma_wait3A_390 = arith.constant 0 : i32
    %dma_wait3A_391 = arith.constant 0 : i32
    %dma_wait3A_392 = tpu.memref_slice %arg2[%dma_wait3A_390, %dma_wait3A_391] : memref<1000000x128xf32, #tpu.memory_space<hbm>> -> memref<1000000x128xf32, #tpu.memory_space<hbm>>
    tpu.wait_indirect_dma semaphore(%arg16 : memref<!tpu.dma_semaphore, #tpu.memory_space<semaphore_mem>>) src(%dma_wait3A_392 : memref<1000000x128xf32, #tpu.memory_space<hbm>>) dst(%arg10 : memref<64x128xf32, #tpu.memory_space<vmem>>)
    %dma_wait3A_393 = arith.constant 2 : i32
    %dma_wait3A_394 = arith.constant 64 : i32
    %dma_wait3A_395 = tpu.memref_slice %arg7[%dma_wait3A_393, %dma_wait3A_394] : memref<20x128xi32, #tpu.memory_space<vmem>> -> memref<1x64xi32, #tpu.memory_space<vmem>>
    %dma_wait3A_396 = tpu.memref_squeeze %dma_wait3A_395 : memref<1x64xi32, #tpu.memory_space<vmem>> -> memref<64xi32, #tpu.memory_space<vmem>>
    %dma_wait3A_397 = arith.constant 0 : i32
    %dma_wait3A_398 = arith.constant 0 : i32
    %dma_wait3A_399 = tpu.memref_slice %arg2[%dma_wait3A_397, %dma_wait3A_398] : memref<1000000x128xf32, #tpu.memory_space<hbm>> -> memref<1000000x128xf32, #tpu.memory_space<hbm>>
    tpu.wait_indirect_dma semaphore(%arg16 : memref<!tpu.dma_semaphore, #tpu.memory_space<semaphore_mem>>) src(%dma_wait3A_399 : memref<1000000x128xf32, #tpu.memory_space<hbm>>) dst(%arg11 : memref<64x128xf32, #tpu.memory_space<vmem>>)
    %dma_wait3A_400 = arith.constant 3 : i32
    %dma_wait3A_401 = arith.constant 0 : i32
    %dma_wait3A_402 = tpu.memref_slice %arg7[%dma_wait3A_400, %dma_wait3A_401] : memref<20x128xi32, #tpu.memory_space<vmem>> -> memref<1x64xi32, #tpu.memory_space<vmem>>
    %dma_wait3A_403 = tpu.memref_squeeze %dma_wait3A_402 : memref<1x64xi32, #tpu.memory_space<vmem>> -> memref<64xi32, #tpu.memory_space<vmem>>
    %dma_wait3A_404 = arith.constant 0 : i32
    %dma_wait3A_405 = arith.constant 0 : i32
    %dma_wait3A_406 = tpu.memref_slice %arg2[%dma_wait3A_404, %dma_wait3A_405] : memref<1000000x128xf32, #tpu.memory_space<hbm>> -> memref<1000000x128xf32, #tpu.memory_space<hbm>>
    tpu.wait_indirect_dma semaphore(%arg16 : memref<!tpu.dma_semaphore, #tpu.memory_space<semaphore_mem>>) src(%dma_wait3A_406 : memref<1000000x128xf32, #tpu.memory_space<hbm>>) dst(%arg10 : memref<64x128xf32, #tpu.memory_space<vmem>>)
    %dma_wait3A_407 = arith.constant 3 : i32
    %dma_wait3A_408 = arith.constant 64 : i32
    %dma_wait3A_409 = tpu.memref_slice %arg7[%dma_wait3A_407, %dma_wait3A_408] : memref<20x128xi32, #tpu.memory_space<vmem>> -> memref<1x64xi32, #tpu.memory_space<vmem>>
    %dma_wait3A_410 = tpu.memref_squeeze %dma_wait3A_409 : memref<1x64xi32, #tpu.memory_space<vmem>> -> memref<64xi32, #tpu.memory_space<vmem>>
    %dma_wait3A_411 = arith.constant 0 : i32
    %dma_wait3A_412 = arith.constant 0 : i32
    %dma_wait3A_413 = tpu.memref_slice %arg2[%dma_wait3A_411, %dma_wait3A_412] : memref<1000000x128xf32, #tpu.memory_space<hbm>> -> memref<1000000x128xf32, #tpu.memory_space<hbm>>
    tpu.wait_indirect_dma semaphore(%arg16 : memref<!tpu.dma_semaphore, #tpu.memory_space<semaphore_mem>>) src(%dma_wait3A_413 : memref<1000000x128xf32, #tpu.memory_space<hbm>>) dst(%arg11 : memref<64x128xf32, #tpu.memory_space<vmem>>)
    %dma_wait3A_414 = arith.constant 4 : i32
    %dma_wait3A_415 = arith.constant 0 : i32
    %dma_wait3A_416 = tpu.memref_slice %arg7[%dma_wait3A_414, %dma_wait3A_415] : memref<20x128xi32, #tpu.memory_space<vmem>> -> memref<1x64xi32, #tpu.memory_space<vmem>>
    %dma_wait3A_417 = tpu.memref_squeeze %dma_wait3A_416 : memref<1x64xi32, #tpu.memory_space<vmem>> -> memref<64xi32, #tpu.memory_space<vmem>>
    %dma_wait3A_418 = arith.constant 0 : i32
    %dma_wait3A_419 = arith.constant 0 : i32
    %dma_wait3A_420 = tpu.memref_slice %arg2[%dma_wait3A_418, %dma_wait3A_419] : memref<1000000x128xf32, #tpu.memory_space<hbm>> -> memref<1000000x128xf32, #tpu.memory_space<hbm>>
    tpu.wait_indirect_dma semaphore(%arg16 : memref<!tpu.dma_semaphore, #tpu.memory_space<semaphore_mem>>) src(%dma_wait3A_420 : memref<1000000x128xf32, #tpu.memory_space<hbm>>) dst(%arg10 : memref<64x128xf32, #tpu.memory_space<vmem>>)
    %dma_wait3A_421 = arith.constant 4 : i32
    %dma_wait3A_422 = arith.constant 64 : i32
    %dma_wait3A_423 = tpu.memref_slice %arg7[%dma_wait3A_421, %dma_wait3A_422] : memref<20x128xi32, #tpu.memory_space<vmem>> -> memref<1x64xi32, #tpu.memory_space<vmem>>
    %dma_wait3A_424 = tpu.memref_squeeze %dma_wait3A_423 : memref<1x64xi32, #tpu.memory_space<vmem>> -> memref<64xi32, #tpu.memory_space<vmem>>
    %dma_wait3A_425 = arith.constant 0 : i32
    %dma_wait3A_426 = arith.constant 0 : i32
    %dma_wait3A_427 = tpu.memref_slice %arg2[%dma_wait3A_425, %dma_wait3A_426] : memref<1000000x128xf32, #tpu.memory_space<hbm>> -> memref<1000000x128xf32, #tpu.memory_space<hbm>>
    tpu.wait_indirect_dma semaphore(%arg16 : memref<!tpu.dma_semaphore, #tpu.memory_space<semaphore_mem>>) src(%dma_wait3A_427 : memref<1000000x128xf32, #tpu.memory_space<hbm>>) dst(%arg11 : memref<64x128xf32, #tpu.memory_space<vmem>>)
    %dma_wait3A_428 = arith.constant 5 : i32
    %dma_wait3A_429 = arith.constant 0 : i32
    %dma_wait3A_430 = tpu.memref_slice %arg7[%dma_wait3A_428, %dma_wait3A_429] : memref<20x128xi32, #tpu.memory_space<vmem>> -> memref<1x64xi32, #tpu.memory_space<vmem>>
    %dma_wait3A_431 = tpu.memref_squeeze %dma_wait3A_430 : memref<1x64xi32, #tpu.memory_space<vmem>> -> memref<64xi32, #tpu.memory_space<vmem>>
    %dma_wait3A_432 = arith.constant 0 : i32
    %dma_wait3A_433 = arith.constant 0 : i32
    %dma_wait3A_434 = tpu.memref_slice %arg2[%dma_wait3A_432, %dma_wait3A_433] : memref<1000000x128xf32, #tpu.memory_space<hbm>> -> memref<1000000x128xf32, #tpu.memory_space<hbm>>
    tpu.wait_indirect_dma semaphore(%arg16 : memref<!tpu.dma_semaphore, #tpu.memory_space<semaphore_mem>>) src(%dma_wait3A_434 : memref<1000000x128xf32, #tpu.memory_space<hbm>>) dst(%arg10 : memref<64x128xf32, #tpu.memory_space<vmem>>)
    %dma_wait3A_435 = arith.constant 5 : i32
    %dma_wait3A_436 = arith.constant 64 : i32
    %dma_wait3A_437 = tpu.memref_slice %arg7[%dma_wait3A_435, %dma_wait3A_436] : memref<20x128xi32, #tpu.memory_space<vmem>> -> memref<1x64xi32, #tpu.memory_space<vmem>>
    %dma_wait3A_438 = tpu.memref_squeeze %dma_wait3A_437 : memref<1x64xi32, #tpu.memory_space<vmem>> -> memref<64xi32, #tpu.memory_space<vmem>>
    %dma_wait3A_439 = arith.constant 0 : i32
    %dma_wait3A_440 = arith.constant 0 : i32
    %dma_wait3A_441 = tpu.memref_slice %arg2[%dma_wait3A_439, %dma_wait3A_440] : memref<1000000x128xf32, #tpu.memory_space<hbm>> -> memref<1000000x128xf32, #tpu.memory_space<hbm>>
    tpu.wait_indirect_dma semaphore(%arg16 : memref<!tpu.dma_semaphore, #tpu.memory_space<semaphore_mem>>) src(%dma_wait3A_441 : memref<1000000x128xf32, #tpu.memory_space<hbm>>) dst(%arg11 : memref<64x128xf32, #tpu.memory_space<vmem>>)
    %dma_wait3A_442 = arith.constant 6 : i32
    %dma_wait3A_443 = arith.constant 0 : i32
    %dma_wait3A_444 = tpu.memref_slice %arg7[%dma_wait3A_442, %dma_wait3A_443] : memref<20x128xi32, #tpu.memory_space<vmem>> -> memref<1x64xi32, #tpu.memory_space<vmem>>
    %dma_wait3A_445 = tpu.memref_squeeze %dma_wait3A_444 : memref<1x64xi32, #tpu.memory_space<vmem>> -> memref<64xi32, #tpu.memory_space<vmem>>
    %dma_wait3A_446 = arith.constant 0 : i32
    %dma_wait3A_447 = arith.constant 0 : i32
    %dma_wait3A_448 = tpu.memref_slice %arg2[%dma_wait3A_446, %dma_wait3A_447] : memref<1000000x128xf32, #tpu.memory_space<hbm>> -> memref<1000000x128xf32, #tpu.memory_space<hbm>>
    tpu.wait_indirect_dma semaphore(%arg16 : memref<!tpu.dma_semaphore, #tpu.memory_space<semaphore_mem>>) src(%dma_wait3A_448 : memref<1000000x128xf32, #tpu.memory_space<hbm>>) dst(%arg10 : memref<64x128xf32, #tpu.memory_space<vmem>>)
    %dma_wait3A_449 = arith.constant 6 : i32
    %dma_wait3A_450 = arith.constant 64 : i32
    %dma_wait3A_451 = tpu.memref_slice %arg7[%dma_wait3A_449, %dma_wait3A_450] : memref<20x128xi32, #tpu.memory_space<vmem>> -> memref<1x64xi32, #tpu.memory_space<vmem>>
    %dma_wait3A_452 = tpu.memref_squeeze %dma_wait3A_451 : memref<1x64xi32, #tpu.memory_space<vmem>> -> memref<64xi32, #tpu.memory_space<vmem>>
    %dma_wait3A_453 = arith.constant 0 : i32
    %dma_wait3A_454 = arith.constant 0 : i32
    %dma_wait3A_455 = tpu.memref_slice %arg2[%dma_wait3A_453, %dma_wait3A_454] : memref<1000000x128xf32, #tpu.memory_space<hbm>> -> memref<1000000x128xf32, #tpu.memory_space<hbm>>
    tpu.wait_indirect_dma semaphore(%arg16 : memref<!tpu.dma_semaphore, #tpu.memory_space<semaphore_mem>>) src(%dma_wait3A_455 : memref<1000000x128xf32, #tpu.memory_space<hbm>>) dst(%arg11 : memref<64x128xf32, #tpu.memory_space<vmem>>)
    %dma_wait3A_456 = arith.constant 7 : i32
    %dma_wait3A_457 = arith.constant 0 : i32
    %dma_wait3A_458 = tpu.memref_slice %arg7[%dma_wait3A_456, %dma_wait3A_457] : memref<20x128xi32, #tpu.memory_space<vmem>> -> memref<1x64xi32, #tpu.memory_space<vmem>>
    %dma_wait3A_459 = tpu.memref_squeeze %dma_wait3A_458 : memref<1x64xi32, #tpu.memory_space<vmem>> -> memref<64xi32, #tpu.memory_space<vmem>>
    %dma_wait3A_460 = arith.constant 0 : i32
    %dma_wait3A_461 = arith.constant 0 : i32
    %dma_wait3A_462 = tpu.memref_slice %arg2[%dma_wait3A_460, %dma_wait3A_461] : memref<1000000x128xf32, #tpu.memory_space<hbm>> -> memref<1000000x128xf32, #tpu.memory_space<hbm>>
    tpu.wait_indirect_dma semaphore(%arg16 : memref<!tpu.dma_semaphore, #tpu.memory_space<semaphore_mem>>) src(%dma_wait3A_462 : memref<1000000x128xf32, #tpu.memory_space<hbm>>) dst(%arg10 : memref<64x128xf32, #tpu.memory_space<vmem>>)
    %dma_wait3A_463 = arith.constant 7 : i32
    %dma_wait3A_464 = arith.constant 64 : i32
    %dma_wait3A_465 = tpu.memref_slice %arg7[%dma_wait3A_463, %dma_wait3A_464] : memref<20x128xi32, #tpu.memory_space<vmem>> -> memref<1x64xi32, #tpu.memory_space<vmem>>
    %dma_wait3A_466 = tpu.memref_squeeze %dma_wait3A_465 : memref<1x64xi32, #tpu.memory_space<vmem>> -> memref<64xi32, #tpu.memory_space<vmem>>
    %dma_wait3A_467 = arith.constant 0 : i32
    %dma_wait3A_468 = arith.constant 0 : i32
    %dma_wait3A_469 = tpu.memref_slice %arg2[%dma_wait3A_467, %dma_wait3A_468] : memref<1000000x128xf32, #tpu.memory_space<hbm>> -> memref<1000000x128xf32, #tpu.memory_space<hbm>>
    tpu.wait_indirect_dma semaphore(%arg16 : memref<!tpu.dma_semaphore, #tpu.memory_space<semaphore_mem>>) src(%dma_wait3A_469 : memref<1000000x128xf32, #tpu.memory_space<hbm>>) dst(%arg11 : memref<64x128xf32, #tpu.memory_space<vmem>>)
    %dma_wait3A_470 = arith.constant 8 : i32
    %dma_wait3A_471 = arith.constant 0 : i32
    %dma_wait3A_472 = tpu.memref_slice %arg7[%dma_wait3A_470, %dma_wait3A_471] : memref<20x128xi32, #tpu.memory_space<vmem>> -> memref<1x64xi32, #tpu.memory_space<vmem>>
    %dma_wait3A_473 = tpu.memref_squeeze %dma_wait3A_472 : memref<1x64xi32, #tpu.memory_space<vmem>> -> memref<64xi32, #tpu.memory_space<vmem>>
    %dma_wait3A_474 = arith.constant 0 : i32
    %dma_wait3A_475 = arith.constant 0 : i32
    %dma_wait3A_476 = tpu.memref_slice %arg2[%dma_wait3A_474, %dma_wait3A_475] : memref<1000000x128xf32, #tpu.memory_space<hbm>> -> memref<1000000x128xf32, #tpu.memory_space<hbm>>
    tpu.wait_indirect_dma semaphore(%arg16 : memref<!tpu.dma_semaphore, #tpu.memory_space<semaphore_mem>>) src(%dma_wait3A_476 : memref<1000000x128xf32, #tpu.memory_space<hbm>>) dst(%arg10 : memref<64x128xf32, #tpu.memory_space<vmem>>)
    %dma_wait3A_477 = arith.constant 8 : i32
    %dma_wait3A_478 = arith.constant 64 : i32
    %dma_wait3A_479 = tpu.memref_slice %arg7[%dma_wait3A_477, %dma_wait3A_478] : memref<20x128xi32, #tpu.memory_space<vmem>> -> memref<1x64xi32, #tpu.memory_space<vmem>>
    %dma_wait3A_480 = tpu.memref_squeeze %dma_wait3A_479 : memref<1x64xi32, #tpu.memory_space<vmem>> -> memref<64xi32, #tpu.memory_space<vmem>>
    %dma_wait3A_481 = arith.constant 0 : i32
    %dma_wait3A_482 = arith.constant 0 : i32
    %dma_wait3A_483 = tpu.memref_slice %arg2[%dma_wait3A_481, %dma_wait3A_482] : memref<1000000x128xf32, #tpu.memory_space<hbm>> -> memref<1000000x128xf32, #tpu.memory_space<hbm>>
    tpu.wait_indirect_dma semaphore(%arg16 : memref<!tpu.dma_semaphore, #tpu.memory_space<semaphore_mem>>) src(%dma_wait3A_483 : memref<1000000x128xf32, #tpu.memory_space<hbm>>) dst(%arg11 : memref<64x128xf32, #tpu.memory_space<vmem>>)
    %dma_wait3A_484 = arith.constant 9 : i32
    %dma_wait3A_485 = arith.constant 0 : i32
    %dma_wait3A_486 = tpu.memref_slice %arg7[%dma_wait3A_484, %dma_wait3A_485] : memref<20x128xi32, #tpu.memory_space<vmem>> -> memref<1x64xi32, #tpu.memory_space<vmem>>
    %dma_wait3A_487 = tpu.memref_squeeze %dma_wait3A_486 : memref<1x64xi32, #tpu.memory_space<vmem>> -> memref<64xi32, #tpu.memory_space<vmem>>
    %dma_wait3A_488 = arith.constant 0 : i32
    %dma_wait3A_489 = arith.constant 0 : i32
    %dma_wait3A_490 = tpu.memref_slice %arg2[%dma_wait3A_488, %dma_wait3A_489] : memref<1000000x128xf32, #tpu.memory_space<hbm>> -> memref<1000000x128xf32, #tpu.memory_space<hbm>>
    tpu.wait_indirect_dma semaphore(%arg16 : memref<!tpu.dma_semaphore, #tpu.memory_space<semaphore_mem>>) src(%dma_wait3A_490 : memref<1000000x128xf32, #tpu.memory_space<hbm>>) dst(%arg10 : memref<64x128xf32, #tpu.memory_space<vmem>>)
    %dma_wait3A_491 = arith.constant 9 : i32
    %dma_wait3A_492 = arith.constant 64 : i32
    %dma_wait3A_493 = tpu.memref_slice %arg7[%dma_wait3A_491, %dma_wait3A_492] : memref<20x128xi32, #tpu.memory_space<vmem>> -> memref<1x64xi32, #tpu.memory_space<vmem>>
    %dma_wait3A_494 = tpu.memref_squeeze %dma_wait3A_493 : memref<1x64xi32, #tpu.memory_space<vmem>> -> memref<64xi32, #tpu.memory_space<vmem>>
    %dma_wait3A_495 = arith.constant 0 : i32
    %dma_wait3A_496 = arith.constant 0 : i32
    %dma_wait3A_497 = tpu.memref_slice %arg2[%dma_wait3A_495, %dma_wait3A_496] : memref<1000000x128xf32, #tpu.memory_space<hbm>> -> memref<1000000x128xf32, #tpu.memory_space<hbm>>
    tpu.wait_indirect_dma semaphore(%arg16 : memref<!tpu.dma_semaphore, #tpu.memory_space<semaphore_mem>>) src(%dma_wait3A_497 : memref<1000000x128xf32, #tpu.memory_space<hbm>>) dst(%arg11 : memref<64x128xf32, #tpu.memory_space<vmem>>)
    %dma_wait3A_498 = arith.constant 10 : i32
    %dma_wait3A_499 = arith.constant 0 : i32
    %dma_wait3A_500 = tpu.memref_slice %arg7[%dma_wait3A_498, %dma_wait3A_499] : memref<20x128xi32, #tpu.memory_space<vmem>> -> memref<1x64xi32, #tpu.memory_space<vmem>>
    %dma_wait3A_501 = tpu.memref_squeeze %dma_wait3A_500 : memref<1x64xi32, #tpu.memory_space<vmem>> -> memref<64xi32, #tpu.memory_space<vmem>>
    %dma_wait3A_502 = arith.constant 0 : i32
    %dma_wait3A_503 = arith.constant 0 : i32
    %dma_wait3A_504 = tpu.memref_slice %arg2[%dma_wait3A_502, %dma_wait3A_503] : memref<1000000x128xf32, #tpu.memory_space<hbm>> -> memref<1000000x128xf32, #tpu.memory_space<hbm>>
    tpu.wait_indirect_dma semaphore(%arg16 : memref<!tpu.dma_semaphore, #tpu.memory_space<semaphore_mem>>) src(%dma_wait3A_504 : memref<1000000x128xf32, #tpu.memory_space<hbm>>) dst(%arg10 : memref<64x128xf32, #tpu.memory_space<vmem>>)
    %dma_wait3A_505 = arith.constant 10 : i32
    %dma_wait3A_506 = arith.constant 64 : i32
    %dma_wait3A_507 = tpu.memref_slice %arg7[%dma_wait3A_505, %dma_wait3A_506] : memref<20x128xi32, #tpu.memory_space<vmem>> -> memref<1x64xi32, #tpu.memory_space<vmem>>
    %dma_wait3A_508 = tpu.memref_squeeze %dma_wait3A_507 : memref<1x64xi32, #tpu.memory_space<vmem>> -> memref<64xi32, #tpu.memory_space<vmem>>
    %dma_wait3A_509 = arith.constant 0 : i32
    %dma_wait3A_510 = arith.constant 0 : i32
    %dma_wait3A_511 = tpu.memref_slice %arg2[%dma_wait3A_509, %dma_wait3A_510] : memref<1000000x128xf32, #tpu.memory_space<hbm>> -> memref<1000000x128xf32, #tpu.memory_space<hbm>>
    tpu.wait_indirect_dma semaphore(%arg16 : memref<!tpu.dma_semaphore, #tpu.memory_space<semaphore_mem>>) src(%dma_wait3A_511 : memref<1000000x128xf32, #tpu.memory_space<hbm>>) dst(%arg11 : memref<64x128xf32, #tpu.memory_space<vmem>>)
    %dma_wait3A_512 = arith.constant 11 : i32
    %dma_wait3A_513 = arith.constant 0 : i32
    %dma_wait3A_514 = tpu.memref_slice %arg7[%dma_wait3A_512, %dma_wait3A_513] : memref<20x128xi32, #tpu.memory_space<vmem>> -> memref<1x64xi32, #tpu.memory_space<vmem>>
    %dma_wait3A_515 = tpu.memref_squeeze %dma_wait3A_514 : memref<1x64xi32, #tpu.memory_space<vmem>> -> memref<64xi32, #tpu.memory_space<vmem>>
    %dma_wait3A_516 = arith.constant 0 : i32
    %dma_wait3A_517 = arith.constant 0 : i32
    %dma_wait3A_518 = tpu.memref_slice %arg2[%dma_wait3A_516, %dma_wait3A_517] : memref<1000000x128xf32, #tpu.memory_space<hbm>> -> memref<1000000x128xf32, #tpu.memory_space<hbm>>
    tpu.wait_indirect_dma semaphore(%arg16 : memref<!tpu.dma_semaphore, #tpu.memory_space<semaphore_mem>>) src(%dma_wait3A_518 : memref<1000000x128xf32, #tpu.memory_space<hbm>>) dst(%arg10 : memref<64x128xf32, #tpu.memory_space<vmem>>)
    %dma_wait3A_519 = arith.constant 11 : i32
    %dma_wait3A_520 = arith.constant 64 : i32
    %dma_wait3A_521 = tpu.memref_slice %arg7[%dma_wait3A_519, %dma_wait3A_520] : memref<20x128xi32, #tpu.memory_space<vmem>> -> memref<1x64xi32, #tpu.memory_space<vmem>>
    %dma_wait3A_522 = tpu.memref_squeeze %dma_wait3A_521 : memref<1x64xi32, #tpu.memory_space<vmem>> -> memref<64xi32, #tpu.memory_space<vmem>>
    %dma_wait3A_523 = arith.constant 0 : i32
    %dma_wait3A_524 = arith.constant 0 : i32
    %dma_wait3A_525 = tpu.memref_slice %arg2[%dma_wait3A_523, %dma_wait3A_524] : memref<1000000x128xf32, #tpu.memory_space<hbm>> -> memref<1000000x128xf32, #tpu.memory_space<hbm>>
    tpu.wait_indirect_dma semaphore(%arg16 : memref<!tpu.dma_semaphore, #tpu.memory_space<semaphore_mem>>) src(%dma_wait3A_525 : memref<1000000x128xf32, #tpu.memory_space<hbm>>) dst(%arg11 : memref<64x128xf32, #tpu.memory_space<vmem>>)
    %dma_wait3A_526 = arith.constant 12 : i32
    %dma_wait3A_527 = arith.constant 0 : i32
    %dma_wait3A_528 = tpu.memref_slice %arg7[%dma_wait3A_526, %dma_wait3A_527] : memref<20x128xi32, #tpu.memory_space<vmem>> -> memref<1x64xi32, #tpu.memory_space<vmem>>
    %dma_wait3A_529 = tpu.memref_squeeze %dma_wait3A_528 : memref<1x64xi32, #tpu.memory_space<vmem>> -> memref<64xi32, #tpu.memory_space<vmem>>
    %dma_wait3A_530 = arith.constant 0 : i32
    %dma_wait3A_531 = arith.constant 0 : i32
    %dma_wait3A_532 = tpu.memref_slice %arg2[%dma_wait3A_530, %dma_wait3A_531] : memref<1000000x128xf32, #tpu.memory_space<hbm>> -> memref<1000000x128xf32, #tpu.memory_space<hbm>>
    tpu.wait_indirect_dma semaphore(%arg16 : memref<!tpu.dma_semaphore, #tpu.memory_space<semaphore_mem>>) src(%dma_wait3A_532 : memref<1000000x128xf32, #tpu.memory_space<hbm>>) dst(%arg10 : memref<64x128xf32, #tpu.memory_space<vmem>>)
    %dma_wait3A_533 = arith.constant 12 : i32
    %dma_wait3A_534 = arith.constant 64 : i32
    %dma_wait3A_535 = tpu.memref_slice %arg7[%dma_wait3A_533, %dma_wait3A_534] : memref<20x128xi32, #tpu.memory_space<vmem>> -> memref<1x64xi32, #tpu.memory_space<vmem>>
    %dma_wait3A_536 = tpu.memref_squeeze %dma_wait3A_535 : memref<1x64xi32, #tpu.memory_space<vmem>> -> memref<64xi32, #tpu.memory_space<vmem>>
    %dma_wait3A_537 = arith.constant 0 : i32
    %dma_wait3A_538 = arith.constant 0 : i32
    %dma_wait3A_539 = tpu.memref_slice %arg2[%dma_wait3A_537, %dma_wait3A_538] : memref<1000000x128xf32, #tpu.memory_space<hbm>> -> memref<1000000x128xf32, #tpu.memory_space<hbm>>
    tpu.wait_indirect_dma semaphore(%arg16 : memref<!tpu.dma_semaphore, #tpu.memory_space<semaphore_mem>>) src(%dma_wait3A_539 : memref<1000000x128xf32, #tpu.memory_space<hbm>>) dst(%arg11 : memref<64x128xf32, #tpu.memory_space<vmem>>)
    %dma_wait3A_540 = arith.constant 13 : i32
    %dma_wait3A_541 = arith.constant 0 : i32
    %dma_wait3A_542 = tpu.memref_slice %arg7[%dma_wait3A_540, %dma_wait3A_541] : memref<20x128xi32, #tpu.memory_space<vmem>> -> memref<1x64xi32, #tpu.memory_space<vmem>>
    %dma_wait3A_543 = tpu.memref_squeeze %dma_wait3A_542 : memref<1x64xi32, #tpu.memory_space<vmem>> -> memref<64xi32, #tpu.memory_space<vmem>>
    %dma_wait3A_544 = arith.constant 0 : i32
    %dma_wait3A_545 = arith.constant 0 : i32
    %dma_wait3A_546 = tpu.memref_slice %arg2[%dma_wait3A_544, %dma_wait3A_545] : memref<1000000x128xf32, #tpu.memory_space<hbm>> -> memref<1000000x128xf32, #tpu.memory_space<hbm>>
    tpu.wait_indirect_dma semaphore(%arg16 : memref<!tpu.dma_semaphore, #tpu.memory_space<semaphore_mem>>) src(%dma_wait3A_546 : memref<1000000x128xf32, #tpu.memory_space<hbm>>) dst(%arg10 : memref<64x128xf32, #tpu.memory_space<vmem>>)
    %dma_wait3A_547 = arith.constant 13 : i32
    %dma_wait3A_548 = arith.constant 64 : i32
    %dma_wait3A_549 = tpu.memref_slice %arg7[%dma_wait3A_547, %dma_wait3A_548] : memref<20x128xi32, #tpu.memory_space<vmem>> -> memref<1x64xi32, #tpu.memory_space<vmem>>
    %dma_wait3A_550 = tpu.memref_squeeze %dma_wait3A_549 : memref<1x64xi32, #tpu.memory_space<vmem>> -> memref<64xi32, #tpu.memory_space<vmem>>
    %dma_wait3A_551 = arith.constant 0 : i32
    %dma_wait3A_552 = arith.constant 0 : i32
    %dma_wait3A_553 = tpu.memref_slice %arg2[%dma_wait3A_551, %dma_wait3A_552] : memref<1000000x128xf32, #tpu.memory_space<hbm>> -> memref<1000000x128xf32, #tpu.memory_space<hbm>>
    tpu.wait_indirect_dma semaphore(%arg16 : memref<!tpu.dma_semaphore, #tpu.memory_space<semaphore_mem>>) src(%dma_wait3A_553 : memref<1000000x128xf32, #tpu.memory_space<hbm>>) dst(%arg11 : memref<64x128xf32, #tpu.memory_space<vmem>>)
    %dma_wait3A_554 = arith.constant 14 : i32
    %dma_wait3A_555 = arith.constant 0 : i32
    %dma_wait3A_556 = tpu.memref_slice %arg7[%dma_wait3A_554, %dma_wait3A_555] : memref<20x128xi32, #tpu.memory_space<vmem>> -> memref<1x64xi32, #tpu.memory_space<vmem>>
    %dma_wait3A_557 = tpu.memref_squeeze %dma_wait3A_556 : memref<1x64xi32, #tpu.memory_space<vmem>> -> memref<64xi32, #tpu.memory_space<vmem>>
    %dma_wait3A_558 = arith.constant 0 : i32
    %dma_wait3A_559 = arith.constant 0 : i32
    %dma_wait3A_560 = tpu.memref_slice %arg2[%dma_wait3A_558, %dma_wait3A_559] : memref<1000000x128xf32, #tpu.memory_space<hbm>> -> memref<1000000x128xf32, #tpu.memory_space<hbm>>
    tpu.wait_indirect_dma semaphore(%arg16 : memref<!tpu.dma_semaphore, #tpu.memory_space<semaphore_mem>>) src(%dma_wait3A_560 : memref<1000000x128xf32, #tpu.memory_space<hbm>>) dst(%arg10 : memref<64x128xf32, #tpu.memory_space<vmem>>)
    %dma_wait3A_561 = arith.constant 14 : i32
    %dma_wait3A_562 = arith.constant 64 : i32
    %dma_wait3A_563 = tpu.memref_slice %arg7[%dma_wait3A_561, %dma_wait3A_562] : memref<20x128xi32, #tpu.memory_space<vmem>> -> memref<1x64xi32, #tpu.memory_space<vmem>>
    %dma_wait3A_564 = tpu.memref_squeeze %dma_wait3A_563 : memref<1x64xi32, #tpu.memory_space<vmem>> -> memref<64xi32, #tpu.memory_space<vmem>>
    %dma_wait3A_565 = arith.constant 0 : i32
    %dma_wait3A_566 = arith.constant 0 : i32
    %dma_wait3A_567 = tpu.memref_slice %arg2[%dma_wait3A_565, %dma_wait3A_566] : memref<1000000x128xf32, #tpu.memory_space<hbm>> -> memref<1000000x128xf32, #tpu.memory_space<hbm>>
    tpu.wait_indirect_dma semaphore(%arg16 : memref<!tpu.dma_semaphore, #tpu.memory_space<semaphore_mem>>) src(%dma_wait3A_567 : memref<1000000x128xf32, #tpu.memory_space<hbm>>) dst(%arg11 : memref<64x128xf32, #tpu.memory_space<vmem>>)
    %dma_wait3A_568 = arith.constant 15 : i32
    %dma_wait3A_569 = arith.constant 0 : i32
    %dma_wait3A_570 = tpu.memref_slice %arg7[%dma_wait3A_568, %dma_wait3A_569] : memref<20x128xi32, #tpu.memory_space<vmem>> -> memref<1x64xi32, #tpu.memory_space<vmem>>
    %dma_wait3A_571 = tpu.memref_squeeze %dma_wait3A_570 : memref<1x64xi32, #tpu.memory_space<vmem>> -> memref<64xi32, #tpu.memory_space<vmem>>
    %dma_wait3A_572 = arith.constant 0 : i32
    %dma_wait3A_573 = arith.constant 0 : i32
    %dma_wait3A_574 = tpu.memref_slice %arg2[%dma_wait3A_572, %dma_wait3A_573] : memref<1000000x128xf32, #tpu.memory_space<hbm>> -> memref<1000000x128xf32, #tpu.memory_space<hbm>>
    tpu.wait_indirect_dma semaphore(%arg16 : memref<!tpu.dma_semaphore, #tpu.memory_space<semaphore_mem>>) src(%dma_wait3A_574 : memref<1000000x128xf32, #tpu.memory_space<hbm>>) dst(%arg10 : memref<64x128xf32, #tpu.memory_space<vmem>>)
    %dma_wait3A_575 = arith.constant 15 : i32
    %dma_wait3A_576 = arith.constant 64 : i32
    %dma_wait3A_577 = tpu.memref_slice %arg7[%dma_wait3A_575, %dma_wait3A_576] : memref<20x128xi32, #tpu.memory_space<vmem>> -> memref<1x64xi32, #tpu.memory_space<vmem>>
    %dma_wait3A_578 = tpu.memref_squeeze %dma_wait3A_577 : memref<1x64xi32, #tpu.memory_space<vmem>> -> memref<64xi32, #tpu.memory_space<vmem>>
    %dma_wait3A_579 = arith.constant 0 : i32
    %dma_wait3A_580 = arith.constant 0 : i32
    %dma_wait3A_581 = tpu.memref_slice %arg2[%dma_wait3A_579, %dma_wait3A_580] : memref<1000000x128xf32, #tpu.memory_space<hbm>> -> memref<1000000x128xf32, #tpu.memory_space<hbm>>
    tpu.wait_indirect_dma semaphore(%arg16 : memref<!tpu.dma_semaphore, #tpu.memory_space<semaphore_mem>>) src(%dma_wait3A_581 : memref<1000000x128xf32, #tpu.memory_space<hbm>>) dst(%arg11 : memref<64x128xf32, #tpu.memory_space<vmem>>)
    %dma_wait3A_582 = arith.constant 16 : i32
    %dma_wait3A_583 = arith.constant 0 : i32
    %dma_wait3A_584 = tpu.memref_slice %arg7[%dma_wait3A_582, %dma_wait3A_583] : memref<20x128xi32, #tpu.memory_space<vmem>> -> memref<1x64xi32, #tpu.memory_space<vmem>>
    %dma_wait3A_585 = tpu.memref_squeeze %dma_wait3A_584 : memref<1x64xi32, #tpu.memory_space<vmem>> -> memref<64xi32, #tpu.memory_space<vmem>>
    %dma_wait3A_586 = arith.constant 0 : i32
    %dma_wait3A_587 = arith.constant 0 : i32
    %dma_wait3A_588 = tpu.memref_slice %arg2[%dma_wait3A_586, %dma_wait3A_587] : memref<1000000x128xf32, #tpu.memory_space<hbm>> -> memref<1000000x128xf32, #tpu.memory_space<hbm>>
    tpu.wait_indirect_dma semaphore(%arg16 : memref<!tpu.dma_semaphore, #tpu.memory_space<semaphore_mem>>) src(%dma_wait3A_588 : memref<1000000x128xf32, #tpu.memory_space<hbm>>) dst(%arg10 : memref<64x128xf32, #tpu.memory_space<vmem>>)
    %dma_wait3A_589 = arith.constant 16 : i32
    %dma_wait3A_590 = arith.constant 64 : i32
    %dma_wait3A_591 = tpu.memref_slice %arg7[%dma_wait3A_589, %dma_wait3A_590] : memref<20x128xi32, #tpu.memory_space<vmem>> -> memref<1x64xi32, #tpu.memory_space<vmem>>
    %dma_wait3A_592 = tpu.memref_squeeze %dma_wait3A_591 : memref<1x64xi32, #tpu.memory_space<vmem>> -> memref<64xi32, #tpu.memory_space<vmem>>
    %dma_wait3A_593 = arith.constant 0 : i32
    %dma_wait3A_594 = arith.constant 0 : i32
    %dma_wait3A_595 = tpu.memref_slice %arg2[%dma_wait3A_593, %dma_wait3A_594] : memref<1000000x128xf32, #tpu.memory_space<hbm>> -> memref<1000000x128xf32, #tpu.memory_space<hbm>>
    tpu.wait_indirect_dma semaphore(%arg16 : memref<!tpu.dma_semaphore, #tpu.memory_space<semaphore_mem>>) src(%dma_wait3A_595 : memref<1000000x128xf32, #tpu.memory_space<hbm>>) dst(%arg11 : memref<64x128xf32, #tpu.memory_space<vmem>>)
    %dma_wait3A_596 = arith.constant 17 : i32
    %dma_wait3A_597 = arith.constant 0 : i32
    %dma_wait3A_598 = tpu.memref_slice %arg7[%dma_wait3A_596, %dma_wait3A_597] : memref<20x128xi32, #tpu.memory_space<vmem>> -> memref<1x64xi32, #tpu.memory_space<vmem>>
    %dma_wait3A_599 = tpu.memref_squeeze %dma_wait3A_598 : memref<1x64xi32, #tpu.memory_space<vmem>> -> memref<64xi32, #tpu.memory_space<vmem>>
    %dma_wait3A_600 = arith.constant 0 : i32
    %dma_wait3A_601 = arith.constant 0 : i32
    %dma_wait3A_602 = tpu.memref_slice %arg2[%dma_wait3A_600, %dma_wait3A_601] : memref<1000000x128xf32, #tpu.memory_space<hbm>> -> memref<1000000x128xf32, #tpu.memory_space<hbm>>
    tpu.wait_indirect_dma semaphore(%arg16 : memref<!tpu.dma_semaphore, #tpu.memory_space<semaphore_mem>>) src(%dma_wait3A_602 : memref<1000000x128xf32, #tpu.memory_space<hbm>>) dst(%arg10 : memref<64x128xf32, #tpu.memory_space<vmem>>)
    %dma_wait3A_603 = arith.constant 17 : i32
    %dma_wait3A_604 = arith.constant 64 : i32
    %dma_wait3A_605 = tpu.memref_slice %arg7[%dma_wait3A_603, %dma_wait3A_604] : memref<20x128xi32, #tpu.memory_space<vmem>> -> memref<1x64xi32, #tpu.memory_space<vmem>>
    %dma_wait3A_606 = tpu.memref_squeeze %dma_wait3A_605 : memref<1x64xi32, #tpu.memory_space<vmem>> -> memref<64xi32, #tpu.memory_space<vmem>>
    %dma_wait3A_607 = arith.constant 0 : i32
    %dma_wait3A_608 = arith.constant 0 : i32
    %dma_wait3A_609 = tpu.memref_slice %arg2[%dma_wait3A_607, %dma_wait3A_608] : memref<1000000x128xf32, #tpu.memory_space<hbm>> -> memref<1000000x128xf32, #tpu.memory_space<hbm>>
    tpu.wait_indirect_dma semaphore(%arg16 : memref<!tpu.dma_semaphore, #tpu.memory_space<semaphore_mem>>) src(%dma_wait3A_609 : memref<1000000x128xf32, #tpu.memory_space<hbm>>) dst(%arg11 : memref<64x128xf32, #tpu.memory_space<vmem>>)
    %dma_wait3A_610 = arith.constant 18 : i32
    %dma_wait3A_611 = arith.constant 0 : i32
    %dma_wait3A_612 = tpu.memref_slice %arg7[%dma_wait3A_610, %dma_wait3A_611] : memref<20x128xi32, #tpu.memory_space<vmem>> -> memref<1x64xi32, #tpu.memory_space<vmem>>
    %dma_wait3A_613 = tpu.memref_squeeze %dma_wait3A_612 : memref<1x64xi32, #tpu.memory_space<vmem>> -> memref<64xi32, #tpu.memory_space<vmem>>
    %dma_wait3A_614 = arith.constant 0 : i32
    %dma_wait3A_615 = arith.constant 0 : i32
    %dma_wait3A_616 = tpu.memref_slice %arg2[%dma_wait3A_614, %dma_wait3A_615] : memref<1000000x128xf32, #tpu.memory_space<hbm>> -> memref<1000000x128xf32, #tpu.memory_space<hbm>>
    tpu.wait_indirect_dma semaphore(%arg16 : memref<!tpu.dma_semaphore, #tpu.memory_space<semaphore_mem>>) src(%dma_wait3A_616 : memref<1000000x128xf32, #tpu.memory_space<hbm>>) dst(%arg10 : memref<64x128xf32, #tpu.memory_space<vmem>>)
    %dma_wait3A_617 = arith.constant 18 : i32
    %dma_wait3A_618 = arith.constant 64 : i32
    %dma_wait3A_619 = tpu.memref_slice %arg7[%dma_wait3A_617, %dma_wait3A_618] : memref<20x128xi32, #tpu.memory_space<vmem>> -> memref<1x64xi32, #tpu.memory_space<vmem>>
    %dma_wait3A_620 = tpu.memref_squeeze %dma_wait3A_619 : memref<1x64xi32, #tpu.memory_space<vmem>> -> memref<64xi32, #tpu.memory_space<vmem>>
    %dma_wait3A_621 = arith.constant 0 : i32
    %dma_wait3A_622 = arith.constant 0 : i32
    %dma_wait3A_623 = tpu.memref_slice %arg2[%dma_wait3A_621, %dma_wait3A_622] : memref<1000000x128xf32, #tpu.memory_space<hbm>> -> memref<1000000x128xf32, #tpu.memory_space<hbm>>
    tpu.wait_indirect_dma semaphore(%arg16 : memref<!tpu.dma_semaphore, #tpu.memory_space<semaphore_mem>>) src(%dma_wait3A_623 : memref<1000000x128xf32, #tpu.memory_space<hbm>>) dst(%arg11 : memref<64x128xf32, #tpu.memory_space<vmem>>)
    %dma_wait3A_624 = arith.constant 19 : i32
    %dma_wait3A_625 = arith.constant 0 : i32
    %dma_wait3A_626 = tpu.memref_slice %arg7[%dma_wait3A_624, %dma_wait3A_625] : memref<20x128xi32, #tpu.memory_space<vmem>> -> memref<1x64xi32, #tpu.memory_space<vmem>>
    %dma_wait3A_627 = tpu.memref_squeeze %dma_wait3A_626 : memref<1x64xi32, #tpu.memory_space<vmem>> -> memref<64xi32, #tpu.memory_space<vmem>>
    %dma_wait3A_628 = arith.constant 0 : i32
    %dma_wait3A_629 = arith.constant 0 : i32
    %dma_wait3A_630 = tpu.memref_slice %arg2[%dma_wait3A_628, %dma_wait3A_629] : memref<1000000x128xf32, #tpu.memory_space<hbm>> -> memref<1000000x128xf32, #tpu.memory_space<hbm>>
    tpu.wait_indirect_dma semaphore(%arg16 : memref<!tpu.dma_semaphore, #tpu.memory_space<semaphore_mem>>) src(%dma_wait3A_630 : memref<1000000x128xf32, #tpu.memory_space<hbm>>) dst(%arg10 : memref<64x128xf32, #tpu.memory_space<vmem>>)
    %dma_wait3A_631 = arith.constant 19 : i32
    %dma_wait3A_632 = arith.constant 64 : i32
    %dma_wait3A_633 = tpu.memref_slice %arg7[%dma_wait3A_631, %dma_wait3A_632] : memref<20x128xi32, #tpu.memory_space<vmem>> -> memref<1x64xi32, #tpu.memory_space<vmem>>
    %dma_wait3A_634 = tpu.memref_squeeze %dma_wait3A_633 : memref<1x64xi32, #tpu.memory_space<vmem>> -> memref<64xi32, #tpu.memory_space<vmem>>
    %dma_wait3A_635 = arith.constant 0 : i32
    %dma_wait3A_636 = arith.constant 0 : i32
    %dma_wait3A_637 = tpu.memref_slice %arg2[%dma_wait3A_635, %dma_wait3A_636] : memref<1000000x128xf32, #tpu.memory_space<hbm>> -> memref<1000000x128xf32, #tpu.memory_space<hbm>>
    tpu.wait_indirect_dma semaphore(%arg16 : memref<!tpu.dma_semaphore, #tpu.memory_space<semaphore_mem>>) src(%dma_wait3A_637 : memref<1000000x128xf32, #tpu.memory_space<hbm>>) dst(%arg11 : memref<64x128xf32, #tpu.memory_space<vmem>>)
    %mul3A_638 = arith.constant 64 : i32
    %mul3A_639 = arith.muli %add3A, %mul3A_638 : i32
    %add3A_640 = arith.constant 102400 : i32
    %add3A_641 = arith.addi %add3A_640, %mul3A_639 : i32
    "tpu.region"() ({
      %run_scoped3A = tpu.sem_alloc : memref<!tpu.dma_semaphore, #tpu.memory_space<semaphore_mem>>
      %dma_start3A_642 = arith.constant 0 : i32
      %dma_start3A_643 = tpu.memref_slice %arg5[%add3A_641, %dma_start3A_642] : memref<104448x256xf32, #tpu.memory_space<hbm>> -> memref<64x128xf32, #tpu.memory_space<hbm>>
      %dma_start3A_644 = arith.constant 0 : i32
      %dma_start3A_645 = tpu.memref_slice %arg5[%add3A_641, %dma_start3A_644] : memref<104448x256xf32, #tpu.memory_space<hbm>> -> memref<64x128xf32, #tpu.memory_space<hbm>>
      tpu.enqueue_dma source(%arg10 : memref<64x128xf32, #tpu.memory_space<vmem>>) target(%dma_start3A_645 : memref<64x128xf32, #tpu.memory_space<hbm>>) target_semaphore(%run_scoped3A : memref<!tpu.dma_semaphore, #tpu.memory_space<semaphore_mem>>)
      %dma_wait3A_646 = arith.constant 0 : i32
      %dma_wait3A_647 = tpu.memref_slice %arg5[%add3A_641, %dma_wait3A_646] : memref<104448x256xf32, #tpu.memory_space<hbm>> -> memref<64x128xf32, #tpu.memory_space<hbm>>
      %dma_wait3A_648 = arith.constant 0 : i32
      %dma_wait3A_649 = tpu.memref_slice %arg5[%add3A_641, %dma_wait3A_648] : memref<104448x256xf32, #tpu.memory_space<hbm>> -> memref<64x128xf32, #tpu.memory_space<hbm>>
      tpu.wait_dma2 semaphore(%run_scoped3A : memref<!tpu.dma_semaphore, #tpu.memory_space<semaphore_mem>>) src(%arg10 : memref<64x128xf32, #tpu.memory_space<vmem>>) dst(%dma_wait3A_649 : memref<64x128xf32, #tpu.memory_space<hbm>>)
      tpu.yield
    }) : () -> ()
    "tpu.region"() ({
      %run_scoped3A = tpu.sem_alloc : memref<!tpu.dma_semaphore, #tpu.memory_space<semaphore_mem>>
      %dma_start3A_642 = arith.constant 128 : i32
      %dma_start3A_643 = tpu.memref_slice %arg5[%add3A_641, %dma_start3A_642] : memref<104448x256xf32, #tpu.memory_space<hbm>> -> memref<64x128xf32, #tpu.memory_space<hbm>>
      %dma_start3A_644 = arith.constant 128 : i32
      %dma_start3A_645 = tpu.memref_slice %arg5[%add3A_641, %dma_start3A_644] : memref<104448x256xf32, #tpu.memory_space<hbm>> -> memref<64x128xf32, #tpu.memory_space<hbm>>
      tpu.enqueue_dma source(%arg11 : memref<64x128xf32, #tpu.memory_space<vmem>>) target(%dma_start3A_645 : memref<64x128xf32, #tpu.memory_space<hbm>>) target_semaphore(%run_scoped3A : memref<!tpu.dma_semaphore, #tpu.memory_space<semaphore_mem>>)
      %dma_wait3A_646 = arith.constant 128 : i32
      %dma_wait3A_647 = tpu.memref_slice %arg5[%add3A_641, %dma_wait3A_646] : memref<104448x256xf32, #tpu.memory_space<hbm>> -> memref<64x128xf32, #tpu.memory_space<hbm>>
      %dma_wait3A_648 = arith.constant 128 : i32
      %dma_wait3A_649 = tpu.memref_slice %arg5[%add3A_641, %dma_wait3A_648] : memref<104448x256xf32, #tpu.memory_space<hbm>> -> memref<64x128xf32, #tpu.memory_space<hbm>>
      tpu.wait_dma2 semaphore(%run_scoped3A : memref<!tpu.dma_semaphore, #tpu.memory_space<semaphore_mem>>) src(%arg11 : memref<64x128xf32, #tpu.memory_space<vmem>>) dst(%dma_wait3A_649 : memref<64x128xf32, #tpu.memory_space<hbm>>)
      tpu.yield
    }) : () -> ()
    return
  }
}

module attributes {stable_mosaic.version = 14 : i64} {
  func.func @_mlp_emo_body(%arg0: i32, %arg1: memref<2048x256xf32, #tpu.memory_space<vmem>>, %arg2: memref<256x256xf32, #tpu.memory_space<vmem>>, %arg3: memref<1x256xf32, #tpu.memory_space<vmem>>, %arg4: memref<256x256xf32, #tpu.memory_space<vmem>>, %arg5: memref<1x256xf32, #tpu.memory_space<vmem>>, %arg6: memref<256x256xf32, #tpu.memory_space<vmem>>, %arg7: memref<1x256xf32, #tpu.memory_space<vmem>>, %arg8: memref<4096x1x30xf32, #tpu.memory_space<vmem>>) attributes {dimension_semantics = [#tpu.dimension_semantics<arbitrary>], iteration_bounds = array<i64: 1>, scalar_prefetch = 0 : i64, scratch_operands = 0 : i64, tpu.core_type = #tpu.core_type<tc>, window_params = [{transform_indices = @transform_0, window_bounds = array<i64: 2048, 256>}, {pipeline_mode = #tpu.pipeline_mode<synchronous>, transform_indices = @transform_1, window_bounds = array<i64: 256, 256>}, {pipeline_mode = #tpu.pipeline_mode<synchronous>, transform_indices = @transform_2, window_bounds = array<i64: 1, 256>}, {pipeline_mode = #tpu.pipeline_mode<synchronous>, transform_indices = @transform_3, window_bounds = array<i64: 256, 256>}, {pipeline_mode = #tpu.pipeline_mode<synchronous>, transform_indices = @transform_4, window_bounds = array<i64: 1, 256>}, {pipeline_mode = #tpu.pipeline_mode<synchronous>, transform_indices = @transform_5, window_bounds = array<i64: 256, 256>}, {pipeline_mode = #tpu.pipeline_mode<synchronous>, transform_indices = @transform_6, window_bounds = array<i64: 1, 256>}, {pipeline_mode = #tpu.pipeline_mode<synchronous>, transform_indices = @transform_7, window_bounds = array<i64: 4096, 1, 30>}]} {
    %get3A = arith.constant 0 : index
    %get3A_0 = arith.constant 0 : index
    %get3A_1 = vector.load %arg1[%get3A, %get3A_0] : memref<2048x256xf32, #tpu.memory_space<vmem>>, vector<2048x256xf32>
    %get3A_2 = arith.constant 0 : index
    %get3A_3 = arith.constant 0 : index
    %get3A_4 = vector.load %arg2[%get3A_2, %get3A_3] : memref<256x256xf32, #tpu.memory_space<vmem>>, vector<256x256xf32>
    %dot_general3A = arith.constant dense<0.000000e+00> : vector<2048x256xf32>
    %dot_general3A_5 = tpu.matmul %get3A_1, %get3A_4, %dot_general3A {dimension_numbers = #tpu.dot_dimension_numbers<[1], [0], [0], [1], [0, 0, 1, 1], [], []>, transpose_lhs_hint = false} : vector<2048x256xf32>, vector<256x256xf32>, vector<2048x256xf32> -> vector<2048x256xf32>
    %get3A_6 = arith.constant 0 : index
    %get3A_7 = arith.constant 0 : index
    %get3A_8 = vector.load %arg3[%get3A_6, %get3A_7] : memref<1x256xf32, #tpu.memory_space<vmem>>, vector<1x256xf32>
    %add3A = vector.broadcast %get3A_8 : vector<1x256xf32> to vector<2048x256xf32>
    %add3A_9 = arith.addf %dot_general3A_5, %add3A : vector<2048x256xf32>
    %mul3A = arith.constant 0.00999999977 : f32
    %mul3A_10 = vector.broadcast %mul3A : f32 to vector<2048x256xf32>
    %mul3A_11 = arith.mulf %mul3A_10, %add3A_9 : vector<2048x256xf32>
    %max3A = arith.maximumf %add3A_9, %mul3A_11 : vector<2048x256xf32>
    %get3A_12 = arith.constant 0 : index
    %get3A_13 = arith.constant 0 : index
    %get3A_14 = vector.load %arg4[%get3A_12, %get3A_13] : memref<256x256xf32, #tpu.memory_space<vmem>>, vector<256x256xf32>
    %dot_general3A_15 = arith.constant dense<0.000000e+00> : vector<2048x256xf32>
    %dot_general3A_16 = tpu.matmul %max3A, %get3A_14, %dot_general3A_15 {dimension_numbers = #tpu.dot_dimension_numbers<[1], [0], [0], [1], [0, 0, 1, 1], [], []>, transpose_lhs_hint = false} : vector<2048x256xf32>, vector<256x256xf32>, vector<2048x256xf32> -> vector<2048x256xf32>
    %get3A_17 = arith.constant 0 : index
    %get3A_18 = arith.constant 0 : index
    %get3A_19 = vector.load %arg5[%get3A_17, %get3A_18] : memref<1x256xf32, #tpu.memory_space<vmem>>, vector<1x256xf32>
    %add3A_20 = vector.broadcast %get3A_19 : vector<1x256xf32> to vector<2048x256xf32>
    %add3A_21 = arith.addf %dot_general3A_16, %add3A_20 : vector<2048x256xf32>
    %mul3A_22 = arith.constant 0.00999999977 : f32
    %mul3A_23 = vector.broadcast %mul3A_22 : f32 to vector<2048x256xf32>
    %mul3A_24 = arith.mulf %mul3A_23, %add3A_21 : vector<2048x256xf32>
    %max3A_25 = arith.maximumf %add3A_21, %mul3A_24 : vector<2048x256xf32>
    %get3A_26 = arith.constant 0 : index
    %get3A_27 = arith.constant 0 : index
    %get3A_28 = vector.load %arg6[%get3A_26, %get3A_27] : memref<256x256xf32, #tpu.memory_space<vmem>>, vector<256x256xf32>
    %dot_general3A_29 = arith.constant dense<0.000000e+00> : vector<2048x256xf32>
    %dot_general3A_30 = tpu.matmul %max3A_25, %get3A_28, %dot_general3A_29 {dimension_numbers = #tpu.dot_dimension_numbers<[1], [0], [0], [1], [0, 0, 1, 1], [], []>, transpose_lhs_hint = false} : vector<2048x256xf32>, vector<256x256xf32>, vector<2048x256xf32> -> vector<2048x256xf32>
    %get3A_31 = arith.constant 0 : index
    %get3A_32 = arith.constant 0 : index
    %get3A_33 = vector.load %arg7[%get3A_31, %get3A_32] : memref<1x256xf32, #tpu.memory_space<vmem>>, vector<1x256xf32>
    %add3A_34 = vector.broadcast %get3A_33 : vector<1x256xf32> to vector<2048x256xf32>
    %add3A_35 = arith.addf %dot_general3A_30, %add3A_34 : vector<2048x256xf32>
    %mul3A_36 = arith.constant 0.00999999977 : f32
    %mul3A_37 = vector.broadcast %mul3A_36 : f32 to vector<2048x256xf32>
    %mul3A_38 = arith.mulf %mul3A_37, %add3A_35 : vector<2048x256xf32>
    %max3A_39 = arith.maximumf %add3A_35, %mul3A_38 : vector<2048x256xf32>
    %reshape3A = vector.shape_cast %max3A_39 : vector<2048x256xf32> to vector<32x64x256xf32>
    %slice3A = vector.extract_strided_slice %reshape3A {offsets = [0, 0, 0], sizes = [32, 64, 30], strides = [1, 1, 1]} : vector<32x64x256xf32> to vector<32x64x30xf32>
    %broadcast_in_dim3A = vector.shape_cast %slice3A : vector<32x64x30xf32> to vector<32x1x64x30xf32>
    %slice3A_40 = vector.extract_strided_slice %reshape3A {offsets = [0, 0, 128], sizes = [32, 64, 30], strides = [1, 1, 1]} : vector<32x64x256xf32> to vector<32x64x30xf32>
    %broadcast_in_dim3A_41 = vector.shape_cast %slice3A_40 : vector<32x64x30xf32> to vector<32x1x64x30xf32>
    %concatenate3A = tpu.concatenate %broadcast_in_dim3A, %broadcast_in_dim3A_41 in 1 : vector<32x1x64x30xf32>, vector<32x1x64x30xf32> -> vector<32x2x64x30xf32>
    %reshape3A_42 = vector.shape_cast %concatenate3A : vector<32x2x64x30xf32> to vector<4096x1x30xf32>
    %swap3A = arith.constant 0 : index
    %swap3A_43 = arith.constant 0 : index
    %swap3A_44 = arith.constant 0 : index
    %swap3A_45 = vector.load %arg8[%swap3A, %swap3A_43, %swap3A_44] : memref<4096x1x30xf32, #tpu.memory_space<vmem>>, vector<4096x1x30xf32>
    tpu.vector_store %arg8[%swap3A, %swap3A_43, %swap3A_44], %reshape3A_42 {strides = array<i32>} : memref<4096x1x30xf32, #tpu.memory_space<vmem>>, vector<4096x1x30xf32>,
    return
  }
  func.func @transform_0(%arg0: i32) -> (i32, i32) {
    %c50_i32 = arith.constant 50 : i32
    %c0_i32 = arith.constant 0 : i32
    %c0_i32_0 = arith.constant 0 : i32
    return %c50_i32, %c0_i32 : i32, i32
  }
  func.func @transform_1(%arg0: i32) -> (i32, i32) {
    %c0_i32 = arith.constant 0 : i32
    %c0_i32_0 = arith.constant 0 : i32
    %c0_i32_1 = arith.constant 0 : i32
    return %c0_i32, %c0_i32_0 : i32, i32
  }
  func.func @transform_2(%arg0: i32) -> (i32, i32) {
    %c0_i32 = arith.constant 0 : i32
    %c0_i32_0 = arith.constant 0 : i32
    %c0_i32_1 = arith.constant 0 : i32
    return %c0_i32, %c0_i32_0 : i32, i32
  }
  func.func @transform_3(%arg0: i32) -> (i32, i32) {
    %c0_i32 = arith.constant 0 : i32
    %c0_i32_0 = arith.constant 0 : i32
    %c0_i32_1 = arith.constant 0 : i32
    return %c0_i32, %c0_i32_0 : i32, i32
  }
  func.func @transform_4(%arg0: i32) -> (i32, i32) {
    %c0_i32 = arith.constant 0 : i32
    %c0_i32_0 = arith.constant 0 : i32
    %c0_i32_1 = arith.constant 0 : i32
    return %c0_i32, %c0_i32_0 : i32, i32
  }
  func.func @transform_5(%arg0: i32) -> (i32, i32) {
    %c0_i32 = arith.constant 0 : i32
    %c0_i32_0 = arith.constant 0 : i32
    %c0_i32_1 = arith.constant 0 : i32
    return %c0_i32, %c0_i32_0 : i32, i32
  }
  func.func @transform_6(%arg0: i32) -> (i32, i32) {
    %c0_i32 = arith.constant 0 : i32
    %c0_i32_0 = arith.constant 0 : i32
    %c0_i32_1 = arith.constant 0 : i32
    return %c0_i32, %c0_i32_0 : i32, i32
  }
  func.func @transform_7(%arg0: i32) -> (i32, i32, i32) {
    %c0_i32 = arith.constant 0 : i32
    %c0_i32_0 = arith.constant 0 : i32
    %c0_i32_1 = arith.constant 0 : i32
    %c0_i32_2 = arith.constant 0 : i32
    return %c0_i32, %c0_i32_0, %c0_i32_1 : i32, i32, i32
  }
}

module attributes {stable_mosaic.version = 14 : i64} {
  func.func @_mlp_text_body(%arg0: i32, %arg1: memref<3200x256xf32, #tpu.memory_space<vmem>>, %arg2: memref<256x256xf32, #tpu.memory_space<vmem>>, %arg3: memref<1x256xf32, #tpu.memory_space<vmem>>, %arg4: memref<256x256xf32, #tpu.memory_space<vmem>>, %arg5: memref<1x256xf32, #tpu.memory_space<vmem>>, %arg6: memref<256x256xf32, #tpu.memory_space<vmem>>, %arg7: memref<1x256xf32, #tpu.memory_space<vmem>>, %arg8: memref<128x50x30xf32, #tpu.memory_space<vmem>>) attributes {dimension_semantics = [#tpu.dimension_semantics<arbitrary>], iteration_bounds = array<i64: 32>, scalar_prefetch = 0 : i64, scratch_operands = 0 : i64, tpu.core_type = #tpu.core_type<tc>, window_params = [{transform_indices = @transform_0, window_bounds = array<i64: 3200, 256>}, {pipeline_mode = #tpu.pipeline_mode<synchronous>, transform_indices = @transform_1, window_bounds = array<i64: 256, 256>}, {pipeline_mode = #tpu.pipeline_mode<synchronous>, transform_indices = @transform_2, window_bounds = array<i64: 1, 256>}, {pipeline_mode = #tpu.pipeline_mode<synchronous>, transform_indices = @transform_3, window_bounds = array<i64: 256, 256>}, {pipeline_mode = #tpu.pipeline_mode<synchronous>, transform_indices = @transform_4, window_bounds = array<i64: 1, 256>}, {pipeline_mode = #tpu.pipeline_mode<synchronous>, transform_indices = @transform_5, window_bounds = array<i64: 256, 256>}, {pipeline_mode = #tpu.pipeline_mode<synchronous>, transform_indices = @transform_6, window_bounds = array<i64: 1, 256>}, {transform_indices = @transform_7, window_bounds = array<i64: 128, 50, 30>}]} {
    %get3A = arith.constant 0 : index
    %get3A_0 = arith.constant 0 : index
    %get3A_1 = vector.load %arg1[%get3A, %get3A_0] : memref<3200x256xf32, #tpu.memory_space<vmem>>, vector<3200x256xf32>
    %get3A_2 = arith.constant 0 : index
    %get3A_3 = arith.constant 0 : index
    %get3A_4 = vector.load %arg2[%get3A_2, %get3A_3] : memref<256x256xf32, #tpu.memory_space<vmem>>, vector<256x256xf32>
    %dot_general3A = arith.constant dense<0.000000e+00> : vector<3200x256xf32>
    %dot_general3A_5 = tpu.matmul %get3A_1, %get3A_4, %dot_general3A {dimension_numbers = #tpu.dot_dimension_numbers<[1], [0], [0], [1], [0, 0, 1, 1], [], []>, transpose_lhs_hint = false} : vector<3200x256xf32>, vector<256x256xf32>, vector<3200x256xf32> -> vector<3200x256xf32>
    %get3A_6 = arith.constant 0 : index
    %get3A_7 = arith.constant 0 : index
    %get3A_8 = vector.load %arg3[%get3A_6, %get3A_7] : memref<1x256xf32, #tpu.memory_space<vmem>>, vector<1x256xf32>
    %add3A = vector.broadcast %get3A_8 : vector<1x256xf32> to vector<3200x256xf32>
    %add3A_9 = arith.addf %dot_general3A_5, %add3A : vector<3200x256xf32>
    %mul3A = arith.constant 0.00999999977 : f32
    %mul3A_10 = vector.broadcast %mul3A : f32 to vector<3200x256xf32>
    %mul3A_11 = arith.mulf %mul3A_10, %add3A_9 : vector<3200x256xf32>
    %max3A = arith.maximumf %add3A_9, %mul3A_11 : vector<3200x256xf32>
    %get3A_12 = arith.constant 0 : index
    %get3A_13 = arith.constant 0 : index
    %get3A_14 = vector.load %arg4[%get3A_12, %get3A_13] : memref<256x256xf32, #tpu.memory_space<vmem>>, vector<256x256xf32>
    %dot_general3A_15 = arith.constant dense<0.000000e+00> : vector<3200x256xf32>
    %dot_general3A_16 = tpu.matmul %max3A, %get3A_14, %dot_general3A_15 {dimension_numbers = #tpu.dot_dimension_numbers<[1], [0], [0], [1], [0, 0, 1, 1], [], []>, transpose_lhs_hint = false} : vector<3200x256xf32>, vector<256x256xf32>, vector<3200x256xf32> -> vector<3200x256xf32>
    %get3A_17 = arith.constant 0 : index
    %get3A_18 = arith.constant 0 : index
    %get3A_19 = vector.load %arg5[%get3A_17, %get3A_18] : memref<1x256xf32, #tpu.memory_space<vmem>>, vector<1x256xf32>
    %add3A_20 = vector.broadcast %get3A_19 : vector<1x256xf32> to vector<3200x256xf32>
    %add3A_21 = arith.addf %dot_general3A_16, %add3A_20 : vector<3200x256xf32>
    %mul3A_22 = arith.constant 0.00999999977 : f32
    %mul3A_23 = vector.broadcast %mul3A_22 : f32 to vector<3200x256xf32>
    %mul3A_24 = arith.mulf %mul3A_23, %add3A_21 : vector<3200x256xf32>
    %max3A_25 = arith.maximumf %add3A_21, %mul3A_24 : vector<3200x256xf32>
    %get3A_26 = arith.constant 0 : index
    %get3A_27 = arith.constant 0 : index
    %get3A_28 = vector.load %arg6[%get3A_26, %get3A_27] : memref<256x256xf32, #tpu.memory_space<vmem>>, vector<256x256xf32>
    %dot_general3A_29 = arith.constant dense<0.000000e+00> : vector<3200x256xf32>
    %dot_general3A_30 = tpu.matmul %max3A_25, %get3A_28, %dot_general3A_29 {dimension_numbers = #tpu.dot_dimension_numbers<[1], [0], [0], [1], [0, 0, 1, 1], [], []>, transpose_lhs_hint = false} : vector<3200x256xf32>, vector<256x256xf32>, vector<3200x256xf32> -> vector<3200x256xf32>
    %get3A_31 = arith.constant 0 : index
    %get3A_32 = arith.constant 0 : index
    %get3A_33 = vector.load %arg7[%get3A_31, %get3A_32] : memref<1x256xf32, #tpu.memory_space<vmem>>, vector<1x256xf32>
    %add3A_34 = vector.broadcast %get3A_33 : vector<1x256xf32> to vector<3200x256xf32>
    %add3A_35 = arith.addf %dot_general3A_30, %add3A_34 : vector<3200x256xf32>
    %mul3A_36 = arith.constant 0.00999999977 : f32
    %mul3A_37 = vector.broadcast %mul3A_36 : f32 to vector<3200x256xf32>
    %mul3A_38 = arith.mulf %mul3A_37, %add3A_35 : vector<3200x256xf32>
    %max3A_39 = arith.maximumf %add3A_35, %mul3A_38 : vector<3200x256xf32>
    %reshape3A = vector.shape_cast %max3A_39 : vector<3200x256xf32> to vector<25x128x256xf32>
    %slice3A = vector.extract_strided_slice %reshape3A {offsets = [0, 0, 0], sizes = [25, 128, 30], strides = [1, 1, 1]} : vector<25x128x256xf32> to vector<25x128x30xf32>
    %broadcast_in_dim3A = vector.shape_cast %slice3A : vector<25x128x30xf32> to vector<25x1x128x30xf32>
    %slice3A_40 = vector.extract_strided_slice %reshape3A {offsets = [0, 0, 128], sizes = [25, 128, 30], strides = [1, 1, 1]} : vector<25x128x256xf32> to vector<25x128x30xf32>
    %broadcast_in_dim3A_41 = vector.shape_cast %slice3A_40 : vector<25x128x30xf32> to vector<25x1x128x30xf32>
    %concatenate3A = tpu.concatenate %broadcast_in_dim3A, %broadcast_in_dim3A_41 in 1 : vector<25x1x128x30xf32>, vector<25x1x128x30xf32> -> vector<25x2x128x30xf32>
    %reshape3A_42 = vector.shape_cast %concatenate3A : vector<25x2x128x30xf32> to vector<128x50x30xf32>
    %swap3A = arith.constant 0 : index
    %swap3A_43 = arith.constant 0 : index
    %swap3A_44 = arith.constant 0 : index
    %swap3A_45 = vector.load %arg8[%swap3A, %swap3A_43, %swap3A_44] : memref<128x50x30xf32, #tpu.memory_space<vmem>>, vector<128x50x30xf32>
    tpu.vector_store %arg8[%swap3A, %swap3A_43, %swap3A_44], %reshape3A_42 {strides = array<i32>} : memref<128x50x30xf32, #tpu.memory_space<vmem>>, vector<128x50x30xf32>,
    return
  }
  func.func @transform_0(%arg0: i32) -> (i32, i32) {
    %c0_i32 = arith.constant 0 : i32
    %c0_i32_0 = arith.constant 0 : i32
    return %arg0, %c0_i32 : i32, i32
  }
  func.func @transform_1(%arg0: i32) -> (i32, i32) {
    %c0_i32 = arith.constant 0 : i32
    %c0_i32_0 = arith.constant 0 : i32
    %c0_i32_1 = arith.constant 0 : i32
    return %c0_i32, %c0_i32_0 : i32, i32
  }
  func.func @transform_2(%arg0: i32) -> (i32, i32) {
    %c0_i32 = arith.constant 0 : i32
    %c0_i32_0 = arith.constant 0 : i32
    %c0_i32_1 = arith.constant 0 : i32
    return %c0_i32, %c0_i32_0 : i32, i32
  }
  func.func @transform_3(%arg0: i32) -> (i32, i32) {
    %c0_i32 = arith.constant 0 : i32
    %c0_i32_0 = arith.constant 0 : i32
    %c0_i32_1 = arith.constant 0 : i32
    return %c0_i32, %c0_i32_0 : i32, i32
  }
  func.func @transform_4(%arg0: i32) -> (i32, i32) {
    %c0_i32 = arith.constant 0 : i32
    %c0_i32_0 = arith.constant 0 : i32
    %c0_i32_1 = arith.constant 0 : i32
    return %c0_i32, %c0_i32_0 : i32, i32
  }
  func.func @transform_5(%arg0: i32) -> (i32, i32) {
    %c0_i32 = arith.constant 0 : i32
    %c0_i32_0 = arith.constant 0 : i32
    %c0_i32_1 = arith.constant 0 : i32
    return %c0_i32, %c0_i32_0 : i32, i32
  }
  func.func @transform_6(%arg0: i32) -> (i32, i32) {
    %c0_i32 = arith.constant 0 : i32
    %c0_i32_0 = arith.constant 0 : i32
    %c0_i32_1 = arith.constant 0 : i32
    return %c0_i32, %c0_i32_0 : i32, i32
  }
  func.func @transform_7(%arg0: i32) -> (i32, i32, i32) {
    %c0_i32 = arith.constant 0 : i32
    %c0_i32_0 = arith.constant 0 : i32
    %c0_i32_1 = arith.constant 0 : i32
    return %arg0, %c0_i32, %c0_i32_0 : i32, i32, i32
  }
}

</mosaic_0001>

<sc_bundles>
// kernel: kernel.5.cloned.1.call-start
scs
__scs_entry_jumppad:
0x0: {  	(pc) =	sbr.rel $0x88, $3  }
0x1: {  	(tag) =	ssettag $0x0;
	lr =	simm.s32 $0x1  }
0x2: {  	[smem:$0x3F98] =	sst lr;
	_ =	strace $0xD0000000  }
0x3: {  	_ = 	snop  }
0x4: {  	_ = 	snop  }
0x5: {  	_ = 	snop  }
0x6: {  	_ = 	snop  }
0x7: {  	_ = 	snop  }
__scs_overlays_trampoline_lowered:
0x8: {  	[smem:$0x3FA7] =	sst s0  }
0x9: {  	[smem:$0x3FA8] =	sst s1  }
0xa: {  	[smem:$0x3FA9] =	sst s2  }
0xb: {  	[smem:$0x3FAA] =	sst s3  }
0xc: {  	[smem:$0x3FAB] =	sst s4  }
0xd: {  	[smem:$0x3FAC] =	sst s5  }
0xe: {  	[smem:$0x3FAD] =	sst s6  }
0xf: {  	[smem:$0x3FAE] =	sst s7  }
0x10: {  	[smem:$0x3FAF] =	sst s8  }
0x11: {  	[smem:$0x3FB0] =	sst s9;
	s0 =	simm.s32 @!p0 $0x0  }
0x12: {  	s1 =	sld [smem:$0x3F96];
	s0 =	simm.s32 @p0 $0x1  }
0x13: {  	[smem:$0x3FB1] =	sst s0;
	s0 =	simm.s32 @!p1 $0x0  }
0x14: {  	s2 =	sld [smem:$0x3F95];
	s0 =	simm.s32 @p1 $0x1  }
0x15: {  	[smem:$0x3FB2] =	sst s0;
	s0 =	simm.s32 @!p2 $0x0  }
0x16: {  	s3 =	sld [smem:$0x3FDB];
	s0 =	simm.s32 @p2 $0x1  }
0x17: {  	s4 =	simm.s32 $0x1BF5;
	[smem:$0x3FB4] =	sst s0  }
0x18: {  	s0 =	sld [smem:$0x3F97];
	_ =	swait.ge [sflag:s4], $0x0  }
0x19: {  	s7 =	sld [smem:$0x3F98]  }
0x1a: {  	s8 =	sadd.s32 $0xFFFFE003, lr  }
0x1b: {  	s9 =	sadd.s32 $0xFFFFFEF7, lr;
	s5 =	simm.s32 $0xFFFFFFFF;
	p2 =	slt.u32 s8, $0xFFFFF086  }
0x1c: {  	p1 =	slt.u32 s9, $0xF7A;
	s5 =	simm.s32 @!p2 $0x0  }
0x1d: {  	s5 =	simm.s32 @p1 $0x1;
	p0 =	seq.s32 s7, s2  }
0x1e: {  	s7 =	smul.u32 @!p0 $0xF7A, s2;
	p2 =	seq.s32 @!p0 s5, $0x0  }
0x1f: {  	s9 =	smul.u32 $0xF7A, s1;
	s8 =	simm.s32 @!p0 $0x1BF5;
	p2 =	por !p2, p0  }
0x20: {  	[sflag:s8] =	ssyncset.s32 @!p0 $0xFFFFF086;
	s6 =	sadd.s32 @!p0 s3, s7;
	s7 =	simm.s32 @!p0 $0x108  }
0x21: {  	s3 =	sadd.s32 s3, s9;
	s6 =	sadd.s32 @!p0 $0x88, s6;
	s7 =	simm.s32 @p2 $0x1082  }
0x22: {  	[simem:s7], [sflag:s8] =	dma.local @!p0 [hbm:s6], $0xF7A  }
0x23: {  	s9 =	sor.u32 $0xD0000000, s2;
	s6 =	simm.s32 $0x108;
	_ =	swait.ge @!p0 [sflag:s8], $0x0  }
0x24: {  	s3 =	sadd.s32 $0x88, s3;
	s6 =	simm.s32 @!p1 $0x1082;
	[sflag:s4] =	ssyncset.s32 $0xFFFFF086  }
0x25: {  	[simem:s6], [sflag:s4] =	dma.local [hbm:s3], $0xF7A  }
0x26: {  	[smem:$0x3F98] =	sst s1;
	(tag) =	ssettag s2;
	_ =	strace s9  }
0x27: {  	s1 =	sld [smem:$0x3FA8]  }
0x28: {  	s2 =	sld [smem:$0x3FA9]  }
0x29: {  	s4 =	sld [smem:$0x3FAB]  }
0x2a: {  	p0 =	seq.s32 s5, $0x0;
	s5 =	sld [smem:$0x3FAC]  }
0x2b: {  	s6 =	sld [smem:$0x3FAD]  }
0x2c: {  	s7 =	sld [smem:$0x3FAE]  }
0x2d: {  	s3 =	simm.s32 $0x108;
	s8 =	sld [smem:$0x3FAF]  }
0x2e: {  	s3 =	simm.s32 @!p0 $0x1082;
	s9 =	sld [smem:$0x3FB0]  }
0x2f: {  	lr =	sadd.s32 s0, s3;
	s0 =	sld [smem:$0x3FA7]  }
0x30: {  	s3 =	sld [smem:$0x3FAA]  }
0x31: {  	[smem:$0x3FB3] =	sst s10  }
0x32: {  	s10 =	sld [smem:$0x3FB1];
	_ =	sdelay $0x3  }
0x33: {  	p0 =	seq.s32 s10, $0x1;
	s10 =	sld [smem:$0x3FB3];
	_ =	sdelay $0x3  }
0x34: {  	[smem:$0x3FB3] =	sst s10  }
0x35: {  	s10 =	sld [smem:$0x3FB2];
	_ =	sdelay $0x3  }
0x36: {  	p1 =	seq.s32 s10, $0x1;
	s10 =	sld [smem:$0x3FB3];
	_ =	sdelay $0x3  }
0x37: {  	[smem:$0x3FB3] =	sst s10  }
0x38: {  	s10 =	sld [smem:$0x3FB4]  }
0x39: {  	_ = 	snop;
	(pc) =	sbr.ind lr, $3  }
0x3a: {  	_ = 	snop  }
0x3b: {  	_ = 	snop  }
0x3c: {  	p2 =	seq.s32 s10, $0x1;
	s10 =	sld [smem:$0x3FB3]  }
0x3d: {  	_ =	shalt  }
0x3e: {  	_ =	shalt  }
0x3f: {  	_ =	shalt  }
0x40: {  	_ =	shalt  }
0x41: {  	_ =	shalt  }
0x42: {  	_ =	shalt  }
0x43: {  	_ =	shalt  }
0x44: {  	_ =	shalt  }
0x45: {  	_ =	shalt  }
0x46: {  	_ =	shalt  }
0x47: {  	_ =	shalt  }
0x48: {  	_ =	shalt  }
0x49: {  	_ =	shalt  }
0x4a: {  	_ =	shalt  }
0x4b: {  	_ =	shalt  }
0x4c: {  	_ =	shalt  }
0x4d: {  	_ =	shalt  }
0x4e: {  	_ =	shalt  }
0x4f: {  	_ =	shalt  }
0x50: {  	_ =	shalt  }
0x51: {  	_ =	shalt  }
0x52: {  	_ =	shalt  }
0x53: {  	_ =	shalt  }
0x54: {  	_ =	shalt  }
0x55: {  	_ =	shalt  }
0x56: {  	_ =	shalt  }
0x57: {  	_ =	shalt  }
0x58: {  	_ =	shalt  }
0x59: {  	_ =	shalt  }
0x5a: {  	_ =	shalt  }
0x5b: {  	_ =	shalt  }
0x5c: {  	_ =	shalt  }
0x5d: {  	_ =	shalt  }
0x5e: {  	_ =	shalt  }
0x5f: {  	_ =	shalt  }
0x60: {  	_ =	shalt  }
0x61: {  	_ =	shalt  }
0x62: {  	_ =	shalt  }
0x63: {  	_ =	shalt  }
0x64: {  	_ =	shalt  }
0x65: {  	_ =	shalt  }
0x66: {  	_ =	shalt  }
0x67: {  	_ =	shalt  }
0x68: {  	_ =	shalt  }
0x69: {  	_ =	shalt  }
0x6a: {  	_ =	shalt  }
0x6b: {  	_ =	shalt  }
0x6c: {  	_ =	shalt  }
0x6d: {  	_ =	shalt  }
0x6e: {  	_ =	shalt  }
0x6f: {  	_ =	shalt  }
0x70: {  	_ =	shalt  }
0x71: {  	_ =	shalt  }
0x72: {  	_ =	shalt  }
0x73: {  	_ =	shalt  }
0x74: {  	_ =	shalt  }
0x75: {  	_ =	shalt  }
0x76: {  	_ =	shalt  }
0x77: {  	_ =	shalt  }
0x78: {  	_ =	shalt  }
0x79: {  	_ =	shalt  }
0x7a: {  	_ =	shalt  }
0x7b: {  	_ =	shalt  }
0x7c: {  	_ =	shalt  }
0x7d: {  	_ =	shalt  }
0x7e: {  	_ =	shalt  }
0x7f: {  	_ =	shalt  }
0x80: {  	_ =	shalt  }
0x81: {  	_ =	shalt  }
0x82: {  	_ =	shalt  }
0x83: {  	_ =	shalt  }
0x84: {  	_ =	shalt  }
0x85: {  	_ =	shalt  }
0x86: {  	_ =	shalt  }
0x87: {  	_ =	shalt  }
.Lfunc_end0:
.L_simem_size_0:
called_computation_lowered:
.L_overlay_start_0:
0x88: {  	s2 =	sld [smem:$0x3FD9]  }
0x89: {  	s3 =	sld [smem:$0x3FFE];
	_ =	sdelay $0x1  }
0x8a: {  	s1 =	srdreg.scid  }
0x8b: {  	s0 =	sand.u32 $0x1, s1  }
0x8c: {  	s14 =	sshll.u32 s0, $0xA;
	s2 =	sadd.s32 s3, s2  }
0x8d: {  	s2 =	sadd.s32 s2, s14  }
0x8e: {  	[smem:$0x3FBF] =	sst s2  }
0x8f: {  	_ = 	snop  }
0x90: {  	s2 =	sld [smem:$0x3FD0];
	_ =	sdelay $0x1  }
0x91: {  	s15 =	sld [smem:$0x3FC8]  }
0x92: {  	s5 =	simm.s32 $0xA;
	s6 =	simm.s32 $0x10;
	s4 =	sld [smem:$0x3FC7]  }
0x93: {  	[smem:s6], [sflag:s5] =	dma.local [hbm:s2], $0x1  }
0x94: {  	_ =	swait.eq [sflag:s5], $0x1  }
0x95: {  	[sflag:s5] =	ssyncset.done $0x0  }
0x96: {  	[sflag:s5] =	ssyncadd.s32 $0xFFFFFFFF  }
0x97: {  	s16 =	sld [smem:$0x10];
	(tm) =	ssettm $0x1  }
0x98: {  	s17 =	sld [smem:$0x3FFB];
	_ =	sdelay $0x3  }
0x99: {  	_ =	strace s17  }
0x9a: {  	s5 =	sld [smem:$0x3FFC];
	_ =	sdelay $0x3  }
0x9b: {  	_ =	strace s5  }
0x9c: {  	s5 =	sld [smem:$0x3FFD];
	_ =	sdelay $0x3  }
0x9d: {  	_ =	strace s5  }
0x9e: {  	_ =	strace $0x8FFFFFFF  }
0x9f: {  	s18 =	sld [smem:$0x3FDB];
	_ =	sdelay $0x1  }
0xa0: {  	s19 =	simm.s32 $_scs_section_size  }
0xa1: {  	s7 =	simm.s32 $_size__tile_overlayer_lowered;
	s8 =	simm.s32 $_tile_overlayer_lowered  }
0xa2: {  	s22 =	simm.s32 $0x1BFF;
	s21 =	sshll.u32 s8, $0x1;
	s5 =	sadd.s32 s19, s18  }
0xa3: {  	s9 =	simm.s32 $0x0;
	s20 =	sshll.u32 s7, $0x1;
	s7 =	sadd.s32 s21, s5  }
0xa4: {  	[timem:s9], [sflag:s22] =	dma.local [hbm:s7], s20  }
0xa5: {  	_ =	swait.ge [sflag:s22], s20  }
0xa6: {  	s6 =	ssub.s32 $0x0, s20;
	[sflag:s22] =	ssyncset.done $0x0  }
0xa7: {  	[sflag:s22] =	ssyncadd.s32 s6;
	_ =	sdelay $0x1  }
0xa8: {  	s23 =	simm.s32 $0x1B8B  }
0xa9: {  	_ =	swait.ge [sflag:s23], $0x1  }
0xaa: {  	[sflag:s23] =	ssyncset.done $0x0  }
0xab: {  	s25 =	simm.s32 $0x1B8E;
	s24 =	sld [smem:$0x3FFE];
	[sflag:s23] =	ssyncadd.s32 $0xFFFFFFFF  }
0xac: {  	s26 =	simm.s32 $execute0_lowered;
	[smem:$0x3FD2] =	sst s25  }
0xad: {  	s7 =	sshll.u32 s26, $0x1;
	_ =	strace $0x80000046;
	[dreg:$0x1] =	wrdreg $0xFFFFFFFF  }
0xae: {  	s28 =	simm.s32 $_size_execute0_lowered;
	s5 =	sadd.s32 s5, s7;
	[dreg:$0x0] =	wrdreg $0x0  }
0xaf: {  	s7 =	sshll.u32 s28, $0x1;
	[dreg:$0x2] =	wrdreg s5  }
0xb0: {  	[dreg:$0x3] =	wrdreg s7  }
0xb1: {  	[dreg:$0x4] =	wrdreg $0xC0  }
0xb2: {  	_ =	task [dreg:s9], $0x5FFFF  }
0xb3: {  	[dreg:$0x1] =	wrdreg $0xFFFFFFFF  }
0xb4: {  	[dreg:$0x0] =	wrdreg $0x60  }
0xb5: {  	[dreg:$0x2] =	wrdreg s4  }
0xb6: {  	[dreg:$0x3] =	wrdreg s16  }
0xb7: {  	[dreg:$0x4] =	wrdreg s15  }
0xb8: {  	[dreg:$0x5] =	wrdreg s24  }
0xb9: {  	[dreg:$0x6] =	wrdreg $0x9  }
0xba: {  	_ =	task.clear_ibuf [dreg:s9], $0x7FFFF;
	_ =	strace $0x90000046  }
0xbb: {  	s29 =	simm.s32 $0x9;
	_ =	strace $0x80000048  }
0xbc: {  	_ =	swait.ge [sflag:s29], $0x1  }
0xbd: {  	[sflag:s29] =	ssyncadd.s32 $0xFFFFFFFF  }
0xbe: {  	_ =	strace $0x90000048  }
0xbf: {  	_ =	sfence  }
0xc0: {  	s30 =	sld [smem:$0x0];
	_ =	sdelay $0x2  }
0xc1: {  	s31 =	sshll.u32 s1, $0xD;
	s1 =	sshrl.u32 s1, $0x2  }
0xc2: {  	s3 =	sand.u32 $0x4000, s31;
	s1 =	sadd.s32 s1, s30  }
0xc3: {  	s0 =	sor.u32 s3, s0;
	s1 =	sshll.u32 s1, $0x11  }
0xc4: {  	s0 =	sor.u32 s1, s0  }
0xc5: {  	s0 =	sadd.s32 $0x8F2B, s0  }
0xc6: {  	[sflag:s0] =	ssyncadd.remote.s32 $0x1  }
0xc7: {  	_ =	sfence.sel $0xFFFF  }
0xc8: {  	[dreg:$0x0] =	wrdreg $0xFFFFFFFF;
	(pc) =	sbr.abs _section_cstart, $3  }
0xc9: {  	[dreg:$0x1] =	wrdreg $0xFFFFFFFF  }
0xca: {  	_ =	task.clear_ibuf [dreg:s9], $0x2FFFF;
	_ =	strace $0x9FFFFFFF  }
0xcb: {  	(tm) =	ssettm $0x7FFFFFFF  }
tec
execute0_lowered:
.L_overlay_start_1:
0x0: {  	(tag) =	ssettag $0x1  }
0x1: {  	s1 =	rddreg [dreg:$0x0]  }
0x2: {  	s0 =	rddreg [dreg:$0x1]  }
0x3: {  	s2 =	rddreg [dreg:$0x2]  }
0x4: {  	s4 =	rddreg [dreg:$0x3]  }
0x5: {  	s5 =	srdreg.scid;
	s10 =	stileid.u32  }
0x6: {  	s3 =	simm.s32 $0x0;
	s29 =	simm.s32 $0xA400;
	s30 =	simm.s32 $0xA800  }
0x7: {  	s16 =	simm.s32 $0xEC00;
	s13 =	simm.s32 $0x10C00;
	s19 =	smul.u32 $0x32000, s10  }
0x8: {  	s15 =	simm.s32 $0x11400;
	s5 =	sand.u32 $0x1, s5;
	s21 =	smul.u32 $0x190000, s10  }
0x9: {  	s31 =	simm.s32 $0x2;
	s6 =	sshll.u32 s10, $0x1;
	s22 =	smul.u32 $0xC8000, s5  }
0xa: {  	s7 =	ssub.s32 $0x2, s5;
	s6 =	sor.u32 s5, s6;
	s5 =	smul.u32 $0x19000, s5  }
0xb: {  	[smem:$0x7FF] =	sst s3;
	s4 =	sadd.s32 $0x400, s4;
	s9 =	smul.u32 $0x380, s6  }
0xc: {  	_ =	strace $0x80000047;
	s8 =	sshrl.u32 s7, $0x1;
	s17 =	smul.u32 $0xC8000, s6  }
0xd: {  	s18 =	sshll.u32 s6, $0x7;
	s6 =	sshll.u32 s6, $0xB;
	s24 =	sadd.s32 s19, s4  }
0xe: {  	s19 =	simm.s32 $0x5;
	s7 =	ssub.s32 s7, s8;
	s12 =	sadd.s32 s2, s18  }
0xf: {  	s23 =	sadd.s32 s6, s4;
	s2 =	sadd.s32 s22, s21;
	s25 =	sadd.s32 s5, s24  }
0x10: {  	s24 =	simm.s32 $0x400;
	s18 =	simm.s32 $0x40;
	s22 =	simm.s32 $0x2800  }
0x11: {  	s5 =	simm.s32 $0xFC00;
	s21 =	simm.s32 $0x3;
	s0 =	sadd.s32 s0, s9  }
0x12: {  	s20 =	sshrl.u32 s17, $0x3;
	s6 =	sadd.s32 $0x320000, s23;
	s2 =	sshrl.u32 s2, $0x3  }
0x13: {  	s26 =	smax.u32 s7, $0x1;
	s10 =	sadd.s32 $0x1000, s25;
	[dreg:$0x6] =	wrdreg s12  }
0x14: {  	s17 =	simm.s32 $0x6;
	s28 =	sadd.s32 $0x2000, s12;
	[dreg:$0x5] =	wrdreg s0  }
0x15: {  	s9 =	simm.s32 $0xE400;
	s12 =	simm.s32 $0x11C00;
	[dreg:$0x8] =	wrdreg s6  }
.Ltmp0:
0x16: {  	s7 =	simm.s32 $0x1;
	[dreg:$0xa] =	wrdreg s26;
	(pc) =	sbr.rel .LBB2_1-.Ltmp0, $4  }
0x17: {  	s0 =	sadd.s32 s4, s20;
	s11 =	sadd.s32 s2, s4;
	[dreg:$0xb] =	wrdreg s28  }
0x18: {  	v2 =	vlaneseq.u32;
	s6 =	simm.s32 $0xF400;
	s20 =	simm.s32 $0x12400;
	s0 =	sadd.s32 $0x18000, s0  }
0x19: {  	vm0 =	vmmov $0xff;
	v1 =	vshrl.u32 v2, $0x3;
	s4 =	simm.s32 $0x0;
	[dreg:$0x7] =	wrdreg s0;
	s0 =	sadd.s32 $0x320080, s23  }
0x1a: {  	v0 =	vand.u32 $0x7, v2;
	v2 =	vor.u32 $0x8, v2;
	v1 =	vmul.u32 $0x8, v1;
	s23 =	simm.s32 $0x4;
	[dreg:$0x9] =	wrdreg s0;
	s0 =	simm.s32 $0x10400  }
.LBB2_4:
0x1b: {  	_ =	swait.ge [sflag:s7], $0x4000  }
0x1c: {  	[sflag:s7] =	ssyncset.done $0x0  }
0x1d: {  	[sflag:s7] =	ssyncadd.s32 $0xFFFFC000  }
0x1e: {  	_ =	swait.ge [sflag:s7], $0x4000  }
0x1f: {  	[sflag:s7] =	ssyncset.done $0x0  }
0x20: {  	s14 =	rddreg [dreg:$0x7];
	[sflag:s7] =	ssyncadd.s32 $0xFFFFC000  }
0x21: {  	[hbm4b:s14+s3] =	stream.linear.scatter [tilespmem:s22], [sflag:$0x3], $0x8000, $0x38;
	[tilespmem:$0x16800] =	vst v63  }
0x22: {  	_ =	swait.ge [sflag:s21], $0x8000  }
0x23: {  	[sflag:s21] =	ssyncset.done $0x0  }
0x24: {  	[sflag:s21] =	ssyncadd.s32 $0xFFFF8000  }
0x25: {  	_ =	swait.ge [sflag:s19], $0x2000  }
0x26: {  	[sflag:s19] =	ssyncset.done $0x0  }
0x27: {  	[sflag:s19] =	ssyncadd.s32 $0xFFFFE000  }
0x28: {  	_ =	swait.ge [sflag:s19], $0x2000  }
0x29: {  	[sflag:s19] =	ssyncset.done $0x0  }
0x2a: {  	[sflag:s19] =	ssyncadd.s32 $0xFFFFE000  }
0x2b: {  	_ =	swait.ge [sflag:s19], $0x2000  }
0x2c: {  	[sflag:s19] =	ssyncset.done $0x0  }
0x2d: {  	[sflag:s19] =	ssyncadd.s32 $0xFFFFE000  }
0x2e: {  	_ =	swait.ge [sflag:s19], $0x2000  }
0x2f: {  	[sflag:s19] =	ssyncset.done $0x0  }
0x30: {  	[sflag:s19] =	ssyncadd.s32 $0xFFFFE000  }
0x31: {  	_ =	swait.ge [sflag:s19], $0x2000  }
0x32: {  	[sflag:s19] =	ssyncset.done $0x0  }
0x33: {  	[sflag:s19] =	ssyncadd.s32 $0xFFFFE000  }
0x34: {  	_ =	swait.ge [sflag:s19], $0x2000  }
0x35: {  	[sflag:s19] =	ssyncset.done $0x0  }
0x36: {  	[sflag:s19] =	ssyncadd.s32 $0xFFFFE000  }
0x37: {  	_ =	swait.ge [sflag:s19], $0x2000  }
0x38: {  	[sflag:s19] =	ssyncset.done $0x0  }
0x39: {  	[sflag:s19] =	ssyncadd.s32 $0xFFFFE000  }
0x3a: {  	_ =	swait.ge [sflag:s19], $0x2000  }
0x3b: {  	[sflag:s19] =	ssyncset.done $0x0  }
0x3c: {  	[sflag:s19] =	ssyncadd.s32 $0xFFFFE000  }
0x3d: {  	_ =	swait.ge [sflag:s19], $0x2000  }
0x3e: {  	[sflag:s19] =	ssyncset.done $0x0  }
0x3f: {  	[sflag:s19] =	ssyncadd.s32 $0xFFFFE000  }
0x40: {  	_ =	swait.ge [sflag:s19], $0x2000  }
0x41: {  	[sflag:s19] =	ssyncset.done $0x0  }
0x42: {  	[sflag:s19] =	ssyncadd.s32 $0xFFFFE000  }
0x43: {  	_ =	swait.ge [sflag:s19], $0x2000  }
0x44: {  	[sflag:s19] =	ssyncset.done $0x0  }
0x45: {  	[sflag:s19] =	ssyncadd.s32 $0xFFFFE000  }
0x46: {  	_ =	swait.ge [sflag:s19], $0x2000  }
0x47: {  	[sflag:s19] =	ssyncset.done $0x0  }
0x48: {  	[sflag:s19] =	ssyncadd.s32 $0xFFFFE000  }
0x49: {  	_ =	swait.ge [sflag:s19], $0x2000  }
0x4a: {  	[sflag:s19] =	ssyncset.done $0x0  }
0x4b: {  	[sflag:s19] =	ssyncadd.s32 $0xFFFFE000  }
0x4c: {  	_ =	swait.ge [sflag:s19], $0x2000  }
0x4d: {  	[sflag:s19] =	ssyncset.done $0x0  }
0x4e: {  	[sflag:s19] =	ssyncadd.s32 $0xFFFFE000  }
0x4f: {  	_ =	swait.ge [sflag:s19], $0x2000  }
0x50: {  	[sflag:s19] =	ssyncset.done $0x0  }
0x51: {  	[sflag:s19] =	ssyncadd.s32 $0xFFFFE000  }
0x52: {  	_ =	swait.ge [sflag:s19], $0x2000  }
0x53: {  	[sflag:s19] =	ssyncset.done $0x0  }
0x54: {  	[sflag:s19] =	ssyncadd.s32 $0xFFFFE000  }
0x55: {  	_ =	swait.ge [sflag:s19], $0x2000  }
0x56: {  	[sflag:s19] =	ssyncset.done $0x0  }
0x57: {  	[sflag:s19] =	ssyncadd.s32 $0xFFFFE000  }
0x58: {  	_ =	swait.ge [sflag:s19], $0x2000  }
0x59: {  	[sflag:s19] =	ssyncset.done $0x0  }
0x5a: {  	[sflag:s19] =	ssyncadd.s32 $0xFFFFE000  }
0x5b: {  	_ =	swait.ge [sflag:s19], $0x2000  }
0x5c: {  	[sflag:s19] =	ssyncset.done $0x0  }
0x5d: {  	[sflag:s19] =	ssyncadd.s32 $0xFFFFE000  }
0x5e: {  	_ =	swait.ge [sflag:s19], $0x2000  }
0x5f: {  	[sflag:s19] =	ssyncset.done $0x0  }
0x60: {  	[sflag:s19] =	ssyncadd.s32 $0xFFFFE000  }
0x61: {  	_ =	swait.ge [sflag:s19], $0x2000  }
0x62: {  	[sflag:s19] =	ssyncset.done $0x0  }
0x63: {  	[sflag:s19] =	ssyncadd.s32 $0xFFFFE000  }
0x64: {  	_ =	swait.ge [sflag:s19], $0x2000  }
0x65: {  	[sflag:s19] =	ssyncset.done $0x0  }
0x66: {  	[sflag:s19] =	ssyncadd.s32 $0xFFFFE000  }
0x67: {  	_ =	swait.ge [sflag:s19], $0x2000  }
0x68: {  	[sflag:s19] =	ssyncset.done $0x0  }
0x69: {  	[sflag:s19] =	ssyncadd.s32 $0xFFFFE000  }
0x6a: {  	_ =	swait.ge [sflag:s19], $0x2000  }
0x6b: {  	[sflag:s19] =	ssyncset.done $0x0  }
0x6c: {  	[sflag:s19] =	ssyncadd.s32 $0xFFFFE000  }
0x6d: {  	_ =	swait.ge [sflag:s19], $0x2000  }
0x6e: {  	[sflag:s19] =	ssyncset.done $0x0  }
0x6f: {  	[sflag:s19] =	ssyncadd.s32 $0xFFFFE000  }
0x70: {  	_ =	swait.ge [sflag:s19], $0x2000  }
0x71: {  	[sflag:s19] =	ssyncset.done $0x0  }
0x72: {  	[sflag:s19] =	ssyncadd.s32 $0xFFFFE000  }
0x73: {  	_ =	swait.ge [sflag:s19], $0x2000  }
0x74: {  	[sflag:s19] =	ssyncset.done $0x0  }
0x75: {  	[sflag:s19] =	ssyncadd.s32 $0xFFFFE000  }
0x76: {  	_ =	swait.ge [sflag:s19], $0x2000  }
0x77: {  	[sflag:s19] =	ssyncset.done $0x0  }
0x78: {  	[sflag:s19] =	ssyncadd.s32 $0xFFFFE000  }
0x79: {  	_ =	swait.ge [sflag:s19], $0x2000  }
0x7a: {  	[sflag:s19] =	ssyncset.done $0x0  }
0x7b: {  	[sflag:s19] =	ssyncadd.s32 $0xFFFFE000  }
0x7c: {  	_ =	swait.ge [sflag:s19], $0x2000  }
0x7d: {  	[sflag:s19] =	ssyncset.done $0x0  }
0x7e: {  	[sflag:s19] =	ssyncadd.s32 $0xFFFFE000  }
0x7f: {  	_ =	swait.ge [sflag:s19], $0x2000  }
0x80: {  	[sflag:s19] =	ssyncset.done $0x0  }
0x81: {  	[sflag:s19] =	ssyncadd.s32 $0xFFFFE000  }
0x82: {  	_ =	swait.ge [sflag:s19], $0x2000  }
0x83: {  	[sflag:s19] =	ssyncset.done $0x0  }
0x84: {  	[sflag:s19] =	ssyncadd.s32 $0xFFFFE000  }
0x85: {  	_ =	swait.ge [sflag:s19], $0x2000  }
0x86: {  	[sflag:s19] =	ssyncset.done $0x0  }
0x87: {  	[sflag:s19] =	ssyncadd.s32 $0xFFFFE000  }
0x88: {  	_ =	swait.ge [sflag:s19], $0x2000  }
0x89: {  	[sflag:s19] =	ssyncset.done $0x0  }
0x8a: {  	[sflag:s19] =	ssyncadd.s32 $0xFFFFE000  }
0x8b: {  	_ =	swait.ge [sflag:s19], $0x2000  }
0x8c: {  	[sflag:s19] =	ssyncset.done $0x0  }
0x8d: {  	[sflag:s19] =	ssyncadd.s32 $0xFFFFE000  }
0x8e: {  	_ =	swait.ge [sflag:s19], $0x2000  }
0x8f: {  	[sflag:s19] =	ssyncset.done $0x0  }
0x90: {  	[sflag:s19] =	ssyncadd.s32 $0xFFFFE000  }
0x91: {  	_ =	swait.ge [sflag:s19], $0x2000  }
0x92: {  	[sflag:s19] =	ssyncset.done $0x0  }
0x93: {  	[sflag:s19] =	ssyncadd.s32 $0xFFFFE000  }
0x94: {  	s24 =	simm.s32 $0x400;
	_ =	swait.ge [sflag:s19], $0x2000  }
0x95: {  	s4 =	simm.s32 $0x12800;
	s8 =	simm.s32 $0x800;
	[sflag:s19] =	ssyncset.done $0x0  }
0x96: {  	s17 =	simm.s32 $0x6;
	s2 =	rddreg [dreg:$0x8];
	[sflag:s19] =	ssyncadd.s32 $0xFFFFE000  }
0x97: {  	[hbm4b:s2+s24] =	stream.strided.scatter [tilespmem:s4], [sflag:$0x6], $0x2000, s8, s24, $0x38;
	[tilespmem:$0x16800] =	vst v63  }
0x98: {  	_ =	swait.ge [sflag:s17], $0x2000  }
0x99: {  	[sflag:s17] =	ssyncset.done $0x0  }
0x9a: {  	s25 =	simm.s32 $0x14800;
	s4 =	rddreg [dreg:$0x9];
	[sflag:s17] =	ssyncadd.s32 $0xFFFFE000  }
0x9b: {  	[hbm4b:s4+s24] =	stream.strided.scatter [tilespmem:s25], [sflag:$0x6], $0x2000, s8, s24, $0x38;
	[tilespmem:$0x16800] =	vst v63  }
0x9c: {  	_ =	swait.ge [sflag:s17], $0x2000  }
0x9d: {  	s26 =	rddreg [dreg:$0xc]  }
0x9e: {  	s28 =	rddreg [dreg:$0xa];
	s4 =	sadd.s32 $0x1, s26  }
0x9f: {  	p0 =	sne.s32 s4, s28  }
.Ltmp1:
0xa0: {  	_ = 	snop;
	(pc) =	sbr.rel @!p0 .LBB2_5-.Ltmp1, $3  }
0xa1: {  	_ =	sdelay $0x1  }
0xa2: {  	[sflag:s17] =	ssyncset.done $0x0  }
0xa3: {  	[sflag:s17] =	ssyncadd.s32 $0xFFFFE000  }
.LBB2_1:
0xa4: {  	[dreg:$0xc] =	wrdreg s4  }
0xa5: {  	s14 =	rddreg [dreg:$0x5]  }
0xa6: {  	[tilespmem:s3], [sflag:$0x6] =	stream.linear.gather [hbm4b:s14+s3], $0x1900, $0x38;
	[tilespmem:$0x16800] =	vst v63  }
0xa7: {  	_ =	swait.ge [sflag:s17], $0x1900  }
0xa8: {  	s2 =	simm.s32 $0x8000;
	[sflag:s17] =	ssyncset.done $0x0  }
0xa9: {  	s25 =	simm.s32 $0x1C00;
	s14 =	rddreg [dreg:$0x6];
	[sflag:s17] =	ssyncadd.s32 $0xFFFFE700  }
0xaa: {  	[tilespmem:s25], [sflag:$0x6] =	stream.strided.gather [hbm4b:s14+s24], $0x800, s2, s24, $0x38;
	[tilespmem:$0x16800] =	vst v63  }
0xab: {  	s14 =	rddreg [dreg:$0xb];
	s24 =	simm.s32 $0x2400  }
0xac: {  	[tilespmem:s24], [sflag:$0x6] =	stream.linear.gather [hbm4b:s14+s3], $0x200, $0x38;
	[tilespmem:$0x16800] =	vst v63  }
0xad: {  	_ =	swait.ge [sflag:s17], $0xA00  }
0xae: {  	[sflag:s17] =	ssyncset.done $0x0  }
0xaf: {  	s4 =	simm.s32 $0x12800;
	[sflag:s17] =	ssyncadd.s32 $0xFFFFF600  }
0xb0: {  	[tilespmem:s4], [sflag:$0x5] =	stream.indirect.gather [hbm4b:s1+s18], $0x80, s25, s18, $0xb8;
	[tilespmem:$0x16800] =	vst v63  }
0xb1: {  	s26 =	simm.s32 $0x14800;
	s25 =	simm.s32 $0x1C40  }
0xb2: {  	[tilespmem:s26], [sflag:$0x5] =	stream.indirect.gather [hbm4b:s1+s18], $0x80, s25, s18, $0xb8;
	[tilespmem:$0x16800] =	vst v63  }
0xb3: {  	v3 =	vld [tilespmem:$0x0];
	_ =	sdelay $0x4  }
0xb4: {  	v4 =	vperm.xlane v3, v0;
	_ =	sdelay $0x1  }
0xb5: {  	v3 =	vperm.xlane v3, v2;
	v4 =	vadd.s32 v1, v4;
	_ =	sdelay $0x1  }
0xb6: {  	v3 =	vadd.s32 v1, v3;
	_ =	sdelay $0x2  }
0xb7: {  	[tilespmem:s22], [sflag:$0x1] =	stream.indirect_vreg.gather [hbm4b:s1+s3], $0x80, v4, vm0, $0xb8;
	[tilespmem:$0x16800] =	vst v63  }
0xb8: {  	s8 =	simm.s32 $0x3000  }
0xb9: {  	[tilespmem:s8], [sflag:$0x1] =	stream.indirect_vreg.gather [hbm4b:s1+s3], $0x80, v3, vm0, $0xb8;
	[tilespmem:$0x16800] =	vst v63  }
0xba: {  	v3 =	vld [tilespmem:$0x10];
	_ =	sdelay $0x4  }
0xbb: {  	v33 =	vperm.xlane v3, v0;
	_ =	sdelay $0x1  }
0xbc: {  	v3 =	vperm.xlane v3, v2;
	v4 =	vadd.s32 v1, v33;
	_ =	sdelay $0x1  }
0xbd: {  	v3 =	vadd.s32 v1, v3;
	_ =	sdelay $0x1  }
0xbe: {  	s8 =	simm.s32 $0x3800  }
0xbf: {  	[tilespmem:s8], [sflag:$0x1] =	stream.indirect_vreg.gather [hbm4b:s1+s3], $0x80, v4, vm0, $0xb8;
	[tilespmem:$0x16800] =	vst v63  }
0xc0: {  	s28 =	simm.s32 $0x4000  }
0xc1: {  	[tilespmem:s28], [sflag:$0x1] =	stream.indirect_vreg.gather [hbm4b:s1+s3], $0x80, v3, vm0, $0xb8;
	[tilespmem:$0x16800] =	vst v63  }
0xc2: {  	v3 =	vld [tilespmem:$0x20];
	_ =	sdelay $0x4  }
0xc3: {  	v34 =	vperm.xlane v3, v0;
	_ =	sdelay $0x1  }
0xc4: {  	v3 =	vperm.xlane v3, v2;
	v4 =	vadd.s32 v1, v34;
	_ =	sdelay $0x1  }
0xc5: {  	v3 =	vadd.s32 v1, v3;
	_ =	sdelay $0x1  }
0xc6: {  	s28 =	simm.s32 $0x4800  }
0xc7: {  	[tilespmem:s28], [sflag:$0x1] =	stream.indirect_vreg.gather [hbm4b:s1+s3], $0x80, v4, vm0, $0xb8;
	[tilespmem:$0x16800] =	vst v63  }
0xc8: {  	s17 =	simm.s32 $0x5000  }
0xc9: {  	[tilespmem:s17], [sflag:$0x1] =	stream.indirect_vreg.gather [hbm4b:s1+s3], $0x80, v3, vm0, $0xb8;
	[tilespmem:$0x16800] =	vst v63  }
0xca: {  	v3 =	vld [tilespmem:$0x30];
	_ =	sdelay $0x4  }
0xcb: {  	v35 =	vperm.xlane v3, v0;
	_ =	sdelay $0x1  }
0xcc: {  	v3 =	vperm.xlane v3, v2;
	v4 =	vadd.s32 v1, v35;
	_ =	sdelay $0x1  }
0xcd: {  	v3 =	vadd.s32 v1, v3;
	_ =	sdelay $0x1  }
0xce: {  	s25 =	simm.s32 $0x5800  }
0xcf: {  	[tilespmem:s25], [sflag:$0x1] =	stream.indirect_vreg.gather [hbm4b:s1+s3], $0x80, v4, vm0, $0xb8;
	[tilespmem:$0x16800] =	vst v63  }
0xd0: {  	s17 =	simm.s32 $0x6000  }
0xd1: {  	[tilespmem:s17], [sflag:$0x1] =	stream.indirect_vreg.gather [hbm4b:s1+s3], $0x80, v3, vm0, $0xb8;
	[tilespmem:$0x16800] =	vst v63  }
0xd2: {  	v3 =	vld [tilespmem:$0x40];
	_ =	sdelay $0x4  }
0xd3: {  	v36 =	vperm.xlane v3, v0;
	_ =	sdelay $0x1  }
0xd4: {  	v3 =	vperm.xlane v3, v2;
	v4 =	vadd.s32 v1, v36;
	_ =	sdelay $0x1  }
0xd5: {  	v3 =	vadd.s32 v1, v3;
	_ =	sdelay $0x1  }
0xd6: {  	s25 =	simm.s32 $0x6800  }
0xd7: {  	[tilespmem:s25], [sflag:$0x1] =	stream.indirect_vreg.gather [hbm4b:s1+s3], $0x80, v4, vm0, $0xb8;
	[tilespmem:$0x16800] =	vst v63  }
0xd8: {  	s17 =	simm.s32 $0x7000  }
0xd9: {  	[tilespmem:s17], [sflag:$0x1] =	stream.indirect_vreg.gather [hbm4b:s1+s3], $0x80, v3, vm0, $0xb8;
	[tilespmem:$0x16800] =	vst v63  }
0xda: {  	v3 =	vld [tilespmem:$0x50];
	_ =	sdelay $0x4  }
0xdb: {  	v37 =	vperm.xlane v3, v0;
	_ =	sdelay $0x1  }
0xdc: {  	v3 =	vperm.xlane v3, v2;
	v4 =	vadd.s32 v1, v37;
	_ =	sdelay $0x1  }
0xdd: {  	v3 =	vadd.s32 v1, v3;
	_ =	sdelay $0x1  }
0xde: {  	s25 =	simm.s32 $0x7800  }
0xdf: {  	[tilespmem:s25], [sflag:$0x1] =	stream.indirect_vreg.gather [hbm4b:s1+s3], $0x80, v4, vm0, $0xb8;
	[tilespmem:$0x16800] =	vst v63  }
0xe0: {  	s2 =	simm.s32 $0x8000  }
0xe1: {  	[tilespmem:s2], [sflag:$0x1] =	stream.indirect_vreg.gather [hbm4b:s1+s3], $0x80, v3, vm0, $0xb8;
	[tilespmem:$0x16800] =	vst v63  }
0xe2: {  	v3 =	vld [tilespmem:$0x60];
	_ =	sdelay $0x4  }
0xe3: {  	v38 =	vperm.xlane v3, v0;
	_ =	sdelay $0x1  }
0xe4: {  	v3 =	vperm.xlane v3, v2;
	v4 =	vadd.s32 v1, v38;
	_ =	sdelay $0x1  }
0xe5: {  	v3 =	vadd.s32 v1, v3;
	_ =	sdelay $0x1  }
0xe6: {  	s17 =	simm.s32 $0x8800  }
0xe7: {  	[tilespmem:s17], [sflag:$0x1] =	stream.indirect_vreg.gather [hbm4b:s1+s3], $0x80, v4, vm0, $0xb8;
	[tilespmem:$0x16800] =	vst v63  }
0xe8: {  	s17 =	simm.s32 $0x9000  }
0xe9: {  	[tilespmem:s17], [sflag:$0x1] =	stream.indirect_vreg.gather [hbm4b:s1+s3], $0x80, v3, vm0, $0xb8;
	[tilespmem:$0x16800] =	vst v63  }
0xea: {  	v3 =	vld [tilespmem:$0x70];
	_ =	sdelay $0x4  }
0xeb: {  	v39 =	vperm.xlane v3, v0;
	_ =	sdelay $0x1  }
0xec: {  	v3 =	vperm.xlane v3, v2;
	v4 =	vadd.s32 v1, v39;
	_ =	sdelay $0x1  }
0xed: {  	v3 =	vadd.s32 v1, v3;
	_ =	sdelay $0x1  }
0xee: {  	s17 =	simm.s32 $0x9800  }
0xef: {  	[tilespmem:s17], [sflag:$0x1] =	stream.indirect_vreg.gather [hbm4b:s1+s3], $0x80, v4, vm0, $0xb8;
	[tilespmem:$0x16800] =	vst v63  }
0xf0: {  	s17 =	simm.s32 $0xA000  }
0xf1: {  	[tilespmem:s17], [sflag:$0x1] =	stream.indirect_vreg.gather [hbm4b:s1+s3], $0x80, v3, vm0, $0xb8;
	[tilespmem:$0x16800] =	vst v63  }
0xf2: {  	v3 =	vld [tilespmem:$0x80];
	_ =	sdelay $0x4  }
0xf3: {  	v40 =	vperm.xlane v3, v0;
	_ =	sdelay $0x1  }
0xf4: {  	v3 =	vperm.xlane v3, v2;
	v4 =	vadd.s32 v1, v40;
	_ =	sdelay $0x1  }
0xf5: {  	v3 =	vadd.s32 v1, v3;
	_ =	sdelay $0x1  }
0xf6: {  	s17 =	simm.s32 $0x2C00  }
0xf7: {  	[tilespmem:s17], [sflag:$0x1] =	stream.indirect_vreg.gather [hbm4b:s1+s3], $0x80, v4, vm0, $0xb8;
	[tilespmem:$0x16800] =	vst v63  }
0xf8: {  	s17 =	simm.s32 $0x3400  }
0xf9: {  	[tilespmem:s17], [sflag:$0x1] =	stream.indirect_vreg.gather [hbm4b:s1+s3], $0x80, v3, vm0, $0xb8;
	[tilespmem:$0x16800] =	vst v63  }
0xfa: {  	v3 =	vld [tilespmem:$0x90];
	_ =	sdelay $0x4  }
0xfb: {  	v41 =	vperm.xlane v3, v0;
	_ =	sdelay $0x1  }
0xfc: {  	v3 =	vperm.xlane v3, v2;
	v4 =	vadd.s32 v1, v41;
	_ =	sdelay $0x1  }
0xfd: {  	v3 =	vadd.s32 v1, v3;
	_ =	sdelay $0x1  }
0xfe: {  	s17 =	simm.s32 $0x3C00  }
0xff: {  	[tilespmem:s17], [sflag:$0x1] =	stream.indirect_vreg.gather [hbm4b:s1+s3], $0x80, v4, vm0, $0xb8;
	[tilespmem:$0x16800] =	vst v63  }
0x100: {  	s17 =	simm.s32 $0x4400  }
0x101: {  	[tilespmem:s17], [sflag:$0x1] =	stream.indirect_vreg.gather [hbm4b:s1+s3], $0x80, v3, vm0, $0xb8;
	[tilespmem:$0x16800] =	vst v63  }
0x102: {  	v3 =	vld [tilespmem:$0xA0];
	_ =	sdelay $0x4  }
0x103: {  	v42 =	vperm.xlane v3, v0;
	_ =	sdelay $0x1  }
0x104: {  	v3 =	vperm.xlane v3, v2;
	v4 =	vadd.s32 v1, v42;
	_ =	sdelay $0x1  }
0x105: {  	v3 =	vadd.s32 v1, v3;
	_ =	sdelay $0x1  }
0x106: {  	s17 =	simm.s32 $0x4C00  }
0x107: {  	[tilespmem:s17], [sflag:$0x1] =	stream.indirect_vreg.gather [hbm4b:s1+s3], $0x80, v4, vm0, $0xb8;
	[tilespmem:$0x16800] =	vst v63  }
0x108: {  	s17 =	simm.s32 $0x5400  }
0x109: {  	[tilespmem:s17], [sflag:$0x1] =	stream.indirect_vreg.gather [hbm4b:s1+s3], $0x80, v3, vm0, $0xb8;
	[tilespmem:$0x16800] =	vst v63  }
0x10a: {  	v3 =	vld [tilespmem:$0xB0];
	_ =	sdelay $0x4  }
0x10b: {  	v43 =	vperm.xlane v3, v0;
	_ =	sdelay $0x1  }
0x10c: {  	v3 =	vperm.xlane v3, v2;
	v4 =	vadd.s32 v1, v43;
	_ =	sdelay $0x1  }
0x10d: {  	v3 =	vadd.s32 v1, v3;
	_ =	sdelay $0x1  }
0x10e: {  	s17 =	simm.s32 $0x5C00  }
0x10f: {  	[tilespmem:s17], [sflag:$0x1] =	stream.indirect_vreg.gather [hbm4b:s1+s3], $0x80, v4, vm0, $0xb8;
	[tilespmem:$0x16800] =	vst v63  }
0x110: {  	s17 =	simm.s32 $0x6400  }
0x111: {  	[tilespmem:s17], [sflag:$0x1] =	stream.indirect_vreg.gather [hbm4b:s1+s3], $0x80, v3, vm0, $0xb8;
	[tilespmem:$0x16800] =	vst v63  }
0x112: {  	v3 =	vld [tilespmem:$0xC0];
	_ =	sdelay $0x4  }
0x113: {  	v44 =	vperm.xlane v3, v0;
	_ =	sdelay $0x1  }
0x114: {  	v3 =	vperm.xlane v3, v2;
	v4 =	vadd.s32 v1, v44;
	_ =	sdelay $0x1  }
0x115: {  	v3 =	vadd.s32 v1, v3;
	_ =	sdelay $0x1  }
0x116: {  	s17 =	simm.s32 $0x6C00  }
0x117: {  	[tilespmem:s17], [sflag:$0x1] =	stream.indirect_vreg.gather [hbm4b:s1+s3], $0x80, v4, vm0, $0xb8;
	[tilespmem:$0x16800] =	vst v63  }
0x118: {  	s17 =	simm.s32 $0x7400  }
0x119: {  	[tilespmem:s17], [sflag:$0x1] =	stream.indirect_vreg.gather [hbm4b:s1+s3], $0x80, v3, vm0, $0xb8;
	[tilespmem:$0x16800] =	vst v63  }
0x11a: {  	v3 =	vld [tilespmem:$0xD0];
	_ =	sdelay $0x4  }
0x11b: {  	v45 =	vperm.xlane v3, v0;
	_ =	sdelay $0x1  }
0x11c: {  	v3 =	vperm.xlane v3, v2;
	v4 =	vadd.s32 v1, v45;
	_ =	sdelay $0x1  }
0x11d: {  	v3 =	vadd.s32 v1, v3;
	_ =	sdelay $0x1  }
0x11e: {  	s17 =	simm.s32 $0x7C00  }
0x11f: {  	[tilespmem:s17], [sflag:$0x1] =	stream.indirect_vreg.gather [hbm4b:s1+s3], $0x80, v4, vm0, $0xb8;
	[tilespmem:$0x16800] =	vst v63  }
0x120: {  	s17 =	simm.s32 $0x8400  }
0x121: {  	[tilespmem:s17], [sflag:$0x1] =	stream.indirect_vreg.gather [hbm4b:s1+s3], $0x80, v3, vm0, $0xb8;
	[tilespmem:$0x16800] =	vst v63  }
0x122: {  	v3 =	vld [tilespmem:$0xE0];
	_ =	sdelay $0x4  }
0x123: {  	v46 =	vperm.xlane v3, v0;
	_ =	sdelay $0x1  }
0x124: {  	v3 =	vperm.xlane v3, v2;
	v4 =	vadd.s32 v1, v46;
	_ =	sdelay $0x1  }
0x125: {  	v3 =	vadd.s32 v1, v3;
	_ =	sdelay $0x1  }
0x126: {  	s17 =	simm.s32 $0x8C00  }
0x127: {  	[tilespmem:s17], [sflag:$0x1] =	stream.indirect_vreg.gather [hbm4b:s1+s3], $0x80, v4, vm0, $0xb8;
	[tilespmem:$0x16800] =	vst v63  }
0x128: {  	s17 =	simm.s32 $0x9400  }
0x129: {  	[tilespmem:s17], [sflag:$0x1] =	stream.indirect_vreg.gather [hbm4b:s1+s3], $0x80, v3, vm0, $0xb8;
	[tilespmem:$0x16800] =	vst v63  }
0x12a: {  	v3 =	vld [tilespmem:$0xF0];
	_ =	sdelay $0x4  }
0x12b: {  	v47 =	vperm.xlane v3, v0;
	_ =	sdelay $0x1  }
0x12c: {  	v3 =	vperm.xlane v3, v2;
	v4 =	vadd.s32 v1, v47;
	_ =	sdelay $0x1  }
0x12d: {  	v3 =	vadd.s32 v1, v3;
	_ =	sdelay $0x1  }
0x12e: {  	s17 =	simm.s32 $0x9C00  }
0x12f: {  	[tilespmem:s17], [sflag:$0x1] =	stream.indirect_vreg.gather [hbm4b:s1+s3], $0x80, v4, vm0, $0xb8;
	[tilespmem:$0x16800] =	vst v63  }
0x130: {  	_ = 	snop  }
0x131: {  	[tilespmem:s29], [sflag:$0x1] =	stream.indirect_vreg.gather [hbm4b:s1+s3], $0x80, v3, vm0, $0xb8;
	[tilespmem:$0x16800] =	vst v63  }
0x132: {  	v3 =	vld [tilespmem:$0x100];
	_ =	sdelay $0x4  }
0x133: {  	v48 =	vperm.xlane v3, v0;
	_ =	sdelay $0x1  }
0x134: {  	v3 =	vperm.xlane v3, v2;
	v4 =	vadd.s32 v1, v48;
	_ =	sdelay $0x1  }
0x135: {  	v3 =	vadd.s32 v1, v3;
	_ =	sdelay $0x2  }
0x136: {  	[tilespmem:s30], [sflag:$0x2] =	stream.indirect_vreg.gather [hbm4b:s1+s3], $0x80, v4, vm0, $0xb8;
	[tilespmem:$0x16800] =	vst v63  }
0x137: {  	s17 =	simm.s32 $0xB000  }
0x138: {  	[tilespmem:s17], [sflag:$0x2] =	stream.indirect_vreg.gather [hbm4b:s1+s3], $0x80, v3, vm0, $0xb8;
	[tilespmem:$0x16800] =	vst v63  }
0x139: {  	v3 =	vld [tilespmem:$0x110];
	_ =	sdelay $0x4  }
0x13a: {  	v49 =	vperm.xlane v3, v0;
	_ =	sdelay $0x1  }
0x13b: {  	v3 =	vperm.xlane v3, v2;
	v4 =	vadd.s32 v1, v49;
	_ =	sdelay $0x1  }
0x13c: {  	v3 =	vadd.s32 v1, v3;
	_ =	sdelay $0x1  }
0x13d: {  	s17 =	simm.s32 $0xB800  }
0x13e: {  	[tilespmem:s17], [sflag:$0x2] =	stream.indirect_vreg.gather [hbm4b:s1+s3], $0x80, v4, vm0, $0xb8;
	[tilespmem:$0x16800] =	vst v63  }
0x13f: {  	s17 =	simm.s32 $0xC000  }
0x140: {  	[tilespmem:s17], [sflag:$0x2] =	stream.indirect_vreg.gather [hbm4b:s1+s3], $0x80, v3, vm0, $0xb8;
	[tilespmem:$0x16800] =	vst v63  }
0x141: {  	v3 =	vld [tilespmem:$0x120];
	_ =	sdelay $0x4  }
0x142: {  	v50 =	vperm.xlane v3, v0;
	_ =	sdelay $0x1  }
0x143: {  	v3 =	vperm.xlane v3, v2;
	v4 =	vadd.s32 v1, v50;
	_ =	sdelay $0x1  }
0x144: {  	v3 =	vadd.s32 v1, v3;
	_ =	sdelay $0x1  }
0x145: {  	s17 =	simm.s32 $0xC800  }
0x146: {  	[tilespmem:s17], [sflag:$0x2] =	stream.indirect_vreg.gather [hbm4b:s1+s3], $0x80, v4, vm0, $0xb8;
	[tilespmem:$0x16800] =	vst v63  }
0x147: {  	s17 =	simm.s32 $0xD000  }
0x148: {  	[tilespmem:s17], [sflag:$0x2] =	stream.indirect_vreg.gather [hbm4b:s1+s3], $0x80, v3, vm0, $0xb8;
	[tilespmem:$0x16800] =	vst v63  }
0x149: {  	v3 =	vld [tilespmem:$0x130];
	_ =	sdelay $0x4  }
0x14a: {  	v51 =	vperm.xlane v3, v0;
	_ =	sdelay $0x1  }
0x14b: {  	v3 =	vperm.xlane v3, v2;
	v4 =	vadd.s32 v1, v51;
	_ =	sdelay $0x1  }
0x14c: {  	v3 =	vadd.s32 v1, v3;
	_ =	sdelay $0x1  }
0x14d: {  	s17 =	simm.s32 $0xD800  }
0x14e: {  	[tilespmem:s17], [sflag:$0x2] =	stream.indirect_vreg.gather [hbm4b:s1+s3], $0x80, v4, vm0, $0xb8;
	[tilespmem:$0x16800] =	vst v63  }
0x14f: {  	s17 =	simm.s32 $0xE000  }
0x150: {  	[tilespmem:s17], [sflag:$0x2] =	stream.indirect_vreg.gather [hbm4b:s1+s3], $0x80, v3, vm0, $0xb8;
	[tilespmem:$0x16800] =	vst v63  }
0x151: {  	v3 =	vld [tilespmem:$0x140];
	_ =	sdelay $0x4  }
0x152: {  	v52 =	vperm.xlane v3, v0;
	_ =	sdelay $0x1  }
0x153: {  	v3 =	vperm.xlane v3, v2;
	v4 =	vadd.s32 v1, v52;
	_ =	sdelay $0x1  }
0x154: {  	v3 =	vadd.s32 v1, v3;
	_ =	sdelay $0x1  }
0x155: {  	s17 =	simm.s32 $0xE800  }
0x156: {  	[tilespmem:s17], [sflag:$0x2] =	stream.indirect_vreg.gather [hbm4b:s1+s3], $0x80, v4, vm0, $0xb8;
	[tilespmem:$0x16800] =	vst v63  }
0x157: {  	s17 =	simm.s32 $0xF000  }
0x158: {  	[tilespmem:s17], [sflag:$0x2] =	stream.indirect_vreg.gather [hbm4b:s1+s3], $0x80, v3, vm0, $0xb8;
	[tilespmem:$0x16800] =	vst v63  }
0x159: {  	v3 =	vld [tilespmem:$0x150];
	_ =	sdelay $0x4  }
0x15a: {  	v53 =	vperm.xlane v3, v0;
	_ =	sdelay $0x1  }
0x15b: {  	v3 =	vperm.xlane v3, v2;
	v4 =	vadd.s32 v1, v53;
	_ =	sdelay $0x1  }
0x15c: {  	v3 =	vadd.s32 v1, v3;
	_ =	sdelay $0x1  }
0x15d: {  	s17 =	simm.s32 $0xF800  }
0x15e: {  	[tilespmem:s17], [sflag:$0x2] =	stream.indirect_vreg.gather [hbm4b:s1+s3], $0x80, v4, vm0, $0xb8;
	[tilespmem:$0x16800] =	vst v63  }
0x15f: {  	s17 =	simm.s32 $0x10000  }
0x160: {  	[tilespmem:s17], [sflag:$0x2] =	stream.indirect_vreg.gather [hbm4b:s1+s3], $0x80, v3, vm0, $0xb8;
	[tilespmem:$0x16800] =	vst v63  }
0x161: {  	v3 =	vld [tilespmem:$0x160];
	_ =	sdelay $0x4  }
0x162: {  	v54 =	vperm.xlane v3, v0;
	_ =	sdelay $0x1  }
0x163: {  	v3 =	vperm.xlane v3, v2;
	v4 =	vadd.s32 v1, v54;
	_ =	sdelay $0x1  }
0x164: {  	v3 =	vadd.s32 v1, v3;
	_ =	sdelay $0x1  }
0x165: {  	s17 =	simm.s32 $0x10800  }
0x166: {  	[tilespmem:s17], [sflag:$0x2] =	stream.indirect_vreg.gather [hbm4b:s1+s3], $0x80, v4, vm0, $0xb8;
	[tilespmem:$0x16800] =	vst v63  }
0x167: {  	s17 =	simm.s32 $0x11000  }
0x168: {  	[tilespmem:s17], [sflag:$0x2] =	stream.indirect_vreg.gather [hbm4b:s1+s3], $0x80, v3, vm0, $0xb8;
	[tilespmem:$0x16800] =	vst v63  }
0x169: {  	v3 =	vld [tilespmem:$0x170];
	_ =	sdelay $0x4  }
0x16a: {  	v55 =	vperm.xlane v3, v0;
	_ =	sdelay $0x1  }
0x16b: {  	v3 =	vperm.xlane v3, v2;
	v4 =	vadd.s32 v1, v55;
	_ =	sdelay $0x1  }
0x16c: {  	v3 =	vadd.s32 v1, v3;
	_ =	sdelay $0x1  }
0x16d: {  	s17 =	simm.s32 $0x11800  }
0x16e: {  	[tilespmem:s17], [sflag:$0x2] =	stream.indirect_vreg.gather [hbm4b:s1+s3], $0x80, v4, vm0, $0xb8;
	[tilespmem:$0x16800] =	vst v63  }
0x16f: {  	s17 =	simm.s32 $0x12000  }
0x170: {  	[tilespmem:s17], [sflag:$0x2] =	stream.indirect_vreg.gather [hbm4b:s1+s3], $0x80, v3, vm0, $0xb8;
	[tilespmem:$0x16800] =	vst v63  }
0x171: {  	v3 =	vld [tilespmem:$0x180];
	_ =	sdelay $0x4  }
0x172: {  	v56 =	vperm.xlane v3, v0;
	_ =	sdelay $0x1  }
0x173: {  	v3 =	vperm.xlane v3, v2;
	v4 =	vadd.s32 v1, v56;
	_ =	sdelay $0x1  }
0x174: {  	v3 =	vadd.s32 v1, v3;
	_ =	sdelay $0x1  }
0x175: {  	s17 =	simm.s32 $0xAC00  }
0x176: {  	[tilespmem:s17], [sflag:$0x2] =	stream.indirect_vreg.gather [hbm4b:s1+s3], $0x80, v4, vm0, $0xb8;
	[tilespmem:$0x16800] =	vst v63  }
0x177: {  	s17 =	simm.s32 $0xB400  }
0x178: {  	[tilespmem:s17], [sflag:$0x2] =	stream.indirect_vreg.gather [hbm4b:s1+s3], $0x80, v3, vm0, $0xb8;
	[tilespmem:$0x16800] =	vst v63  }
0x179: {  	v3 =	vld [tilespmem:$0x190];
	_ =	sdelay $0x4  }
0x17a: {  	v57 =	vperm.xlane v3, v0;
	_ =	sdelay $0x1  }
0x17b: {  	v3 =	vperm.xlane v3, v2;
	v4 =	vadd.s32 v1, v57;
	_ =	sdelay $0x1  }
0x17c: {  	v3 =	vadd.s32 v1, v3;
	_ =	sdelay $0x1  }
0x17d: {  	s17 =	simm.s32 $0xBC00  }
0x17e: {  	[tilespmem:s17], [sflag:$0x2] =	stream.indirect_vreg.gather [hbm4b:s1+s3], $0x80, v4, vm0, $0xb8;
	[tilespmem:$0x16800] =	vst v63  }
0x17f: {  	s17 =	simm.s32 $0xC400  }
0x180: {  	[tilespmem:s17], [sflag:$0x2] =	stream.indirect_vreg.gather [hbm4b:s1+s3], $0x80, v3, vm0, $0xb8;
	[tilespmem:$0x16800] =	vst v63  }
0x181: {  	v3 =	vld [tilespmem:$0x1A0];
	_ =	sdelay $0x4  }
0x182: {  	v58 =	vperm.xlane v3, v0;
	_ =	sdelay $0x1  }
0x183: {  	v3 =	vperm.xlane v3, v2;
	v4 =	vadd.s32 v1, v58;
	_ =	sdelay $0x1  }
0x184: {  	v3 =	vadd.s32 v1, v3;
	_ =	sdelay $0x1  }
0x185: {  	s17 =	simm.s32 $0xCC00  }
0x186: {  	[tilespmem:s17], [sflag:$0x2] =	stream.indirect_vreg.gather [hbm4b:s1+s3], $0x80, v4, vm0, $0xb8;
	[tilespmem:$0x16800] =	vst v63  }
0x187: {  	s17 =	simm.s32 $0xD400  }
0x188: {  	[tilespmem:s17], [sflag:$0x2] =	stream.indirect_vreg.gather [hbm4b:s1+s3], $0x80, v3, vm0, $0xb8;
	[tilespmem:$0x16800] =	vst v63  }
0x189: {  	v3 =	vld [tilespmem:$0x1B0];
	_ =	sdelay $0x4  }
0x18a: {  	v59 =	vperm.xlane v3, v0;
	_ =	sdelay $0x1  }
0x18b: {  	v3 =	vperm.xlane v3, v2;
	v4 =	vadd.s32 v1, v59;
	_ =	sdelay $0x1  }
0x18c: {  	v3 =	vadd.s32 v1, v3;
	_ =	sdelay $0x1  }
0x18d: {  	s2 =	simm.s32 $0xDC00  }
0x18e: {  	[tilespmem:s2], [sflag:$0x2] =	stream.indirect_vreg.gather [hbm4b:s1+s3], $0x80, v4, vm0, $0xb8;
	[tilespmem:$0x16800] =	vst v63  }
0x18f: {  	_ = 	snop  }
0x190: {  	[tilespmem:s9], [sflag:$0x2] =	stream.indirect_vreg.gather [hbm4b:s1+s3], $0x80, v3, vm0, $0xb8;
	[tilespmem:$0x16800] =	vst v63  }
0x191: {  	v3 =	vld [tilespmem:$0x1C0];
	_ =	sdelay $0x4  }
0x192: {  	v60 =	vperm.xlane v3, v0;
	_ =	sdelay $0x1  }
0x193: {  	v3 =	vperm.xlane v3, v2;
	v4 =	vadd.s32 v1, v60;
	_ =	sdelay $0x1  }
0x194: {  	v3 =	vadd.s32 v1, v3;
	_ =	sdelay $0x2  }
0x195: {  	[tilespmem:s16], [sflag:$0x2] =	stream.indirect_vreg.gather [hbm4b:s1+s3], $0x80, v4, vm0, $0xb8;
	[tilespmem:$0x16800] =	vst v63  }
0x196: {  	_ = 	snop  }
0x197: {  	[tilespmem:s6], [sflag:$0x2] =	stream.indirect_vreg.gather [hbm4b:s1+s3], $0x80, v3, vm0, $0xb8;
	[tilespmem:$0x16800] =	vst v63  }
0x198: {  	v3 =	vld [tilespmem:$0x1D0];
	_ =	sdelay $0x4  }
0x199: {  	v61 =	vperm.xlane v3, v0;
	_ =	sdelay $0x1  }
0x19a: {  	v3 =	vperm.xlane v3, v2;
	v4 =	vadd.s32 v1, v61;
	_ =	sdelay $0x1  }
0x19b: {  	v3 =	vadd.s32 v1, v3;
	_ =	sdelay $0x2  }
0x19c: {  	[tilespmem:s5], [sflag:$0x2] =	stream.indirect_vreg.gather [hbm4b:s1+s3], $0x80, v4, vm0, $0xb8;
	[tilespmem:$0x16800] =	vst v63  }
0x19d: {  	_ = 	snop  }
0x19e: {  	[tilespmem:s0], [sflag:$0x2] =	stream.indirect_vreg.gather [hbm4b:s1+s3], $0x80, v3, vm0, $0xb8;
	[tilespmem:$0x16800] =	vst v63  }
0x19f: {  	v3 =	vld [tilespmem:$0x1E0];
	_ =	sdelay $0x4  }
0x1a0: {  	v62 =	vperm.xlane v3, v0;
	_ =	sdelay $0x1  }
0x1a1: {  	v3 =	vperm.xlane v3, v2;
	v4 =	vadd.s32 v1, v62;
	_ =	sdelay $0x1  }
0x1a2: {  	v3 =	vadd.s32 v1, v3;
	_ =	sdelay $0x2  }
0x1a3: {  	[tilespmem:s13], [sflag:$0x2] =	stream.indirect_vreg.gather [hbm4b:s1+s3], $0x80, v4, vm0, $0xb8;
	[tilespmem:$0x16800] =	vst v63  }
0x1a4: {  	_ = 	snop  }
0x1a5: {  	[tilespmem:s15], [sflag:$0x2] =	stream.indirect_vreg.gather [hbm4b:s1+s3], $0x80, v3, vm0, $0xb8;
	[tilespmem:$0x16800] =	vst v63  }
0x1a6: {  	v3 =	vld [tilespmem:$0x1F0];
	_ =	sdelay $0x4  }
0x1a7: {  	v63 =	vperm.xlane v3, v0;
	_ =	sdelay $0x1  }
0x1a8: {  	v3 =	vperm.xlane v3, v2;
	v4 =	vadd.s32 v1, v63;
	_ =	sdelay $0x1  }
0x1a9: {  	v3 =	vadd.s32 v1, v3;
	_ =	sdelay $0x2  }
0x1aa: {  	[tilespmem:s12], [sflag:$0x2] =	stream.indirect_vreg.gather [hbm4b:s1+s3], $0x80, v4, vm0, $0xb8;
	[tilespmem:$0x16800] =	vst v63  }
0x1ab: {  	_ = 	snop  }
0x1ac: {  	[tilespmem:s20], [sflag:$0x2] =	stream.indirect_vreg.gather [hbm4b:s1+s3], $0x80, v3, vm0, $0xb8;
	[tilespmem:$0x16800] =	vst v63  }
0x1ad: {  	_ =	swait.ge [sflag:s19], $0x2000  }
0x1ae: {  	[sflag:s19] =	ssyncset.done $0x0  }
0x1af: {  	[sflag:s19] =	ssyncadd.s32 $0xFFFFE000  }
0x1b0: {  	_ =	swait.ge [sflag:s19], $0x2000  }
0x1b1: {  	[sflag:s19] =	ssyncset.done $0x0  }
0x1b2: {  	s17 =	simm.s32 $0x1C80;
	[sflag:s19] =	ssyncadd.s32 $0xFFFFE000  }
0x1b3: {  	[tilespmem:s4], [sflag:$0x5] =	stream.indirect.gather.add.f32 [hbm:s1], $0x80, s17, s18, $0xb8;
	[tilespmem:$0x16800] =	vst v63  }
0x1b4: {  	s17 =	simm.s32 $0x1CC0  }
0x1b5: {  	[tilespmem:s26], [sflag:$0x5] =	stream.indirect.gather.add.f32 [hbm:s1], $0x80, s17, s18, $0xb8;
	[tilespmem:$0x16800] =	vst v63  }
0x1b6: {  	s17 =	simm.s32 $0x1D00  }
0x1b7: {  	[tilespmem:s4], [sflag:$0x5] =	stream.indirect.gather.add.f32 [hbm:s1], $0x80, s17, s18, $0xb8;
	[tilespmem:$0x16800] =	vst v63  }
0x1b8: {  	s17 =	simm.s32 $0x1D40  }
0x1b9: {  	[tilespmem:s26], [sflag:$0x5] =	stream.indirect.gather.add.f32 [hbm:s1], $0x80, s17, s18, $0xb8;
	[tilespmem:$0x16800] =	vst v63  }
0x1ba: {  	s17 =	simm.s32 $0x1D80  }
0x1bb: {  	[tilespmem:s4], [sflag:$0x5] =	stream.indirect.gather.add.f32 [hbm:s1], $0x80, s17, s18, $0xb8;
	[tilespmem:$0x16800] =	vst v63  }
0x1bc: {  	s17 =	simm.s32 $0x1DC0  }
0x1bd: {  	[tilespmem:s26], [sflag:$0x5] =	stream.indirect.gather.add.f32 [hbm:s1], $0x80, s17, s18, $0xb8;
	[tilespmem:$0x16800] =	vst v63  }
0x1be: {  	s17 =	simm.s32 $0x1E00  }
0x1bf: {  	[tilespmem:s4], [sflag:$0x5] =	stream.indirect.gather.add.f32 [hbm:s1], $0x80, s17, s18, $0xb8;
	[tilespmem:$0x16800] =	vst v63  }
0x1c0: {  	s17 =	simm.s32 $0x1E40  }
0x1c1: {  	[tilespmem:s26], [sflag:$0x5] =	stream.indirect.gather.add.f32 [hbm:s1], $0x80, s17, s18, $0xb8;
	[tilespmem:$0x16800] =	vst v63  }
0x1c2: {  	s17 =	simm.s32 $0x1E80  }
0x1c3: {  	[tilespmem:s4], [sflag:$0x5] =	stream.indirect.gather.add.f32 [hbm:s1], $0x80, s17, s18, $0xb8;
	[tilespmem:$0x16800] =	vst v63  }
0x1c4: {  	s17 =	simm.s32 $0x1EC0  }
0x1c5: {  	[tilespmem:s26], [sflag:$0x5] =	stream.indirect.gather.add.f32 [hbm:s1], $0x80, s17, s18, $0xb8;
	[tilespmem:$0x16800] =	vst v63  }
0x1c6: {  	s17 =	simm.s32 $0x1F00  }
0x1c7: {  	[tilespmem:s4], [sflag:$0x5] =	stream.indirect.gather.add.f32 [hbm:s1], $0x80, s17, s18, $0xb8;
	[tilespmem:$0x16800] =	vst v63  }
0x1c8: {  	s17 =	simm.s32 $0x1F40  }
0x1c9: {  	[tilespmem:s26], [sflag:$0x5] =	stream.indirect.gather.add.f32 [hbm:s1], $0x80, s17, s18, $0xb8;
	[tilespmem:$0x16800] =	vst v63  }
0x1ca: {  	s17 =	simm.s32 $0x1F80  }
0x1cb: {  	[tilespmem:s4], [sflag:$0x5] =	stream.indirect.gather.add.f32 [hbm:s1], $0x80, s17, s18, $0xb8;
	[tilespmem:$0x16800] =	vst v63  }
0x1cc: {  	s17 =	simm.s32 $0x1FC0  }
0x1cd: {  	[tilespmem:s26], [sflag:$0x5] =	stream.indirect.gather.add.f32 [hbm:s1], $0x80, s17, s18, $0xb8;
	[tilespmem:$0x16800] =	vst v63  }
0x1ce: {  	s17 =	simm.s32 $0x2000  }
0x1cf: {  	[tilespmem:s4], [sflag:$0x5] =	stream.indirect.gather.add.f32 [hbm:s1], $0x80, s17, s18, $0xb8;
	[tilespmem:$0x16800] =	vst v63  }
0x1d0: {  	s17 =	simm.s32 $0x2040  }
0x1d1: {  	[tilespmem:s26], [sflag:$0x5] =	stream.indirect.gather.add.f32 [hbm:s1], $0x80, s17, s18, $0xb8;
	[tilespmem:$0x16800] =	vst v63  }
0x1d2: {  	s17 =	simm.s32 $0x2080  }
0x1d3: {  	[tilespmem:s4], [sflag:$0x5] =	stream.indirect.gather.add.f32 [hbm:s1], $0x80, s17, s18, $0xb8;
	[tilespmem:$0x16800] =	vst v63  }
0x1d4: {  	s17 =	simm.s32 $0x20C0  }
0x1d5: {  	[tilespmem:s26], [sflag:$0x5] =	stream.indirect.gather.add.f32 [hbm:s1], $0x80, s17, s18, $0xb8;
	[tilespmem:$0x16800] =	vst v63  }
0x1d6: {  	s17 =	simm.s32 $0x2100  }
0x1d7: {  	[tilespmem:s4], [sflag:$0x5] =	stream.indirect.gather.add.f32 [hbm:s1], $0x80, s17, s18, $0xb8;
	[tilespmem:$0x16800] =	vst v63  }
0x1d8: {  	s17 =	simm.s32 $0x2140  }
0x1d9: {  	[tilespmem:s26], [sflag:$0x5] =	stream.indirect.gather.add.f32 [hbm:s1], $0x80, s17, s18, $0xb8;
	[tilespmem:$0x16800] =	vst v63  }
0x1da: {  	s17 =	simm.s32 $0x2180  }
0x1db: {  	[tilespmem:s4], [sflag:$0x5] =	stream.indirect.gather.add.f32 [hbm:s1], $0x80, s17, s18, $0xb8;
	[tilespmem:$0x16800] =	vst v63  }
0x1dc: {  	s17 =	simm.s32 $0x21C0  }
0x1dd: {  	[tilespmem:s26], [sflag:$0x5] =	stream.indirect.gather.add.f32 [hbm:s1], $0x80, s17, s18, $0xb8;
	[tilespmem:$0x16800] =	vst v63  }
0x1de: {  	s17 =	simm.s32 $0x2200  }
0x1df: {  	[tilespmem:s4], [sflag:$0x5] =	stream.indirect.gather.add.f32 [hbm:s1], $0x80, s17, s18, $0xb8;
	[tilespmem:$0x16800] =	vst v63  }
0x1e0: {  	s17 =	simm.s32 $0x2240  }
0x1e1: {  	[tilespmem:s26], [sflag:$0x5] =	stream.indirect.gather.add.f32 [hbm:s1], $0x80, s17, s18, $0xb8;
	[tilespmem:$0x16800] =	vst v63  }
0x1e2: {  	s17 =	simm.s32 $0x2280  }
0x1e3: {  	[tilespmem:s4], [sflag:$0x5] =	stream.indirect.gather.add.f32 [hbm:s1], $0x80, s17, s18, $0xb8;
	[tilespmem:$0x16800] =	vst v63  }
0x1e4: {  	s17 =	simm.s32 $0x22C0  }
0x1e5: {  	[tilespmem:s26], [sflag:$0x5] =	stream.indirect.gather.add.f32 [hbm:s1], $0x80, s17, s18, $0xb8;
	[tilespmem:$0x16800] =	vst v63  }
0x1e6: {  	s17 =	simm.s32 $0x2300  }
0x1e7: {  	[tilespmem:s4], [sflag:$0x5] =	stream.indirect.gather.add.f32 [hbm:s1], $0x80, s17, s18, $0xb8;
	[tilespmem:$0x16800] =	vst v63  }
0x1e8: {  	s17 =	simm.s32 $0x2340  }
0x1e9: {  	[tilespmem:s26], [sflag:$0x5] =	stream.indirect.gather.add.f32 [hbm:s1], $0x80, s17, s18, $0xb8;
	[tilespmem:$0x16800] =	vst v63  }
0x1ea: {  	s17 =	simm.s32 $0x2380  }
0x1eb: {  	[tilespmem:s4], [sflag:$0x5] =	stream.indirect.gather.add.f32 [hbm:s1], $0x80, s17, s18, $0xb8;
	[tilespmem:$0x16800] =	vst v63  }
0x1ec: {  	s17 =	simm.s32 $0x23C0  }
0x1ed: {  	[tilespmem:s26], [sflag:$0x5] =	stream.indirect.gather.add.f32 [hbm:s1], $0x80, s17, s18, $0xb8;
	[tilespmem:$0x16800] =	vst v63  }
0x1ee: {  	_ = 	snop  }
0x1ef: {  	[tilespmem:s4], [sflag:$0x5] =	stream.indirect.gather.add.f32 [hbm:s1], $0x80, s24, s18, $0xb8;
	[tilespmem:$0x16800] =	vst v63  }
0x1f0: {  	s24 =	simm.s32 $0x2440  }
0x1f1: {  	[tilespmem:s26], [sflag:$0x5] =	stream.indirect.gather.add.f32 [hbm:s1], $0x80, s24, s18, $0xb8;
	[tilespmem:$0x16800] =	vst v63  }
0x1f2: {  	s17 =	simm.s32 $0x2480  }
0x1f3: {  	[tilespmem:s4], [sflag:$0x5] =	stream.indirect.gather.add.f32 [hbm:s1], $0x80, s17, s18, $0xb8;
	[tilespmem:$0x16800] =	vst v63  }
0x1f4: {  	s24 =	simm.s32 $0x24C0  }
0x1f5: {  	[tilespmem:s26], [sflag:$0x5] =	stream.indirect.gather.add.f32 [hbm:s1], $0x80, s24, s18, $0xb8;
	[tilespmem:$0x16800] =	vst v63  }
0x1f6: {  	s17 =	simm.s32 $0x2500  }
0x1f7: {  	[tilespmem:s4], [sflag:$0x5] =	stream.indirect.gather.add.f32 [hbm:s1], $0x80, s17, s18, $0xb8;
	[tilespmem:$0x16800] =	vst v63  }
0x1f8: {  	s24 =	simm.s32 $0x2540  }
0x1f9: {  	[tilespmem:s26], [sflag:$0x5] =	stream.indirect.gather.add.f32 [hbm:s1], $0x80, s24, s18, $0xb8;
	[tilespmem:$0x16800] =	vst v63  }
0x1fa: {  	s17 =	simm.s32 $0x2580  }
0x1fb: {  	[tilespmem:s4], [sflag:$0x5] =	stream.indirect.gather.add.f32 [hbm:s1], $0x80, s17, s18, $0xb8;
	[tilespmem:$0x16800] =	vst v63  }
0x1fc: {  	s25 =	simm.s32 $0x8000;
	s24 =	simm.s32 $0x25C0;
	s4 =	simm.s32 $0x3000  }
0x1fd: {  	[tilespmem:s26], [sflag:$0x5] =	stream.indirect.gather.add.f32 [hbm:s1], $0x80, s24, s18, $0xb8;
	[tilespmem:$0x16800] =	vst v63  }
0x1fe: {  	s17 =	simm.s32 $0x3F0;
	s26 =	simm.s32 $0x4000;
	s24 =	simm.s32 $0x0  }
.LBB2_2:
0x1ff: {  	_ =	swait.ge [sflag:s7], $0x4000  }
0x200: {  	[sflag:s7] =	ssyncset.done $0x0  }
0x201: {  	[sflag:s7] =	ssyncadd.s32 $0xFFFFC000  }
0x202: {  	_ =	swait.ge [sflag:s7], $0x4000  }
0x203: {  	[sflag:s7] =	ssyncset.done $0x0  }
0x204: {  	s14 =	sadd.s32 s24, s11;
	[sflag:s7] =	ssyncadd.s32 $0xFFFFC000  }
0x205: {  	[hbm4b:s14+s3] =	stream.linear.scatter [tilespmem:s22], [sflag:$0x3], $0x8000, $0x38;
	[tilespmem:$0x16800] =	vst v63  }
0x206: {  	_ =	swait.ge [sflag:s21], $0x8000  }
0x207: {  	[sflag:s21] =	ssyncset.done $0x0  }
0x208: {  	[sflag:s21] =	ssyncadd.s32 $0xFFFF8000  }
0x209: {  	v3 =	vld [tilespmem:s17+$0xFFFFFE10];
	_ =	sdelay $0x4  }
0x20a: {  	v4 =	vperm.xlane v3, v0;
	_ =	sdelay $0x1  }
0x20b: {  	v3 =	vperm.xlane v3, v2;
	v4 =	vadd.s32 v1, v4;
	_ =	sdelay $0x1  }
0x20c: {  	v3 =	vadd.s32 v1, v3;
	_ =	sdelay $0x2  }
0x20d: {  	[tilespmem:s22], [sflag:$0x1] =	stream.indirect_vreg.gather [hbm4b:s1+s3], $0x80, v4, vm0, $0xb8;
	[tilespmem:$0x16800] =	vst v63  }
0x20e: {  	_ = 	snop  }
0x20f: {  	[tilespmem:s4], [sflag:$0x1] =	stream.indirect_vreg.gather [hbm4b:s1+s3], $0x80, v3, vm0, $0xb8;
	[tilespmem:$0x16800] =	vst v63  }
0x210: {  	v3 =	vld [tilespmem:s17+$0xFFFFFE20];
	_ =	sdelay $0x4  }
0x211: {  	v49 =	vperm.xlane v3, v0;
	_ =	sdelay $0x1  }
0x212: {  	v3 =	vperm.xlane v3, v2;
	v4 =	vadd.s32 v1, v49;
	_ =	sdelay $0x1  }
0x213: {  	v3 =	vadd.s32 v1, v3;
	_ =	sdelay $0x2  }
0x214: {  	[tilespmem:s8], [sflag:$0x1] =	stream.indirect_vreg.gather [hbm4b:s1+s3], $0x80, v4, vm0, $0xb8;
	[tilespmem:$0x16800] =	vst v63  }
0x215: {  	_ = 	snop  }
0x216: {  	[tilespmem:s26], [sflag:$0x1] =	stream.indirect_vreg.gather [hbm4b:s1+s3], $0x80, v3, vm0, $0xb8;
	[tilespmem:$0x16800] =	vst v63  }
0x217: {  	v3 =	vld [tilespmem:s17+$0xFFFFFE30];
	_ =	sdelay $0x4  }
0x218: {  	v50 =	vperm.xlane v3, v0;
	_ =	sdelay $0x1  }
0x219: {  	v3 =	vperm.xlane v3, v2;
	v4 =	vadd.s32 v1, v50;
	_ =	sdelay $0x1  }
0x21a: {  	v3 =	vadd.s32 v1, v3;
	_ =	sdelay $0x2  }
0x21b: {  	[tilespmem:s28], [sflag:$0x1] =	stream.indirect_vreg.gather [hbm4b:s1+s3], $0x80, v4, vm0, $0xb8;
	[tilespmem:$0x16800] =	vst v63  }
0x21c: {  	s14 =	simm.s32 $0x5000  }
0x21d: {  	[tilespmem:s14], [sflag:$0x1] =	stream.indirect_vreg.gather [hbm4b:s1+s3], $0x80, v3, vm0, $0xb8;
	[tilespmem:$0x16800] =	vst v63  }
0x21e: {  	v3 =	vld [tilespmem:s17+$0xFFFFFE40];
	_ =	sdelay $0x4  }
0x21f: {  	v51 =	vperm.xlane v3, v0;
	_ =	sdelay $0x1  }
0x220: {  	v3 =	vperm.xlane v3, v2;
	v4 =	vadd.s32 v1, v51;
	_ =	sdelay $0x1  }
0x221: {  	v3 =	vadd.s32 v1, v3;
	_ =	sdelay $0x1  }
0x222: {  	s14 =	simm.s32 $0x5800  }
0x223: {  	[tilespmem:s14], [sflag:$0x1] =	stream.indirect_vreg.gather [hbm4b:s1+s3], $0x80, v4, vm0, $0xb8;
	[tilespmem:$0x16800] =	vst v63  }
0x224: {  	s14 =	simm.s32 $0x6000  }
0x225: {  	[tilespmem:s14], [sflag:$0x1] =	stream.indirect_vreg.gather [hbm4b:s1+s3], $0x80, v3, vm0, $0xb8;
	[tilespmem:$0x16800] =	vst v63  }
0x226: {  	v3 =	vld [tilespmem:s17+$0xFFFFFE50];
	_ =	sdelay $0x4  }
0x227: {  	v52 =	vperm.xlane v3, v0;
	_ =	sdelay $0x1  }
0x228: {  	v3 =	vperm.xlane v3, v2;
	v4 =	vadd.s32 v1, v52;
	_ =	sdelay $0x1  }
0x229: {  	v3 =	vadd.s32 v1, v3;
	_ =	sdelay $0x1  }
0x22a: {  	s14 =	simm.s32 $0x6800  }
0x22b: {  	[tilespmem:s14], [sflag:$0x1] =	stream.indirect_vreg.gather [hbm4b:s1+s3], $0x80, v4, vm0, $0xb8;
	[tilespmem:$0x16800] =	vst v63  }
0x22c: {  	s14 =	simm.s32 $0x7000  }
0x22d: {  	[tilespmem:s14], [sflag:$0x1] =	stream.indirect_vreg.gather [hbm4b:s1+s3], $0x80, v3, vm0, $0xb8;
	[tilespmem:$0x16800] =	vst v63  }
0x22e: {  	v3 =	vld [tilespmem:s17+$0xFFFFFE60];
	_ =	sdelay $0x4  }
0x22f: {  	v53 =	vperm.xlane v3, v0;
	_ =	sdelay $0x1  }
0x230: {  	v3 =	vperm.xlane v3, v2;
	v4 =	vadd.s32 v1, v53;
	_ =	sdelay $0x1  }
0x231: {  	v3 =	vadd.s32 v1, v3;
	_ =	sdelay $0x1  }
0x232: {  	s14 =	simm.s32 $0x7800  }
0x233: {  	[tilespmem:s14], [sflag:$0x1] =	stream.indirect_vreg.gather [hbm4b:s1+s3], $0x80, v4, vm0, $0xb8;
	[tilespmem:$0x16800] =	vst v63  }
0x234: {  	_ = 	snop  }
0x235: {  	[tilespmem:s25], [sflag:$0x1] =	stream.indirect_vreg.gather [hbm4b:s1+s3], $0x80, v3, vm0, $0xb8;
	[tilespmem:$0x16800] =	vst v63  }
0x236: {  	v3 =	vld [tilespmem:s17+$0xFFFFFE70];
	_ =	sdelay $0x4  }
0x237: {  	v54 =	vperm.xlane v3, v0;
	_ =	sdelay $0x1  }
0x238: {  	v3 =	vperm.xlane v3, v2;
	v4 =	vadd.s32 v1, v54;
	_ =	sdelay $0x1  }
0x239: {  	v3 =	vadd.s32 v1, v3;
	_ =	sdelay $0x1  }
0x23a: {  	s14 =	simm.s32 $0x8800  }
0x23b: {  	[tilespmem:s14], [sflag:$0x1] =	stream.indirect_vreg.gather [hbm4b:s1+s3], $0x80, v4, vm0, $0xb8;
	[tilespmem:$0x16800] =	vst v63  }
0x23c: {  	s14 =	simm.s32 $0x9000  }
0x23d: {  	[tilespmem:s14], [sflag:$0x1] =	stream.indirect_vreg.gather [hbm4b:s1+s3], $0x80, v3, vm0, $0xb8;
	[tilespmem:$0x16800] =	vst v63  }
0x23e: {  	v3 =	vld [tilespmem:s17+$0xFFFFFE80];
	_ =	sdelay $0x4  }
0x23f: {  	v55 =	vperm.xlane v3, v0;
	_ =	sdelay $0x1  }
0x240: {  	v3 =	vperm.xlane v3, v2;
	v4 =	vadd.s32 v1, v55;
	_ =	sdelay $0x1  }
0x241: {  	v3 =	vadd.s32 v1, v3;
	_ =	sdelay $0x1  }
0x242: {  	s14 =	simm.s32 $0x9800  }
0x243: {  	[tilespmem:s14], [sflag:$0x1] =	stream.indirect_vreg.gather [hbm4b:s1+s3], $0x80, v4, vm0, $0xb8;
	[tilespmem:$0x16800] =	vst v63  }
0x244: {  	s14 =	simm.s32 $0xA000  }
0x245: {  	[tilespmem:s14], [sflag:$0x1] =	stream.indirect_vreg.gather [hbm4b:s1+s3], $0x80, v3, vm0, $0xb8;
	[tilespmem:$0x16800] =	vst v63  }
0x246: {  	v3 =	vld [tilespmem:s17+$0xFFFFFE90];
	_ =	sdelay $0x4  }
0x247: {  	v56 =	vperm.xlane v3, v0;
	_ =	sdelay $0x1  }
0x248: {  	v3 =	vperm.xlane v3, v2;
	v4 =	vadd.s32 v1, v56;
	_ =	sdelay $0x1  }
0x249: {  	v3 =	vadd.s32 v1, v3;
	_ =	sdelay $0x1  }
0x24a: {  	s14 =	simm.s32 $0x2C00  }
0x24b: {  	[tilespmem:s14], [sflag:$0x1] =	stream.indirect_vreg.gather [hbm4b:s1+s3], $0x80, v4, vm0, $0xb8;
	[tilespmem:$0x16800] =	vst v63  }
0x24c: {  	s14 =	simm.s32 $0x3400  }
0x24d: {  	[tilespmem:s14], [sflag:$0x1] =	stream.indirect_vreg.gather [hbm4b:s1+s3], $0x80, v3, vm0, $0xb8;
	[tilespmem:$0x16800] =	vst v63  }
0x24e: {  	v3 =	vld [tilespmem:s17+$0xFFFFFEA0];
	_ =	sdelay $0x4  }
0x24f: {  	v57 =	vperm.xlane v3, v0;
	_ =	sdelay $0x1  }
0x250: {  	v3 =	vperm.xlane v3, v2;
	v4 =	vadd.s32 v1, v57;
	_ =	sdelay $0x1  }
0x251: {  	v3 =	vadd.s32 v1, v3;
	_ =	sdelay $0x1  }
0x252: {  	s14 =	simm.s32 $0x3C00  }
0x253: {  	[tilespmem:s14], [sflag:$0x1] =	stream.indirect_vreg.gather [hbm4b:s1+s3], $0x80, v4, vm0, $0xb8;
	[tilespmem:$0x16800] =	vst v63  }
0x254: {  	s14 =	simm.s32 $0x4400  }
0x255: {  	[tilespmem:s14], [sflag:$0x1] =	stream.indirect_vreg.gather [hbm4b:s1+s3], $0x80, v3, vm0, $0xb8;
	[tilespmem:$0x16800] =	vst v63  }
0x256: {  	v3 =	vld [tilespmem:s17+$0xFFFFFEB0];
	_ =	sdelay $0x4  }
0x257: {  	v58 =	vperm.xlane v3, v0;
	_ =	sdelay $0x1  }
0x258: {  	v3 =	vperm.xlane v3, v2;
	v4 =	vadd.s32 v1, v58;
	_ =	sdelay $0x1  }
0x259: {  	v3 =	vadd.s32 v1, v3;
	_ =	sdelay $0x1  }
0x25a: {  	s14 =	simm.s32 $0x4C00  }
0x25b: {  	[tilespmem:s14], [sflag:$0x1] =	stream.indirect_vreg.gather [hbm4b:s1+s3], $0x80, v4, vm0, $0xb8;
	[tilespmem:$0x16800] =	vst v63  }
0x25c: {  	s14 =	simm.s32 $0x5400  }
0x25d: {  	[tilespmem:s14], [sflag:$0x1] =	stream.indirect_vreg.gather [hbm4b:s1+s3], $0x80, v3, vm0, $0xb8;
	[tilespmem:$0x16800] =	vst v63  }
0x25e: {  	v3 =	vld [tilespmem:s17+$0xFFFFFEC0];
	_ =	sdelay $0x4  }
0x25f: {  	v59 =	vperm.xlane v3, v0;
	_ =	sdelay $0x1  }
0x260: {  	v3 =	vperm.xlane v3, v2;
	v4 =	vadd.s32 v1, v59;
	_ =	sdelay $0x1  }
0x261: {  	v3 =	vadd.s32 v1, v3;
	_ =	sdelay $0x1  }
0x262: {  	s14 =	simm.s32 $0x5C00  }
0x263: {  	[tilespmem:s14], [sflag:$0x1] =	stream.indirect_vreg.gather [hbm4b:s1+s3], $0x80, v4, vm0, $0xb8;
	[tilespmem:$0x16800] =	vst v63  }
0x264: {  	s14 =	simm.s32 $0x6400  }
0x265: {  	[tilespmem:s14], [sflag:$0x1] =	stream.indirect_vreg.gather [hbm4b:s1+s3], $0x80, v3, vm0, $0xb8;
	[tilespmem:$0x16800] =	vst v63  }
0x266: {  	v3 =	vld [tilespmem:s17+$0xFFFFFED0];
	_ =	sdelay $0x4  }
0x267: {  	v60 =	vperm.xlane v3, v0;
	_ =	sdelay $0x1  }
0x268: {  	v3 =	vperm.xlane v3, v2;
	v4 =	vadd.s32 v1, v60;
	_ =	sdelay $0x1  }
0x269: {  	v3 =	vadd.s32 v1, v3;
	_ =	sdelay $0x1  }
0x26a: {  	s14 =	simm.s32 $0x6C00  }
0x26b: {  	[tilespmem:s14], [sflag:$0x1] =	stream.indirect_vreg.gather [hbm4b:s1+s3], $0x80, v4, vm0, $0xb8;
	[tilespmem:$0x16800] =	vst v63  }
0x26c: {  	s14 =	simm.s32 $0x7400  }
0x26d: {  	[tilespmem:s14], [sflag:$0x1] =	stream.indirect_vreg.gather [hbm4b:s1+s3], $0x80, v3, vm0, $0xb8;
	[tilespmem:$0x16800] =	vst v63  }
0x26e: {  	v3 =	vld [tilespmem:s17+$0xFFFFFEE0];
	_ =	sdelay $0x4  }
0x26f: {  	v61 =	vperm.xlane v3, v0;
	_ =	sdelay $0x1  }
0x270: {  	v3 =	vperm.xlane v3, v2;
	v4 =	vadd.s32 v1, v61;
	_ =	sdelay $0x1  }
0x271: {  	v3 =	vadd.s32 v1, v3;
	_ =	sdelay $0x1  }
0x272: {  	s14 =	simm.s32 $0x7C00  }
0x273: {  	[tilespmem:s14], [sflag:$0x1] =	stream.indirect_vreg.gather [hbm4b:s1+s3], $0x80, v4, vm0, $0xb8;
	[tilespmem:$0x16800] =	vst v63  }
0x274: {  	s14 =	simm.s32 $0x8400  }
0x275: {  	[tilespmem:s14], [sflag:$0x1] =	stream.indirect_vreg.gather [hbm4b:s1+s3], $0x80, v3, vm0, $0xb8;
	[tilespmem:$0x16800] =	vst v63  }
0x276: {  	v3 =	vld [tilespmem:s17+$0xFFFFFEF0];
	_ =	sdelay $0x4  }
0x277: {  	v62 =	vperm.xlane v3, v0;
	_ =	sdelay $0x1  }
0x278: {  	v3 =	vperm.xlane v3, v2;
	v4 =	vadd.s32 v1, v62;
	_ =	sdelay $0x1  }
0x279: {  	v3 =	vadd.s32 v1, v3;
	_ =	sdelay $0x1  }
0x27a: {  	s14 =	simm.s32 $0x8C00  }
0x27b: {  	[tilespmem:s14], [sflag:$0x1] =	stream.indirect_vreg.gather [hbm4b:s1+s3], $0x80, v4, vm0, $0xb8;
	[tilespmem:$0x16800] =	vst v63  }
0x27c: {  	s14 =	simm.s32 $0x9400  }
0x27d: {  	[tilespmem:s14], [sflag:$0x1] =	stream.indirect_vreg.gather [hbm4b:s1+s3], $0x80, v3, vm0, $0xb8;
	[tilespmem:$0x16800] =	vst v63  }
0x27e: {  	v3 =	vld [tilespmem:s17+$0xFFFFFF00];
	_ =	sdelay $0x4  }
0x27f: {  	v63 =	vperm.xlane v3, v0;
	_ =	sdelay $0x1  }
0x280: {  	v3 =	vperm.xlane v3, v2;
	v4 =	vadd.s32 v1, v63;
	_ =	sdelay $0x1  }
0x281: {  	v3 =	vadd.s32 v1, v3;
	_ =	sdelay $0x1  }
0x282: {  	s14 =	simm.s32 $0x9C00  }
0x283: {  	[tilespmem:s14], [sflag:$0x1] =	stream.indirect_vreg.gather [hbm4b:s1+s3], $0x80, v4, vm0, $0xb8;
	[tilespmem:$0x16800] =	vst v63  }
0x284: {  	_ = 	snop  }
0x285: {  	[tilespmem:s29], [sflag:$0x1] =	stream.indirect_vreg.gather [hbm4b:s1+s3], $0x80, v3, vm0, $0xb8;
	[tilespmem:$0x16800] =	vst v63  }
0x286: {  	_ =	swait.ge [sflag:s31], $0x4000  }
0x287: {  	[sflag:s31] =	ssyncset.done $0x0  }
0x288: {  	[sflag:s31] =	ssyncadd.s32 $0xFFFFC000  }
0x289: {  	_ =	swait.ge [sflag:s31], $0x4000  }
0x28a: {  	p0 =	seq.s32 s24, $0x16000;
	[sflag:s31] =	ssyncset.done $0x0  }
.Ltmp2:
0x28b: {  	s14 =	sadd.s32 s24, s10;
	[sflag:s31] =	ssyncadd.s32 $0xFFFFC000;
	(pc) =	sbr.rel @p0 .LBB2_4-.Ltmp2, $4  }
0x28c: {  	[hbm4b:s14+s3] =	stream.linear.scatter [tilespmem:s30], [sflag:$0x4], $0x8000, $0x38;
	[tilespmem:$0x16800] =	vst v63  }
0x28d: {  	_ =	swait.ge [sflag:s23], $0x8000  }
0x28e: {  	[sflag:s23] =	ssyncset.done $0x0  }
0x28f: {  	[sflag:s23] =	ssyncadd.s32 $0xFFFF8000  }
0x290: {  	v3 =	vld [tilespmem:s17+$0xFFFFFF10];
	_ =	sdelay $0x4  }
0x291: {  	v4 =	vperm.xlane v3, v0;
	_ =	sdelay $0x1  }
0x292: {  	v3 =	vperm.xlane v3, v2;
	v4 =	vadd.s32 v1, v4;
	_ =	sdelay $0x1  }
0x293: {  	v3 =	vadd.s32 v1, v3;
	_ =	sdelay $0x2  }
0x294: {  	[tilespmem:s30], [sflag:$0x2] =	stream.indirect_vreg.gather [hbm4b:s1+s3], $0x80, v4, vm0, $0xb8;
	[tilespmem:$0x16800] =	vst v63  }
0x295: {  	s14 =	simm.s32 $0xB000  }
0x296: {  	[tilespmem:s14], [sflag:$0x2] =	stream.indirect_vreg.gather [hbm4b:s1+s3], $0x80, v3, vm0, $0xb8;
	[tilespmem:$0x16800] =	vst v63  }
0x297: {  	v3 =	vld [tilespmem:s17+$0xFFFFFF20];
	_ =	sdelay $0x4  }
0x298: {  	v49 =	vperm.xlane v3, v0;
	_ =	sdelay $0x1  }
0x299: {  	v3 =	vperm.xlane v3, v2;
	v4 =	vadd.s32 v1, v49;
	_ =	sdelay $0x1  }
0x29a: {  	v3 =	vadd.s32 v1, v3;
	_ =	sdelay $0x1  }
0x29b: {  	s14 =	simm.s32 $0xB800  }
0x29c: {  	[tilespmem:s14], [sflag:$0x2] =	stream.indirect_vreg.gather [hbm4b:s1+s3], $0x80, v4, vm0, $0xb8;
	[tilespmem:$0x16800] =	vst v63  }
0x29d: {  	s14 =	simm.s32 $0xC000  }
0x29e: {  	[tilespmem:s14], [sflag:$0x2] =	stream.indirect_vreg.gather [hbm4b:s1+s3], $0x80, v3, vm0, $0xb8;
	[tilespmem:$0x16800] =	vst v63  }
0x29f: {  	v3 =	vld [tilespmem:s17+$0xFFFFFF30];
	_ =	sdelay $0x4  }
0x2a0: {  	v50 =	vperm.xlane v3, v0;
	_ =	sdelay $0x1  }
0x2a1: {  	v3 =	vperm.xlane v3, v2;
	v4 =	vadd.s32 v1, v50;
	_ =	sdelay $0x1  }
0x2a2: {  	v3 =	vadd.s32 v1, v3;
	_ =	sdelay $0x1  }
0x2a3: {  	s14 =	simm.s32 $0xC800  }
0x2a4: {  	[tilespmem:s14], [sflag:$0x2] =	stream.indirect_vreg.gather [hbm4b:s1+s3], $0x80, v4, vm0, $0xb8;
	[tilespmem:$0x16800] =	vst v63  }
0x2a5: {  	s14 =	simm.s32 $0xD000  }
0x2a6: {  	[tilespmem:s14], [sflag:$0x2] =	stream.indirect_vreg.gather [hbm4b:s1+s3], $0x80, v3, vm0, $0xb8;
	[tilespmem:$0x16800] =	vst v63  }
0x2a7: {  	v3 =	vld [tilespmem:s17+$0xFFFFFF40];
	_ =	sdelay $0x4  }
0x2a8: {  	v51 =	vperm.xlane v3, v0;
	_ =	sdelay $0x1  }
0x2a9: {  	v3 =	vperm.xlane v3, v2;
	v4 =	vadd.s32 v1, v51;
	_ =	sdelay $0x1  }
0x2aa: {  	v3 =	vadd.s32 v1, v3;
	_ =	sdelay $0x1  }
0x2ab: {  	s14 =	simm.s32 $0xD800  }
0x2ac: {  	[tilespmem:s14], [sflag:$0x2] =	stream.indirect_vreg.gather [hbm4b:s1+s3], $0x80, v4, vm0, $0xb8;
	[tilespmem:$0x16800] =	vst v63  }
0x2ad: {  	s14 =	simm.s32 $0xE000  }
0x2ae: {  	[tilespmem:s14], [sflag:$0x2] =	stream.indirect_vreg.gather [hbm4b:s1+s3], $0x80, v3, vm0, $0xb8;
	[tilespmem:$0x16800] =	vst v63  }
0x2af: {  	v3 =	vld [tilespmem:s17+$0xFFFFFF50];
	_ =	sdelay $0x4  }
0x2b0: {  	v52 =	vperm.xlane v3, v0;
	_ =	sdelay $0x1  }
0x2b1: {  	v3 =	vperm.xlane v3, v2;
	v4 =	vadd.s32 v1, v52;
	_ =	sdelay $0x1  }
0x2b2: {  	v3 =	vadd.s32 v1, v3;
	_ =	sdelay $0x1  }
0x2b3: {  	s14 =	simm.s32 $0xE800  }
0x2b4: {  	[tilespmem:s14], [sflag:$0x2] =	stream.indirect_vreg.gather [hbm4b:s1+s3], $0x80, v4, vm0, $0xb8;
	[tilespmem:$0x16800] =	vst v63  }
0x2b5: {  	s14 =	simm.s32 $0xF000  }
0x2b6: {  	[tilespmem:s14], [sflag:$0x2] =	stream.indirect_vreg.gather [hbm4b:s1+s3], $0x80, v3, vm0, $0xb8;
	[tilespmem:$0x16800] =	vst v63  }
0x2b7: {  	v3 =	vld [tilespmem:s17+$0xFFFFFF60];
	_ =	sdelay $0x4  }
0x2b8: {  	v53 =	vperm.xlane v3, v0;
	_ =	sdelay $0x1  }
0x2b9: {  	v3 =	vperm.xlane v3, v2;
	v4 =	vadd.s32 v1, v53;
	_ =	sdelay $0x1  }
0x2ba: {  	v3 =	vadd.s32 v1, v3;
	_ =	sdelay $0x1  }
0x2bb: {  	s14 =	simm.s32 $0xF800  }
0x2bc: {  	[tilespmem:s14], [sflag:$0x2] =	stream.indirect_vreg.gather [hbm4b:s1+s3], $0x80, v4, vm0, $0xb8;
	[tilespmem:$0x16800] =	vst v63  }
0x2bd: {  	s14 =	simm.s32 $0x10000  }
0x2be: {  	[tilespmem:s14], [sflag:$0x2] =	stream.indirect_vreg.gather [hbm4b:s1+s3], $0x80, v3, vm0, $0xb8;
	[tilespmem:$0x16800] =	vst v63  }
0x2bf: {  	v3 =	vld [tilespmem:s17+$0xFFFFFF70];
	_ =	sdelay $0x4  }
0x2c0: {  	v54 =	vperm.xlane v3, v0;
	_ =	sdelay $0x1  }
0x2c1: {  	v3 =	vperm.xlane v3, v2;
	v4 =	vadd.s32 v1, v54;
	_ =	sdelay $0x1  }
0x2c2: {  	v3 =	vadd.s32 v1, v3;
	_ =	sdelay $0x1  }
0x2c3: {  	s14 =	simm.s32 $0x10800  }
0x2c4: {  	[tilespmem:s14], [sflag:$0x2] =	stream.indirect_vreg.gather [hbm4b:s1+s3], $0x80, v4, vm0, $0xb8;
	[tilespmem:$0x16800] =	vst v63  }
0x2c5: {  	s14 =	simm.s32 $0x11000  }
0x2c6: {  	[tilespmem:s14], [sflag:$0x2] =	stream.indirect_vreg.gather [hbm4b:s1+s3], $0x80, v3, vm0, $0xb8;
	[tilespmem:$0x16800] =	vst v63  }
0x2c7: {  	v3 =	vld [tilespmem:s17+$0xFFFFFF80];
	_ =	sdelay $0x4  }
0x2c8: {  	v55 =	vperm.xlane v3, v0;
	_ =	sdelay $0x1  }
0x2c9: {  	v3 =	vperm.xlane v3, v2;
	v4 =	vadd.s32 v1, v55;
	_ =	sdelay $0x1  }
0x2ca: {  	v3 =	vadd.s32 v1, v3;
	_ =	sdelay $0x1  }
0x2cb: {  	s14 =	simm.s32 $0x11800  }
0x2cc: {  	[tilespmem:s14], [sflag:$0x2] =	stream.indirect_vreg.gather [hbm4b:s1+s3], $0x80, v4, vm0, $0xb8;
	[tilespmem:$0x16800] =	vst v63  }
0x2cd: {  	s14 =	simm.s32 $0x12000  }
0x2ce: {  	[tilespmem:s14], [sflag:$0x2] =	stream.indirect_vreg.gather [hbm4b:s1+s3], $0x80, v3, vm0, $0xb8;
	[tilespmem:$0x16800] =	vst v63  }
0x2cf: {  	v3 =	vld [tilespmem:s17+$0xFFFFFF90];
	_ =	sdelay $0x4  }
0x2d0: {  	v56 =	vperm.xlane v3, v0;
	_ =	sdelay $0x1  }
0x2d1: {  	v3 =	vperm.xlane v3, v2;
	v4 =	vadd.s32 v1, v56;
	_ =	sdelay $0x1  }
0x2d2: {  	v3 =	vadd.s32 v1, v3;
	_ =	sdelay $0x1  }
0x2d3: {  	s14 =	simm.s32 $0xAC00  }
0x2d4: {  	[tilespmem:s14], [sflag:$0x2] =	stream.indirect_vreg.gather [hbm4b:s1+s3], $0x80, v4, vm0, $0xb8;
	[tilespmem:$0x16800] =	vst v63  }
0x2d5: {  	s14 =	simm.s32 $0xB400  }
0x2d6: {  	[tilespmem:s14], [sflag:$0x2] =	stream.indirect_vreg.gather [hbm4b:s1+s3], $0x80, v3, vm0, $0xb8;
	[tilespmem:$0x16800] =	vst v63  }
0x2d7: {  	v3 =	vld [tilespmem:s17+$0xFFFFFFA0];
	_ =	sdelay $0x4  }
0x2d8: {  	v57 =	vperm.xlane v3, v0;
	_ =	sdelay $0x1  }
0x2d9: {  	v3 =	vperm.xlane v3, v2;
	v4 =	vadd.s32 v1, v57;
	_ =	sdelay $0x1  }
0x2da: {  	v3 =	vadd.s32 v1, v3;
	_ =	sdelay $0x1  }
0x2db: {  	s14 =	simm.s32 $0xBC00  }
0x2dc: {  	[tilespmem:s14], [sflag:$0x2] =	stream.indirect_vreg.gather [hbm4b:s1+s3], $0x80, v4, vm0, $0xb8;
	[tilespmem:$0x16800] =	vst v63  }
0x2dd: {  	s14 =	simm.s32 $0xC400  }
0x2de: {  	[tilespmem:s14], [sflag:$0x2] =	stream.indirect_vreg.gather [hbm4b:s1+s3], $0x80, v3, vm0, $0xb8;
	[tilespmem:$0x16800] =	vst v63  }
0x2df: {  	v3 =	vld [tilespmem:s17+$0xFFFFFFB0];
	_ =	sdelay $0x4  }
0x2e0: {  	v58 =	vperm.xlane v3, v0;
	_ =	sdelay $0x1  }
0x2e1: {  	v3 =	vperm.xlane v3, v2;
	v4 =	vadd.s32 v1, v58;
	_ =	sdelay $0x1  }
0x2e2: {  	v3 =	vadd.s32 v1, v3;
	_ =	sdelay $0x1  }
0x2e3: {  	s14 =	simm.s32 $0xCC00  }
0x2e4: {  	[tilespmem:s14], [sflag:$0x2] =	stream.indirect_vreg.gather [hbm4b:s1+s3], $0x80, v4, vm0, $0xb8;
	[tilespmem:$0x16800] =	vst v63  }
0x2e5: {  	s14 =	simm.s32 $0xD400  }
0x2e6: {  	[tilespmem:s14], [sflag:$0x2] =	stream.indirect_vreg.gather [hbm4b:s1+s3], $0x80, v3, vm0, $0xb8;
	[tilespmem:$0x16800] =	vst v63  }
0x2e7: {  	v3 =	vld [tilespmem:s17+$0xFFFFFFC0];
	_ =	sdelay $0x4  }
0x2e8: {  	v59 =	vperm.xlane v3, v0;
	_ =	sdelay $0x1  }
0x2e9: {  	v3 =	vperm.xlane v3, v2;
	v4 =	vadd.s32 v1, v59;
	_ =	sdelay $0x1  }
0x2ea: {  	v3 =	vadd.s32 v1, v3;
	_ =	sdelay $0x2  }
0x2eb: {  	[tilespmem:s2], [sflag:$0x2] =	stream.indirect_vreg.gather [hbm4b:s1+s3], $0x80, v4, vm0, $0xb8;
	[tilespmem:$0x16800] =	vst v63  }
0x2ec: {  	_ = 	snop  }
0x2ed: {  	[tilespmem:s9], [sflag:$0x2] =	stream.indirect_vreg.gather [hbm4b:s1+s3], $0x80, v3, vm0, $0xb8;
	[tilespmem:$0x16800] =	vst v63  }
0x2ee: {  	v3 =	vld [tilespmem:s17+$0xFFFFFFD0];
	_ =	sdelay $0x4  }
0x2ef: {  	v60 =	vperm.xlane v3, v0;
	_ =	sdelay $0x1  }
0x2f0: {  	v3 =	vperm.xlane v3, v2;
	v4 =	vadd.s32 v1, v60;
	_ =	sdelay $0x1  }
0x2f1: {  	v3 =	vadd.s32 v1, v3;
	_ =	sdelay $0x2  }
0x2f2: {  	[tilespmem:s16], [sflag:$0x2] =	stream.indirect_vreg.gather [hbm4b:s1+s3], $0x80, v4, vm0, $0xb8;
	[tilespmem:$0x16800] =	vst v63  }
0x2f3: {  	_ = 	snop  }
0x2f4: {  	[tilespmem:s6], [sflag:$0x2] =	stream.indirect_vreg.gather [hbm4b:s1+s3], $0x80, v3, vm0, $0xb8;
	[tilespmem:$0x16800] =	vst v63  }
0x2f5: {  	v3 =	vld [tilespmem:s17+$0xFFFFFFE0];
	_ =	sdelay $0x4  }
0x2f6: {  	v61 =	vperm.xlane v3, v0;
	_ =	sdelay $0x1  }
0x2f7: {  	v3 =	vperm.xlane v3, v2;
	v4 =	vadd.s32 v1, v61;
	_ =	sdelay $0x1  }
0x2f8: {  	v3 =	vadd.s32 v1, v3;
	_ =	sdelay $0x2  }
0x2f9: {  	[tilespmem:s5], [sflag:$0x2] =	stream.indirect_vreg.gather [hbm4b:s1+s3], $0x80, v4, vm0, $0xb8;
	[tilespmem:$0x16800] =	vst v63  }
0x2fa: {  	_ = 	snop  }
0x2fb: {  	[tilespmem:s0], [sflag:$0x2] =	stream.indirect_vreg.gather [hbm4b:s1+s3], $0x80, v3, vm0, $0xb8;
	[tilespmem:$0x16800] =	vst v63  }
0x2fc: {  	v3 =	vld [tilespmem:s17+$0xFFFFFFF0];
	_ =	sdelay $0x4  }
0x2fd: {  	v62 =	vperm.xlane v3, v0;
	_ =	sdelay $0x1  }
0x2fe: {  	v3 =	vperm.xlane v3, v2;
	v4 =	vadd.s32 v1, v62;
	_ =	sdelay $0x1  }
0x2ff: {  	v3 =	vadd.s32 v1, v3;
	_ =	sdelay $0x2  }
0x300: {  	[tilespmem:s13], [sflag:$0x2] =	stream.indirect_vreg.gather [hbm4b:s1+s3], $0x80, v4, vm0, $0xb8;
	[tilespmem:$0x16800] =	vst v63  }
0x301: {  	_ = 	snop  }
0x302: {  	[tilespmem:s15], [sflag:$0x2] =	stream.indirect_vreg.gather [hbm4b:s1+s3], $0x80, v3, vm0, $0xb8;
	[tilespmem:$0x16800] =	vst v63  }
0x303: {  	v3 =	vld [tilespmem:s17+$0x0];
	_ =	sdelay $0x4  }
0x304: {  	v63 =	vperm.xlane v3, v0;
	_ =	sdelay $0x1  }
0x305: {  	v3 =	vperm.xlane v3, v2;
	v4 =	vadd.s32 v1, v63;
	_ =	sdelay $0x1  }
0x306: {  	v3 =	vadd.s32 v1, v3  }
.Ltmp3:
0x307: {  	_ = 	snop;
	(pc) =	sbr.rel .LBB2_2-.Ltmp3, $4  }
0x308: {  	_ = 	snop  }
0x309: {  	[tilespmem:s12], [sflag:$0x2] =	stream.indirect_vreg.gather [hbm4b:s1+s3], $0x80, v4, vm0, $0xb8;
	[tilespmem:$0x16800] =	vst v63  }
0x30a: {  	s24 =	sadd.s32 $0x2000, s24;
	s17 =	sadd.s32 $0x200, s17  }
0x30b: {  	[tilespmem:s20], [sflag:$0x2] =	stream.indirect_vreg.gather [hbm4b:s1+s3], $0x80, v3, vm0, $0xb8;
	[tilespmem:$0x16800] =	vst v63  }
.LBB2_5:
0x30c: {  	_ =	sfence.sel $0x180000  }
0x30d: {  	[bflag:$0x0] =	sbarrier.arrive $0xFFFF  }
0x30e: {  	_ =	strace $0x90000047  }
0x30f: {  	s0 =	stileid.u32;
	[bflag:$0x2] =	sbarrier.arrive $0xFFFF  }
0x310: {  	p0 =	sne.s32 s0, $0x0;
	s0 =	rddreg [dreg:$0x4]  }
0x311: {  	s0 =	sadd.s32 @!p0 $0x100000, s0  }
0x312: {  	[sflag:s0] =	ssyncadd.tile.s32 @!p0 $0x1;
	_ =	shalt  }
.Lfunc_end2:
_tile_overlayer_lowered:
.L_overlay_start_2:
0x313: {  	(tag) =	ssettag $0x2  }
0x314: {  	s0 =	rddreg [dreg:$0x0];
	s2 =	stileid.u32  }
0x315: {  	s1 =	rddreg [dreg:$0x1];
	p0 =	sne.s32 s2, $0x0  }
0x316: {  	s3 =	rddreg [dreg:$0x2];
	[bflag:$0x3] =	sbarrier.arrive $0xFFFF;
	s2 =	simm.s32 @!p0 $0x1C06  }
0x317: {  	[timem:s3], [sflag:s2] =	dma.local @!p0 [hbm:s0], s1  }
0x318: {  	s0 =	simm.s32 @!p0 $0x6  }
0x319: {  	_ =	swait.ge @!p0 [sflag:s0], s1  }
0x31a: {  	s1 =	ssub.s32 @!p0 $0x0, s1;
	[sflag:s0] =	ssyncset.done @!p0 $0x0  }
0x31b: {  	[sflag:s0] =	ssyncadd.s32 @!p0 s1  }
0x31c: {  	[bflag:$0x3] =	sbarrier.arrive $0xFFFF  }
0x31d: {  	_ =	shalt  }

</sc_bundles>
